<compile_context>
chip_gen: v7x
topology: tpu7x:2x2x1
jax: 0.10.2.dev20260603
libtpu: 0.0.44.dev20260713+nightly
codegen_flags: <defaults>
</compile_context>

<pallas_src>
import functools
import math

import jax
import jax.numpy as jnp
from jax import lax
from jax.experimental import pallas as pl
from jax.experimental.pallas import tpu as pltpu
from jax.experimental.pallas import tpu_sc as plsc

_BN_EPS = 1e-5
_INV = 1.0 / math.sqrt(1.0 + _BN_EPS)

_L = 16
_NC = 2
_NS = 16
_NW = _NC * _NS


def _node_mlp_body(x_ref, wt_ref, b_ref, o_ref):
    h = jnp.dot(x_ref[...], wt_ref[...], preferred_element_type=jnp.float32)
    h = h + b_ref[...]
    o_ref[...] = 0.5 * h * (1.0 + lax.erf(h * (1.0 / math.sqrt(2.0))))


def _node_mlp(x, w_t, b, block_rows):
    n, h = x.shape
    grid = n // block_rows
    return pl.pallas_call(
        _node_mlp_body,
        grid=(grid,),
        in_specs=[
            pl.BlockSpec((block_rows, h), lambda i: (i, 0)),
            pl.BlockSpec((h, h), lambda i: (0, 0)),
            pl.BlockSpec((1, h), lambda i: (0, 0)),
        ],
        out_specs=pl.BlockSpec((block_rows, h), lambda i: (i, 0)),
        out_shape=jax.ShapeDtypeStruct((n, h), jnp.float32),
    )(x, w_t, b)


def _sc_edge_body(n_nodes, n_edges, chunk, unroll, src_hbm, dst_hbm, z_hbm,
                  bases_hbm, out_hbm, y_sh,
                  src_a, dst_a, z_a, b_a, src_b, dst_b, z_b, b_b,
                  sem_la, sem_lb, sem_ga, sem_gb, sem_sa, sem_sb):
    cid = lax.axis_index("c")
    sid = lax.axis_index("s")
    wid = sid * _NC + cid

    hb = bases_hbm.shape[1]
    full_stripe = ((n_nodes // _NS) + 7) // 8 * 8
    last_stripe = n_nodes - (_NS - 1) * full_stripe
    epw = n_edges // _NW
    nchunk = epw // chunk
    npairs = (nchunk - 1) // 2

    slot_a = (src_a, dst_a, z_a, b_a, sem_la, sem_ga, sem_sa)
    slot_b = (src_b, dst_b, z_b, b_b, sem_lb, sem_gb, sem_sb)

    def start_lin(slot, base):
        src_v, dst_v, _, brows, sem_l, _, _ = slot
        pltpu.async_copy(src_hbm.at[pl.ds(base, chunk)], src_v, sem_l)
        pltpu.async_copy(dst_hbm.at[pl.ds(base, chunk)], dst_v, sem_l)
        pltpu.async_copy(bases_hbm.at[pl.ds(base, chunk)], brows, sem_l)

    def wait_lin(slot, base):
        src_v, dst_v, _, brows, sem_l, _, _ = slot
        pltpu.make_async_copy(src_hbm.at[pl.ds(base, chunk)], src_v, sem_l).wait()
        pltpu.make_async_copy(dst_hbm.at[pl.ds(base, chunk)], dst_v, sem_l).wait()
        pltpu.make_async_copy(bases_hbm.at[pl.ds(base, chunk)], brows, sem_l).wait()

    def start_gather(slot):
        src_v, _, zrows, _, _, sem_g, _ = slot
        pltpu.async_copy(z_hbm.at[src_v], zrows, sem_g)

    def wait_gather(slot):
        src_v, _, zrows, _, _, sem_g, _ = slot
        pltpu.make_async_copy(z_hbm.at[src_v], zrows, sem_g).wait()

    def mul(slot):
        _, _, zrows, brows, _, _, _ = slot

        @plsc.parallel_loop(0, chunk, unroll=unroll)
        def _mul(i):
            for k in range(hb // _L):
                s = pl.ds(k * _L, _L)
                zrows[i, s] = zrows[i, s] * brows[i, s]

    def start_scat(slot):
        _, dst_v, zrows, _, _, _, sem_s = slot
        pltpu.async_copy(zrows, y_sh.at[dst_v], sem_s, add=True)

    def wait_scat(slot):
        _, dst_v, zrows, _, _, _, sem_s = slot
        pltpu.make_async_copy(zrows, y_sh.at[dst_v], sem_s).wait()

    @plsc.parallel_loop(0, chunk, unroll=unroll)
    def _zp(i):
        for k in range(hb // _L):
            b_a[i, pl.ds(k * _L, _L)] = jnp.zeros((_L,), jnp.float32)

    row0 = sid * full_stripe

    def _load_and_zero(rows):
        nfull, rem = rows // chunk, rows % chunk
        pend = []
        for t in range(nfull):
            dst_v = y_sh.at[pl.ds(row0 + t * chunk, chunk)]
            pltpu.async_copy(b_a, dst_v, sem_sa)
            pend.append((b_a, dst_v))
            if len(pend) == 4:
                for s_v, d_v in pend:
                    pltpu.make_async_copy(s_v, d_v, sem_sa).wait()
                pend = []
        if rem:
            s_v = b_a.at[pl.ds(0, rem)]
            d_v = y_sh.at[pl.ds(row0 + nfull * chunk, rem)]
            pltpu.async_copy(s_v, d_v, sem_sa)
            pend.append((s_v, d_v))
        for s_v, d_v in pend:
            pltpu.make_async_copy(s_v, d_v, sem_sa).wait()

    @pl.when(sid < _NS - 1)
    def _():
        _load_and_zero(full_stripe)

    @pl.when(sid == _NS - 1)
    def _():
        _load_and_zero(last_stripe)

    plsc.subcore_barrier()

    e0 = wid * epw

    start_lin(slot_a, e0)
    wait_lin(slot_a, e0)
    start_gather(slot_a)
    start_lin(slot_b, e0 + chunk)

    def _pair(j, _):
        base_a = e0 + (2 * j) * chunk
        base_b = base_a + chunk
        wait_gather(slot_a)
        wait_lin(slot_b, base_b)

        @pl.when(j > 0)
        def _():
            wait_scat(slot_b)

        start_gather(slot_b)
        mul(slot_a)
        start_scat(slot_a)
        start_lin(slot_a, base_a + 2 * chunk)
        wait_gather(slot_b)
        mul(slot_b)
        start_scat(slot_b)

        @pl.when(j < npairs - 1)
        def _():
            start_lin(slot_b, base_b + 2 * chunk)

        wait_lin(slot_a, base_a + 2 * chunk)
        wait_scat(slot_a)
        start_gather(slot_a)
        return 0

    lax.fori_loop(0, npairs, _pair, 0)
    wait_gather(slot_a)
    wait_scat(slot_b)
    mul(slot_a)
    start_scat(slot_a)
    wait_scat(slot_a)

    plsc.subcore_barrier()

    @pl.when(sid < _NS - 1)
    def _():
        rr = pl.ds(row0, full_stripe)
        pltpu.sync_copy(y_sh.at[rr], out_hbm.at[cid, rr])

    @pl.when(sid == _NS - 1)
    def _():
        rr = pl.ds(row0, last_stripe)
        pltpu.sync_copy(y_sh.at[rr], out_hbm.at[cid, rr])


def _sc_edge(src, dst, z, bases, chunk=80, unroll=8):
    n_nodes, hb = z.shape
    n_edges = src.shape[0]
    assert (n_edges // _NW // chunk) % 2 == 1
    mesh = plsc.VectorSubcoreMesh(core_axis_name="c", subcore_axis_name="s")
    body = functools.partial(_sc_edge_body, n_nodes, n_edges, chunk, unroll)
    idx_t = pltpu.VMEM((chunk,), jnp.int32)
    row_t = pltpu.VMEM((chunk, hb), jnp.float32)
    fn = pl.kernel(
        body,
        out_type=jax.ShapeDtypeStruct((_NC, n_nodes, hb), jnp.float32),
        mesh=mesh,
        scratch_types=[
            pltpu.VMEM_SHARED((n_nodes, hb), jnp.float32),
            idx_t, idx_t, row_t, row_t,
            idx_t, idx_t, row_t, row_t,
            pltpu.SemaphoreType.DMA, pltpu.SemaphoreType.DMA,
            pltpu.SemaphoreType.DMA, pltpu.SemaphoreType.DMA,
            pltpu.SemaphoreType.DMA, pltpu.SemaphoreType.DMA,
        ],
    )
    return fn(src, dst, z, bases)


def _ffn_body(x_ref, y_ref, w1t_ref, b1_ref, g1_ref, be1_ref,
              w2t_ref, b2_ref, g2_ref, be2_ref, o_ref):
    x = x_ref[...] + y_ref[0] + y_ref[1]
    h = jnp.dot(x, w1t_ref[...], preferred_element_type=jnp.float32)
    h = (h + b1_ref[...]) * (g1_ref[...] * _INV) + be1_ref[...]
    h = jnp.maximum(h, 0.0)
    h = jnp.dot(h, w2t_ref[...], preferred_element_type=jnp.float32)
    h = (h + b2_ref[...]) * (g2_ref[...] * _INV) + be2_ref[...]
    h = jnp.maximum(h, 0.0)
    o_ref[...] = x + h


def _ffn(x, y2, w1t, b1, g1, be1, w2t, b2, g2, be2, block_rows):
    n, h = x.shape
    grid = n // block_rows
    row_spec = pl.BlockSpec((block_rows, h), lambda i: (i, 0))
    vec_spec = pl.BlockSpec((1, h), lambda i: (0, 0))
    mat_spec = pl.BlockSpec((h, h), lambda i: (0, 0))
    return pl.pallas_call(
        _ffn_body,
        grid=(grid,),
        in_specs=[
            row_spec,
            pl.BlockSpec((_NC, block_rows, h), lambda i: (0, i, 0)),
            mat_spec, vec_spec, vec_spec, vec_spec,
            mat_spec, vec_spec, vec_spec, vec_spec,
        ],
        out_specs=row_spec,
        out_shape=jax.ShapeDtypeStruct((n, h), jnp.float32),
    )(x, y2, w1t, b1, g1, be1, w2t, b2, g2, be2)


def kernel(edge_index, x_feat, bases, W_pre, b_pre, W1, b1, g1, be1,
           W2, b2, g2, be2):
    n, h = x_feat.shape
    src = edge_index[0].astype(jnp.int32)
    dst = edge_index[1].astype(jnp.int32)
    r = lambda v: v.reshape(1, h)

    z = _node_mlp(x_feat, W_pre.T, r(b_pre), block_rows=2000)
    y2 = _sc_edge(src, dst, z, bases)
    out = _ffn(x_feat, y2, W1.T, r(b1), r(g1), r(be1),
               W2.T, r(b2), r(g2), r(be2), block_rows=2000)
    return out

# --- scband reference (transcript-rebuilt; emitter-appended) ---
"""Pipeline reference for scband-conv-21887153340956 (READ-ONLY COPY).

The authoritative reference and input builder live on the scoring server;
editing this copy changes nothing except your own understanding.
"""

import jax, jax.numpy as jnp
import numpy as np

N = 10000
E = 320000
H = 128
BN_EPS = 1e-5


def setup_inputs(seed: int = 0) -> dict:
    key = jax.random.key(seed)
    ks = jax.random.split(key, 16)
    s = 1.0 / np.sqrt(H)
    def lin_w(k):
        return jax.random.uniform(k, (H, H), minval=-s, maxval=s, dtype=jnp.float32)
    def lin_b(k):
        return jax.random.uniform(k, (H,), minval=-s, maxval=s, dtype=jnp.float32)
    return {
        "edge_index": jax.random.randint(ks[0], (2, E), 0, N),
        "x_feat": jax.random.normal(ks[1], (N, H), dtype=jnp.float32),
        "bases": jax.random.normal(ks[2], (E, H), dtype=jnp.float32),
        "W_pre": lin_w(ks[3]), "b_pre": lin_b(ks[4]),
        "W1": lin_w(ks[5]), "b1": lin_b(ks[6]),
        "g1": jnp.ones((H,), dtype=jnp.float32), "be1": jnp.zeros((H,), dtype=jnp.float32),
        "W2": lin_w(ks[7]), "b2": lin_b(ks[8]),
        "g2": jnp.ones((H,), dtype=jnp.float32), "be2": jnp.zeros((H,), dtype=jnp.float32),
    }


def _batchnorm_eval(h, gamma, beta):
    # BatchNorm1d in eval mode with freshly-initialized running stats:
    # running_mean = 0, running_var = 1
    return (h - 0.0) / jnp.sqrt(1.0 + BN_EPS) * gamma + beta


def reference(edge_index, x_feat, bases, W_pre, b_pre, W1, b1, g1, be1, W2, b2, g2, be2):
    src = edge_index[0]
    dst = edge_index[1]
    # graph.apply_edges(fn.copy_u('x', '_x')) -> gather source node features per edge
    _x = jnp.take(x_feat, src, axis=0)
    # pre_ffn: Linear + GELU (torch GELU default is exact/erf)
    xee = jax.nn.gelu(_x @ W_pre.T + b_pre, approximate=False) * bases
    # update_all(copy_e, sum) -> scatter-add edge messages to destination nodes
    y = jax.ops.segment_sum(xee, dst, num_segments=x_feat.shape[0])
    # preffn_dropout is identity in eval mode
    x = x_feat + y
    # ffn: Linear -> BN -> ReLU -> Linear -> BN -> ReLU
    h = x @ W1.T + b1
    h = _batchnorm_eval(h, g1, be1)
    h = jax.nn.relu(h)
    h = h @ W2.T + b2
    h = _batchnorm_eval(h, g2, be2)
    h = jax.nn.relu(h)
    # ffn_dropout identity in eval mode
    return x + h

if __name__ == "__main__":
    import jax
    _d = setup_inputs()
    print(jax.jit(kernel)(*tuple(_d.values())))

</pallas_src>

<mosaic_0001>
#map = affine_map<(d0, d1) -> (0)>
#map1 = affine_map<(d0, d1) -> (0, 0)>
#map2 = affine_map<(d0, d1) -> (0, 0, 0)>
module attributes {stable_mosaic.version = 14 : i64} {
  func.func @_sc_edge_body(%arg0: i32, %arg1: i32, %arg2: memref<320000xi32, #tpu.memory_space<hbm>>, %arg3: memref<320000xi32, #tpu.memory_space<hbm>>, %arg4: memref<10000x128xf32, #tpu.memory_space<hbm>>, %arg5: memref<320000x128xf32, #tpu.memory_space<hbm>>, %arg6: memref<2x10000x128xf32, #tpu.memory_space<hbm>>, %arg7: memref<10000x128xf32, #tpu.memory_space<vmem_shared>>, %arg8: memref<80xi32, #tpu.memory_space<vmem>>, %arg9: memref<80xi32, #tpu.memory_space<vmem>>, %arg10: memref<80x128xf32, #tpu.memory_space<vmem>>, %arg11: memref<80x128xf32, #tpu.memory_space<vmem>>, %arg12: memref<80xi32, #tpu.memory_space<vmem>>, %arg13: memref<80xi32, #tpu.memory_space<vmem>>, %arg14: memref<80x128xf32, #tpu.memory_space<vmem>>, %arg15: memref<80x128xf32, #tpu.memory_space<vmem>>, %arg16: memref<!tpu.dma_semaphore, #tpu.memory_space<semaphore_mem>>, %arg17: memref<!tpu.dma_semaphore, #tpu.memory_space<semaphore_mem>>, %arg18: memref<!tpu.dma_semaphore, #tpu.memory_space<semaphore_mem>>, %arg19: memref<!tpu.dma_semaphore, #tpu.memory_space<semaphore_mem>>, %arg20: memref<!tpu.dma_semaphore, #tpu.memory_space<semaphore_mem>>, %arg21: memref<!tpu.dma_semaphore, #tpu.memory_space<semaphore_mem>>) attributes {dimension_semantics = [#tpu.dimension_semantics<core_parallel>, #tpu.dimension_semantics<subcore_parallel>], iteration_bounds = array<i64: 2, 16>, scalar_prefetch = 0 : i64, scratch_operands = 15 : i64, tpu.core_type = #tpu.core_type<sc_vector_subcore>, window_params = [{transform_indices = #map}, {transform_indices = #map}, {transform_indices = #map1}, {transform_indices = #map1}, {transform_indices = #map2}]} {
    %mul3A = arith.constant 2 : i32
    %mul3A_0 = arith.muli %arg1, %mul3A : i32
    %add3A = arith.addi %mul3A_0, %arg0 : i32
    %parallel_loop3A = arith.constant 0 : i32
    %parallel_loop3A_1 = arith.constant 80 : i32
    %parallel_loop3A_2 = arith.constant 1 : i32
    scf.for %parallel_loop3A_72 = %parallel_loop3A to %parallel_loop3A_1 step %parallel_loop3A_2  : i32 {
      %parallel_loop3A_73 = arith.constant 0.000000e+00 : f32
      %parallel_loop3A_74 = vector.broadcast %parallel_loop3A_73 : f32 to vector<16xf32>
      %parallel_loop3A_75 = arith.index_cast %parallel_loop3A_72 : i32 to index
      %parallel_loop3A_76 = arith.constant 0 : index
      %parallel_loop3A_77 = tpu.vector_load %arg11[%parallel_loop3A_75, %parallel_loop3A_76] {strides = array<i32>} : memref<80x128xf32, #tpu.memory_space<vmem>>, vector<1x16xf32>,
      %parallel_loop3A_78 = vector.shape_cast %parallel_loop3A_77 : vector<1x16xf32> to vector<16xf32>
      %parallel_loop3A_79 = vector.shape_cast %parallel_loop3A_74 : vector<16xf32> to vector<1x16xf32>
      tpu.vector_store %arg11[%parallel_loop3A_75, %parallel_loop3A_76], %parallel_loop3A_79 {strides = array<i32>} : memref<80x128xf32, #tpu.memory_space<vmem>>, vector<1x16xf32>,
      %parallel_loop3A_80 = arith.constant 0.000000e+00 : f32
      %parallel_loop3A_81 = vector.broadcast %parallel_loop3A_80 : f32 to vector<16xf32>
      %parallel_loop3A_82 = arith.index_cast %parallel_loop3A_72 : i32 to index
      %parallel_loop3A_83 = arith.constant 16 : index
      %parallel_loop3A_84 = tpu.vector_load %arg11[%parallel_loop3A_82, %parallel_loop3A_83] {strides = array<i32>} : memref<80x128xf32, #tpu.memory_space<vmem>>, vector<1x16xf32>,
      %parallel_loop3A_85 = vector.shape_cast %parallel_loop3A_84 : vector<1x16xf32> to vector<16xf32>
      %parallel_loop3A_86 = vector.shape_cast %parallel_loop3A_81 : vector<16xf32> to vector<1x16xf32>
      tpu.vector_store %arg11[%parallel_loop3A_82, %parallel_loop3A_83], %parallel_loop3A_86 {strides = array<i32>} : memref<80x128xf32, #tpu.memory_space<vmem>>, vector<1x16xf32>,
      %parallel_loop3A_87 = arith.constant 0.000000e+00 : f32
      %parallel_loop3A_88 = vector.broadcast %parallel_loop3A_87 : f32 to vector<16xf32>
      %parallel_loop3A_89 = arith.index_cast %parallel_loop3A_72 : i32 to index
      %parallel_loop3A_90 = arith.constant 32 : index
      %parallel_loop3A_91 = tpu.vector_load %arg11[%parallel_loop3A_89, %parallel_loop3A_90] {strides = array<i32>} : memref<80x128xf32, #tpu.memory_space<vmem>>, vector<1x16xf32>,
      %parallel_loop3A_92 = vector.shape_cast %parallel_loop3A_91 : vector<1x16xf32> to vector<16xf32>
      %parallel_loop3A_93 = vector.shape_cast %parallel_loop3A_88 : vector<16xf32> to vector<1x16xf32>
      tpu.vector_store %arg11[%parallel_loop3A_89, %parallel_loop3A_90], %parallel_loop3A_93 {strides = array<i32>} : memref<80x128xf32, #tpu.memory_space<vmem>>, vector<1x16xf32>,
      %parallel_loop3A_94 = arith.constant 0.000000e+00 : f32
      %parallel_loop3A_95 = vector.broadcast %parallel_loop3A_94 : f32 to vector<16xf32>
      %parallel_loop3A_96 = arith.index_cast %parallel_loop3A_72 : i32 to index
      %parallel_loop3A_97 = arith.constant 48 : index
      %parallel_loop3A_98 = tpu.vector_load %arg11[%parallel_loop3A_96, %parallel_loop3A_97] {strides = array<i32>} : memref<80x128xf32, #tpu.memory_space<vmem>>, vector<1x16xf32>,
      %parallel_loop3A_99 = vector.shape_cast %parallel_loop3A_98 : vector<1x16xf32> to vector<16xf32>
      %parallel_loop3A_100 = vector.shape_cast %parallel_loop3A_95 : vector<16xf32> to vector<1x16xf32>
      tpu.vector_store %arg11[%parallel_loop3A_96, %parallel_loop3A_97], %parallel_loop3A_100 {strides = array<i32>} : memref<80x128xf32, #tpu.memory_space<vmem>>, vector<1x16xf32>,
      %parallel_loop3A_101 = arith.constant 0.000000e+00 : f32
      %parallel_loop3A_102 = vector.broadcast %parallel_loop3A_101 : f32 to vector<16xf32>
      %parallel_loop3A_103 = arith.index_cast %parallel_loop3A_72 : i32 to index
      %parallel_loop3A_104 = arith.constant 64 : index
      %parallel_loop3A_105 = tpu.vector_load %arg11[%parallel_loop3A_103, %parallel_loop3A_104] {strides = array<i32>} : memref<80x128xf32, #tpu.memory_space<vmem>>, vector<1x16xf32>,
      %parallel_loop3A_106 = vector.shape_cast %parallel_loop3A_105 : vector<1x16xf32> to vector<16xf32>
      %parallel_loop3A_107 = vector.shape_cast %parallel_loop3A_102 : vector<16xf32> to vector<1x16xf32>
      tpu.vector_store %arg11[%parallel_loop3A_103, %parallel_loop3A_104], %parallel_loop3A_107 {strides = array<i32>} : memref<80x128xf32, #tpu.memory_space<vmem>>, vector<1x16xf32>,
      %parallel_loop3A_108 = arith.constant 0.000000e+00 : f32
      %parallel_loop3A_109 = vector.broadcast %parallel_loop3A_108 : f32 to vector<16xf32>
      %parallel_loop3A_110 = arith.index_cast %parallel_loop3A_72 : i32 to index
      %parallel_loop3A_111 = arith.constant 80 : index
      %parallel_loop3A_112 = tpu.vector_load %arg11[%parallel_loop3A_110, %parallel_loop3A_111] {strides = array<i32>} : memref<80x128xf32, #tpu.memory_space<vmem>>, vector<1x16xf32>,
      %parallel_loop3A_113 = vector.shape_cast %parallel_loop3A_112 : vector<1x16xf32> to vector<16xf32>
      %parallel_loop3A_114 = vector.shape_cast %parallel_loop3A_109 : vector<16xf32> to vector<1x16xf32>
      tpu.vector_store %arg11[%parallel_loop3A_110, %parallel_loop3A_111], %parallel_loop3A_114 {strides = array<i32>} : memref<80x128xf32, #tpu.memory_space<vmem>>, vector<1x16xf32>,
      %parallel_loop3A_115 = arith.constant 0.000000e+00 : f32
      %parallel_loop3A_116 = vector.broadcast %parallel_loop3A_115 : f32 to vector<16xf32>
      %parallel_loop3A_117 = arith.index_cast %parallel_loop3A_72 : i32 to index
      %parallel_loop3A_118 = arith.constant 96 : index
      %parallel_loop3A_119 = tpu.vector_load %arg11[%parallel_loop3A_117, %parallel_loop3A_118] {strides = array<i32>} : memref<80x128xf32, #tpu.memory_space<vmem>>, vector<1x16xf32>,
      %parallel_loop3A_120 = vector.shape_cast %parallel_loop3A_119 : vector<1x16xf32> to vector<16xf32>
      %parallel_loop3A_121 = vector.shape_cast %parallel_loop3A_116 : vector<16xf32> to vector<1x16xf32>
      tpu.vector_store %arg11[%parallel_loop3A_117, %parallel_loop3A_118], %parallel_loop3A_121 {strides = array<i32>} : memref<80x128xf32, #tpu.memory_space<vmem>>, vector<1x16xf32>,
      %parallel_loop3A_122 = arith.constant 0.000000e+00 : f32
      %parallel_loop3A_123 = vector.broadcast %parallel_loop3A_122 : f32 to vector<16xf32>
      %parallel_loop3A_124 = arith.index_cast %parallel_loop3A_72 : i32 to index
      %parallel_loop3A_125 = arith.constant 112 : index
      %parallel_loop3A_126 = tpu.vector_load %arg11[%parallel_loop3A_124, %parallel_loop3A_125] {strides = array<i32>} : memref<80x128xf32, #tpu.memory_space<vmem>>, vector<1x16xf32>,
      %parallel_loop3A_127 = vector.shape_cast %parallel_loop3A_126 : vector<1x16xf32> to vector<16xf32>
      %parallel_loop3A_128 = vector.shape_cast %parallel_loop3A_123 : vector<16xf32> to vector<1x16xf32>
      tpu.vector_store %arg11[%parallel_loop3A_124, %parallel_loop3A_125], %parallel_loop3A_128 {strides = array<i32>} : memref<80x128xf32, #tpu.memory_space<vmem>>, vector<1x16xf32>,
    } {sc.loop_unroll_factor = 8 : i64, sc.parallel_access}
    %mul3A_3 = arith.constant 632 : i32
    %mul3A_4 = arith.muli %arg1, %mul3A_3 : i32
    %lt3A = arith.constant 15 : i32
    %lt3A_5 = arith.cmpi slt, %arg1, %lt3A : i32
    %convert_element_type3A = arith.extui %lt3A_5 : i1 to i32
    %cond3A = arith.constant 0 : i32
    %cond3A_6 = arith.cmpi ne, %convert_element_type3A, %cond3A : i32
    scf.if %cond3A_6 {
      %add3A_72 = arith.constant 0 : i32
      %add3A_73 = arith.addi %mul3A_4, %add3A_72 : i32
      %dma_start3A_74 = arith.constant 0 : i32
      %dma_start3A_75 = tpu.memref_slice %arg7[%add3A_73, %dma_start3A_74] : memref<10000x128xf32, #tpu.memory_space<vmem_shared>> -> memref<80x128xf32, #tpu.memory_space<vmem_shared>>
      %dma_start3A_76 = arith.constant 0 : i32
      %dma_start3A_77 = tpu.memref_slice %arg7[%add3A_73, %dma_start3A_76] : memref<10000x128xf32, #tpu.memory_space<vmem_shared>> -> memref<80x128xf32, #tpu.memory_space<vmem_shared>>
      tpu.enqueue_dma source(%arg11 : memref<80x128xf32, #tpu.memory_space<vmem>>) target(%dma_start3A_77 : memref<80x128xf32, #tpu.memory_space<vmem_shared>>) target_semaphore(%arg20 : memref<!tpu.dma_semaphore, #tpu.memory_space<semaphore_mem>>)
      %add3A_78 = arith.constant 80 : i32
      %add3A_79 = arith.addi %mul3A_4, %add3A_78 : i32
      %dma_start3A_80 = arith.constant 0 : i32
      %dma_start3A_81 = tpu.memref_slice %arg7[%add3A_79, %dma_start3A_80] : memref<10000x128xf32, #tpu.memory_space<vmem_shared>> -> memref<80x128xf32, #tpu.memory_space<vmem_shared>>
      %dma_start3A_82 = arith.constant 0 : i32
      %dma_start3A_83 = tpu.memref_slice %arg7[%add3A_79, %dma_start3A_82] : memref<10000x128xf32, #tpu.memory_space<vmem_shared>> -> memref<80x128xf32, #tpu.memory_space<vmem_shared>>
      tpu.enqueue_dma source(%arg11 : memref<80x128xf32, #tpu.memory_space<vmem>>) target(%dma_start3A_83 : memref<80x128xf32, #tpu.memory_space<vmem_shared>>) target_semaphore(%arg20 : memref<!tpu.dma_semaphore, #tpu.memory_space<semaphore_mem>>)
      %add3A_84 = arith.constant 160 : i32
      %add3A_85 = arith.addi %mul3A_4, %add3A_84 : i32
      %dma_start3A_86 = arith.constant 0 : i32
      %dma_start3A_87 = tpu.memref_slice %arg7[%add3A_85, %dma_start3A_86] : memref<10000x128xf32, #tpu.memory_space<vmem_shared>> -> memref<80x128xf32, #tpu.memory_space<vmem_shared>>
      %dma_start3A_88 = arith.constant 0 : i32
      %dma_start3A_89 = tpu.memref_slice %arg7[%add3A_85, %dma_start3A_88] : memref<10000x128xf32, #tpu.memory_space<vmem_shared>> -> memref<80x128xf32, #tpu.memory_space<vmem_shared>>
      tpu.enqueue_dma source(%arg11 : memref<80x128xf32, #tpu.memory_space<vmem>>) target(%dma_start3A_89 : memref<80x128xf32, #tpu.memory_space<vmem_shared>>) target_semaphore(%arg20 : memref<!tpu.dma_semaphore, #tpu.memory_space<semaphore_mem>>)
      %add3A_90 = arith.constant 240 : i32
      %add3A_91 = arith.addi %mul3A_4, %add3A_90 : i32
      %dma_start3A_92 = arith.constant 0 : i32
      %dma_start3A_93 = tpu.memref_slice %arg7[%add3A_91, %dma_start3A_92] : memref<10000x128xf32, #tpu.memory_space<vmem_shared>> -> memref<80x128xf32, #tpu.memory_space<vmem_shared>>
      %dma_start3A_94 = arith.constant 0 : i32
      %dma_start3A_95 = tpu.memref_slice %arg7[%add3A_91, %dma_start3A_94] : memref<10000x128xf32, #tpu.memory_space<vmem_shared>> -> memref<80x128xf32, #tpu.memory_space<vmem_shared>>
      tpu.enqueue_dma source(%arg11 : memref<80x128xf32, #tpu.memory_space<vmem>>) target(%dma_start3A_95 : memref<80x128xf32, #tpu.memory_space<vmem_shared>>) target_semaphore(%arg20 : memref<!tpu.dma_semaphore, #tpu.memory_space<semaphore_mem>>)
      %dma_wait3A_96 = arith.constant 0 : i32
      %dma_wait3A_97 = tpu.memref_slice %arg7[%add3A_73, %dma_wait3A_96] : memref<10000x128xf32, #tpu.memory_space<vmem_shared>> -> memref<80x128xf32, #tpu.memory_space<vmem_shared>>
      %dma_wait3A_98 = arith.constant 0 : i32
      %dma_wait3A_99 = tpu.memref_slice %arg7[%add3A_73, %dma_wait3A_98] : memref<10000x128xf32, #tpu.memory_space<vmem_shared>> -> memref<80x128xf32, #tpu.memory_space<vmem_shared>>
      tpu.wait_dma2 semaphore(%arg20 : memref<!tpu.dma_semaphore, #tpu.memory_space<semaphore_mem>>) src(%arg11 : memref<80x128xf32, #tpu.memory_space<vmem>>) dst(%dma_wait3A_99 : memref<80x128xf32, #tpu.memory_space<vmem_shared>>)
      %dma_wait3A_100 = arith.constant 0 : i32
      %dma_wait3A_101 = tpu.memref_slice %arg7[%add3A_79, %dma_wait3A_100] : memref<10000x128xf32, #tpu.memory_space<vmem_shared>> -> memref<80x128xf32, #tpu.memory_space<vmem_shared>>
      %dma_wait3A_102 = arith.constant 0 : i32
      %dma_wait3A_103 = tpu.memref_slice %arg7[%add3A_79, %dma_wait3A_102] : memref<10000x128xf32, #tpu.memory_space<vmem_shared>> -> memref<80x128xf32, #tpu.memory_space<vmem_shared>>
      tpu.wait_dma2 semaphore(%arg20 : memref<!tpu.dma_semaphore, #tpu.memory_space<semaphore_mem>>) src(%arg11 : memref<80x128xf32, #tpu.memory_space<vmem>>) dst(%dma_wait3A_103 : memref<80x128xf32, #tpu.memory_space<vmem_shared>>)
      %dma_wait3A_104 = arith.constant 0 : i32
      %dma_wait3A_105 = tpu.memref_slice %arg7[%add3A_85, %dma_wait3A_104] : memref<10000x128xf32, #tpu.memory_space<vmem_shared>> -> memref<80x128xf32, #tpu.memory_space<vmem_shared>>
      %dma_wait3A_106 = arith.constant 0 : i32
      %dma_wait3A_107 = tpu.memref_slice %arg7[%add3A_85, %dma_wait3A_106] : memref<10000x128xf32, #tpu.memory_space<vmem_shared>> -> memref<80x128xf32, #tpu.memory_space<vmem_shared>>
      tpu.wait_dma2 semaphore(%arg20 : memref<!tpu.dma_semaphore, #tpu.memory_space<semaphore_mem>>) src(%arg11 : memref<80x128xf32, #tpu.memory_space<vmem>>) dst(%dma_wait3A_107 : memref<80x128xf32, #tpu.memory_space<vmem_shared>>)
      %dma_wait3A_108 = arith.constant 0 : i32
      %dma_wait3A_109 = tpu.memref_slice %arg7[%add3A_91, %dma_wait3A_108] : memref<10000x128xf32, #tpu.memory_space<vmem_shared>> -> memref<80x128xf32, #tpu.memory_space<vmem_shared>>
      %dma_wait3A_110 = arith.constant 0 : i32
      %dma_wait3A_111 = tpu.memref_slice %arg7[%add3A_91, %dma_wait3A_110] : memref<10000x128xf32, #tpu.memory_space<vmem_shared>> -> memref<80x128xf32, #tpu.memory_space<vmem_shared>>
      tpu.wait_dma2 semaphore(%arg20 : memref<!tpu.dma_semaphore, #tpu.memory_space<semaphore_mem>>) src(%arg11 : memref<80x128xf32, #tpu.memory_space<vmem>>) dst(%dma_wait3A_111 : memref<80x128xf32, #tpu.memory_space<vmem_shared>>)
      %add3A_112 = arith.constant 320 : i32
      %add3A_113 = arith.addi %mul3A_4, %add3A_112 : i32
      %dma_start3A_114 = arith.constant 0 : i32
      %dma_start3A_115 = tpu.memref_slice %arg7[%add3A_113, %dma_start3A_114] : memref<10000x128xf32, #tpu.memory_space<vmem_shared>> -> memref<80x128xf32, #tpu.memory_space<vmem_shared>>
      %dma_start3A_116 = arith.constant 0 : i32
      %dma_start3A_117 = tpu.memref_slice %arg7[%add3A_113, %dma_start3A_116] : memref<10000x128xf32, #tpu.memory_space<vmem_shared>> -> memref<80x128xf32, #tpu.memory_space<vmem_shared>>
      tpu.enqueue_dma source(%arg11 : memref<80x128xf32, #tpu.memory_space<vmem>>) target(%dma_start3A_117 : memref<80x128xf32, #tpu.memory_space<vmem_shared>>) target_semaphore(%arg20 : memref<!tpu.dma_semaphore, #tpu.memory_space<semaphore_mem>>)
      %add3A_118 = arith.constant 400 : i32
      %add3A_119 = arith.addi %mul3A_4, %add3A_118 : i32
      %dma_start3A_120 = arith.constant 0 : i32
      %dma_start3A_121 = tpu.memref_slice %arg7[%add3A_119, %dma_start3A_120] : memref<10000x128xf32, #tpu.memory_space<vmem_shared>> -> memref<80x128xf32, #tpu.memory_space<vmem_shared>>
      %dma_start3A_122 = arith.constant 0 : i32
      %dma_start3A_123 = tpu.memref_slice %arg7[%add3A_119, %dma_start3A_122] : memref<10000x128xf32, #tpu.memory_space<vmem_shared>> -> memref<80x128xf32, #tpu.memory_space<vmem_shared>>
      tpu.enqueue_dma source(%arg11 : memref<80x128xf32, #tpu.memory_space<vmem>>) target(%dma_start3A_123 : memref<80x128xf32, #tpu.memory_space<vmem_shared>>) target_semaphore(%arg20 : memref<!tpu.dma_semaphore, #tpu.memory_space<semaphore_mem>>)
      %add3A_124 = arith.constant 480 : i32
      %add3A_125 = arith.addi %mul3A_4, %add3A_124 : i32
      %dma_start3A_126 = arith.constant 0 : i32
      %dma_start3A_127 = tpu.memref_slice %arg7[%add3A_125, %dma_start3A_126] : memref<10000x128xf32, #tpu.memory_space<vmem_shared>> -> memref<80x128xf32, #tpu.memory_space<vmem_shared>>
      %dma_start3A_128 = arith.constant 0 : i32
      %dma_start3A_129 = tpu.memref_slice %arg7[%add3A_125, %dma_start3A_128] : memref<10000x128xf32, #tpu.memory_space<vmem_shared>> -> memref<80x128xf32, #tpu.memory_space<vmem_shared>>
      tpu.enqueue_dma source(%arg11 : memref<80x128xf32, #tpu.memory_space<vmem>>) target(%dma_start3A_129 : memref<80x128xf32, #tpu.memory_space<vmem_shared>>) target_semaphore(%arg20 : memref<!tpu.dma_semaphore, #tpu.memory_space<semaphore_mem>>)
      %add3A_130 = arith.constant 560 : i32
      %add3A_131 = arith.addi %mul3A_4, %add3A_130 : i32
      %dma_start3A_132 = arith.constant 0 : i32
      %dma_start3A_133 = arith.constant 0 : i32
      %dma_start3A_134 = tpu.memref_slice %arg11[%dma_start3A_132, %dma_start3A_133] : memref<80x128xf32, #tpu.memory_space<vmem>> -> memref<72x128xf32, #tpu.memory_space<vmem>>
      %dma_start3A_135 = arith.constant 0 : i32
      %dma_start3A_136 = tpu.memref_slice %arg7[%add3A_131, %dma_start3A_135] : memref<10000x128xf32, #tpu.memory_space<vmem_shared>> -> memref<72x128xf32, #tpu.memory_space<vmem_shared>>
      %dma_start3A_137 = arith.constant 0 : i32
      %dma_start3A_138 = tpu.memref_slice %arg7[%add3A_131, %dma_start3A_137] : memref<10000x128xf32, #tpu.memory_space<vmem_shared>> -> memref<72x128xf32, #tpu.memory_space<vmem_shared>>
      %dma_start3A_139 = arith.constant 0 : i32
      %dma_start3A_140 = arith.constant 0 : i32
      %dma_start3A_141 = tpu.memref_slice %arg11[%dma_start3A_139, %dma_start3A_140] : memref<80x128xf32, #tpu.memory_space<vmem>> -> memref<72x128xf32, #tpu.memory_space<vmem>>
      tpu.enqueue_dma source(%dma_start3A_141 : memref<72x128xf32, #tpu.memory_space<vmem>>) target(%dma_start3A_138 : memref<72x128xf32, #tpu.memory_space<vmem_shared>>) target_semaphore(%arg20 : memref<!tpu.dma_semaphore, #tpu.memory_space<semaphore_mem>>)
      %dma_wait3A_142 = arith.constant 0 : i32
      %dma_wait3A_143 = tpu.memref_slice %arg7[%add3A_113, %dma_wait3A_142] : memref<10000x128xf32, #tpu.memory_space<vmem_shared>> -> memref<80x128xf32, #tpu.memory_space<vmem_shared>>
      %dma_wait3A_144 = arith.constant 0 : i32
      %dma_wait3A_145 = tpu.memref_slice %arg7[%add3A_113, %dma_wait3A_144] : memref<10000x128xf32, #tpu.memory_space<vmem_shared>> -> memref<80x128xf32, #tpu.memory_space<vmem_shared>>
      tpu.wait_dma2 semaphore(%arg20 : memref<!tpu.dma_semaphore, #tpu.memory_space<semaphore_mem>>) src(%arg11 : memref<80x128xf32, #tpu.memory_space<vmem>>) dst(%dma_wait3A_145 : memref<80x128xf32, #tpu.memory_space<vmem_shared>>)
      %dma_wait3A_146 = arith.constant 0 : i32
      %dma_wait3A_147 = tpu.memref_slice %arg7[%add3A_119, %dma_wait3A_146] : memref<10000x128xf32, #tpu.memory_space<vmem_shared>> -> memref<80x128xf32, #tpu.memory_space<vmem_shared>>
      %dma_wait3A_148 = arith.constant 0 : i32
      %dma_wait3A_149 = tpu.memref_slice %arg7[%add3A_119, %dma_wait3A_148] : memref<10000x128xf32, #tpu.memory_space<vmem_shared>> -> memref<80x128xf32, #tpu.memory_space<vmem_shared>>
      tpu.wait_dma2 semaphore(%arg20 : memref<!tpu.dma_semaphore, #tpu.memory_space<semaphore_mem>>) src(%arg11 : memref<80x128xf32, #tpu.memory_space<vmem>>) dst(%dma_wait3A_149 : memref<80x128xf32, #tpu.memory_space<vmem_shared>>)
      %dma_wait3A_150 = arith.constant 0 : i32
      %dma_wait3A_151 = tpu.memref_slice %arg7[%add3A_125, %dma_wait3A_150] : memref<10000x128xf32, #tpu.memory_space<vmem_shared>> -> memref<80x128xf32, #tpu.memory_space<vmem_shared>>
      %dma_wait3A_152 = arith.constant 0 : i32
      %dma_wait3A_153 = tpu.memref_slice %arg7[%add3A_125, %dma_wait3A_152] : memref<10000x128xf32, #tpu.memory_space<vmem_shared>> -> memref<80x128xf32, #tpu.memory_space<vmem_shared>>
      tpu.wait_dma2 semaphore(%arg20 : memref<!tpu.dma_semaphore, #tpu.memory_space<semaphore_mem>>) src(%arg11 : memref<80x128xf32, #tpu.memory_space<vmem>>) dst(%dma_wait3A_153 : memref<80x128xf32, #tpu.memory_space<vmem_shared>>)
      %dma_wait3A_154 = arith.constant 0 : i32
      %dma_wait3A_155 = arith.constant 0 : i32
      %dma_wait3A_156 = tpu.memref_slice %arg11[%dma_wait3A_154, %dma_wait3A_155] : memref<80x128xf32, #tpu.memory_space<vmem>> -> memref<72x128xf32, #tpu.memory_space<vmem>>
      %dma_wait3A_157 = arith.constant 0 : i32
      %dma_wait3A_158 = tpu.memref_slice %arg7[%add3A_131, %dma_wait3A_157] : memref<10000x128xf32, #tpu.memory_space<vmem_shared>> -> memref<72x128xf32, #tpu.memory_space<vmem_shared>>
      %dma_wait3A_159 = arith.constant 0 : i32
      %dma_wait3A_160 = tpu.memref_slice %arg7[%add3A_131, %dma_wait3A_159] : memref<10000x128xf32, #tpu.memory_space<vmem_shared>> -> memref<72x128xf32, #tpu.memory_space<vmem_shared>>
      %dma_wait3A_161 = arith.constant 0 : i32
      %dma_wait3A_162 = arith.constant 0 : i32
      %dma_wait3A_163 = tpu.memref_slice %arg11[%dma_wait3A_161, %dma_wait3A_162] : memref<80x128xf32, #tpu.memory_space<vmem>> -> memref<72x128xf32, #tpu.memory_space<vmem>>
      tpu.wait_dma2 semaphore(%arg20 : memref<!tpu.dma_semaphore, #tpu.memory_space<semaphore_mem>>) src(%dma_wait3A_163 : memref<72x128xf32, #tpu.memory_space<vmem>>) dst(%dma_wait3A_160 : memref<72x128xf32, #tpu.memory_space<vmem_shared>>)
    } else {
    }
    %eq3A = arith.constant 15 : i32
    %eq3A_7 = arith.cmpi eq, %arg1, %eq3A : i32
    %convert_element_type3A_8 = arith.extui %eq3A_7 : i1 to i32
    %cond3A_9 = arith.constant 0 : i32
    %cond3A_10 = arith.cmpi ne, %convert_element_type3A_8, %cond3A_9 : i32
    scf.if %cond3A_10 {
      %add3A_72 = arith.constant 0 : i32
      %add3A_73 = arith.addi %mul3A_4, %add3A_72 : i32
      %dma_start3A_74 = arith.constant 0 : i32
      %dma_start3A_75 = tpu.memref_slice %arg7[%add3A_73, %dma_start3A_74] : memref<10000x128xf32, #tpu.memory_space<vmem_shared>> -> memref<80x128xf32, #tpu.memory_space<vmem_shared>>
      %dma_start3A_76 = arith.constant 0 : i32
      %dma_start3A_77 = tpu.memref_slice %arg7[%add3A_73, %dma_start3A_76] : memref<10000x128xf32, #tpu.memory_space<vmem_shared>> -> memref<80x128xf32, #tpu.memory_space<vmem_shared>>
      tpu.enqueue_dma source(%arg11 : memref<80x128xf32, #tpu.memory_space<vmem>>) target(%dma_start3A_77 : memref<80x128xf32, #tpu.memory_space<vmem_shared>>) target_semaphore(%arg20 : memref<!tpu.dma_semaphore, #tpu.memory_space<semaphore_mem>>)
      %add3A_78 = arith.constant 80 : i32
      %add3A_79 = arith.addi %mul3A_4, %add3A_78 : i32
      %dma_start3A_80 = arith.constant 0 : i32
      %dma_start3A_81 = tpu.memref_slice %arg7[%add3A_79, %dma_start3A_80] : memref<10000x128xf32, #tpu.memory_space<vmem_shared>> -> memref<80x128xf32, #tpu.memory_space<vmem_shared>>
      %dma_start3A_82 = arith.constant 0 : i32
      %dma_start3A_83 = tpu.memref_slice %arg7[%add3A_79, %dma_start3A_82] : memref<10000x128xf32, #tpu.memory_space<vmem_shared>> -> memref<80x128xf32, #tpu.memory_space<vmem_shared>>
      tpu.enqueue_dma source(%arg11 : memref<80x128xf32, #tpu.memory_space<vmem>>) target(%dma_start3A_83 : memref<80x128xf32, #tpu.memory_space<vmem_shared>>) target_semaphore(%arg20 : memref<!tpu.dma_semaphore, #tpu.memory_space<semaphore_mem>>)
      %add3A_84 = arith.constant 160 : i32
      %add3A_85 = arith.addi %mul3A_4, %add3A_84 : i32
      %dma_start3A_86 = arith.constant 0 : i32
      %dma_start3A_87 = tpu.memref_slice %arg7[%add3A_85, %dma_start3A_86] : memref<10000x128xf32, #tpu.memory_space<vmem_shared>> -> memref<80x128xf32, #tpu.memory_space<vmem_shared>>
      %dma_start3A_88 = arith.constant 0 : i32
      %dma_start3A_89 = tpu.memref_slice %arg7[%add3A_85, %dma_start3A_88] : memref<10000x128xf32, #tpu.memory_space<vmem_shared>> -> memref<80x128xf32, #tpu.memory_space<vmem_shared>>
      tpu.enqueue_dma source(%arg11 : memref<80x128xf32, #tpu.memory_space<vmem>>) target(%dma_start3A_89 : memref<80x128xf32, #tpu.memory_space<vmem_shared>>) target_semaphore(%arg20 : memref<!tpu.dma_semaphore, #tpu.memory_space<semaphore_mem>>)
      %add3A_90 = arith.constant 240 : i32
      %add3A_91 = arith.addi %mul3A_4, %add3A_90 : i32
      %dma_start3A_92 = arith.constant 0 : i32
      %dma_start3A_93 = tpu.memref_slice %arg7[%add3A_91, %dma_start3A_92] : memref<10000x128xf32, #tpu.memory_space<vmem_shared>> -> memref<80x128xf32, #tpu.memory_space<vmem_shared>>
      %dma_start3A_94 = arith.constant 0 : i32
      %dma_start3A_95 = tpu.memref_slice %arg7[%add3A_91, %dma_start3A_94] : memref<10000x128xf32, #tpu.memory_space<vmem_shared>> -> memref<80x128xf32, #tpu.memory_space<vmem_shared>>
      tpu.enqueue_dma source(%arg11 : memref<80x128xf32, #tpu.memory_space<vmem>>) target(%dma_start3A_95 : memref<80x128xf32, #tpu.memory_space<vmem_shared>>) target_semaphore(%arg20 : memref<!tpu.dma_semaphore, #tpu.memory_space<semaphore_mem>>)
      %dma_wait3A_96 = arith.constant 0 : i32
      %dma_wait3A_97 = tpu.memref_slice %arg7[%add3A_73, %dma_wait3A_96] : memref<10000x128xf32, #tpu.memory_space<vmem_shared>> -> memref<80x128xf32, #tpu.memory_space<vmem_shared>>
      %dma_wait3A_98 = arith.constant 0 : i32
      %dma_wait3A_99 = tpu.memref_slice %arg7[%add3A_73, %dma_wait3A_98] : memref<10000x128xf32, #tpu.memory_space<vmem_shared>> -> memref<80x128xf32, #tpu.memory_space<vmem_shared>>
      tpu.wait_dma2 semaphore(%arg20 : memref<!tpu.dma_semaphore, #tpu.memory_space<semaphore_mem>>) src(%arg11 : memref<80x128xf32, #tpu.memory_space<vmem>>) dst(%dma_wait3A_99 : memref<80x128xf32, #tpu.memory_space<vmem_shared>>)
      %dma_wait3A_100 = arith.constant 0 : i32
      %dma_wait3A_101 = tpu.memref_slice %arg7[%add3A_79, %dma_wait3A_100] : memref<10000x128xf32, #tpu.memory_space<vmem_shared>> -> memref<80x128xf32, #tpu.memory_space<vmem_shared>>
      %dma_wait3A_102 = arith.constant 0 : i32
      %dma_wait3A_103 = tpu.memref_slice %arg7[%add3A_79, %dma_wait3A_102] : memref<10000x128xf32, #tpu.memory_space<vmem_shared>> -> memref<80x128xf32, #tpu.memory_space<vmem_shared>>
      tpu.wait_dma2 semaphore(%arg20 : memref<!tpu.dma_semaphore, #tpu.memory_space<semaphore_mem>>) src(%arg11 : memref<80x128xf32, #tpu.memory_space<vmem>>) dst(%dma_wait3A_103 : memref<80x128xf32, #tpu.memory_space<vmem_shared>>)
      %dma_wait3A_104 = arith.constant 0 : i32
      %dma_wait3A_105 = tpu.memref_slice %arg7[%add3A_85, %dma_wait3A_104] : memref<10000x128xf32, #tpu.memory_space<vmem_shared>> -> memref<80x128xf32, #tpu.memory_space<vmem_shared>>
      %dma_wait3A_106 = arith.constant 0 : i32
      %dma_wait3A_107 = tpu.memref_slice %arg7[%add3A_85, %dma_wait3A_106] : memref<10000x128xf32, #tpu.memory_space<vmem_shared>> -> memref<80x128xf32, #tpu.memory_space<vmem_shared>>
      tpu.wait_dma2 semaphore(%arg20 : memref<!tpu.dma_semaphore, #tpu.memory_space<semaphore_mem>>) src(%arg11 : memref<80x128xf32, #tpu.memory_space<vmem>>) dst(%dma_wait3A_107 : memref<80x128xf32, #tpu.memory_space<vmem_shared>>)
      %dma_wait3A_108 = arith.constant 0 : i32
      %dma_wait3A_109 = tpu.memref_slice %arg7[%add3A_91, %dma_wait3A_108] : memref<10000x128xf32, #tpu.memory_space<vmem_shared>> -> memref<80x128xf32, #tpu.memory_space<vmem_shared>>
      %dma_wait3A_110 = arith.constant 0 : i32
      %dma_wait3A_111 = tpu.memref_slice %arg7[%add3A_91, %dma_wait3A_110] : memref<10000x128xf32, #tpu.memory_space<vmem_shared>> -> memref<80x128xf32, #tpu.memory_space<vmem_shared>>
      tpu.wait_dma2 semaphore(%arg20 : memref<!tpu.dma_semaphore, #tpu.memory_space<semaphore_mem>>) src(%arg11 : memref<80x128xf32, #tpu.memory_space<vmem>>) dst(%dma_wait3A_111 : memref<80x128xf32, #tpu.memory_space<vmem_shared>>)
      %add3A_112 = arith.constant 320 : i32
      %add3A_113 = arith.addi %mul3A_4, %add3A_112 : i32
      %dma_start3A_114 = arith.constant 0 : i32
      %dma_start3A_115 = tpu.memref_slice %arg7[%add3A_113, %dma_start3A_114] : memref<10000x128xf32, #tpu.memory_space<vmem_shared>> -> memref<80x128xf32, #tpu.memory_space<vmem_shared>>
      %dma_start3A_116 = arith.constant 0 : i32
      %dma_start3A_117 = tpu.memref_slice %arg7[%add3A_113, %dma_start3A_116] : memref<10000x128xf32, #tpu.memory_space<vmem_shared>> -> memref<80x128xf32, #tpu.memory_space<vmem_shared>>
      tpu.enqueue_dma source(%arg11 : memref<80x128xf32, #tpu.memory_space<vmem>>) target(%dma_start3A_117 : memref<80x128xf32, #tpu.memory_space<vmem_shared>>) target_semaphore(%arg20 : memref<!tpu.dma_semaphore, #tpu.memory_space<semaphore_mem>>)
      %add3A_118 = arith.constant 400 : i32
      %add3A_119 = arith.addi %mul3A_4, %add3A_118 : i32
      %dma_start3A_120 = arith.constant 0 : i32
      %dma_start3A_121 = tpu.memref_slice %arg7[%add3A_119, %dma_start3A_120] : memref<10000x128xf32, #tpu.memory_space<vmem_shared>> -> memref<80x128xf32, #tpu.memory_space<vmem_shared>>
      %dma_start3A_122 = arith.constant 0 : i32
      %dma_start3A_123 = tpu.memref_slice %arg7[%add3A_119, %dma_start3A_122] : memref<10000x128xf32, #tpu.memory_space<vmem_shared>> -> memref<80x128xf32, #tpu.memory_space<vmem_shared>>
      tpu.enqueue_dma source(%arg11 : memref<80x128xf32, #tpu.memory_space<vmem>>) target(%dma_start3A_123 : memref<80x128xf32, #tpu.memory_space<vmem_shared>>) target_semaphore(%arg20 : memref<!tpu.dma_semaphore, #tpu.memory_space<semaphore_mem>>)
      %add3A_124 = arith.constant 480 : i32
      %add3A_125 = arith.addi %mul3A_4, %add3A_124 : i32
      %dma_start3A_126 = arith.constant 0 : i32
      %dma_start3A_127 = arith.constant 0 : i32
      %dma_start3A_128 = tpu.memref_slice %arg11[%dma_start3A_126, %dma_start3A_127] : memref<80x128xf32, #tpu.memory_space<vmem>> -> memref<40x128xf32, #tpu.memory_space<vmem>>
      %dma_start3A_129 = arith.constant 0 : i32
      %dma_start3A_130 = tpu.memref_slice %arg7[%add3A_125, %dma_start3A_129] : memref<10000x128xf32, #tpu.memory_space<vmem_shared>> -> memref<40x128xf32, #tpu.memory_space<vmem_shared>>
      %dma_start3A_131 = arith.constant 0 : i32
      %dma_start3A_132 = tpu.memref_slice %arg7[%add3A_125, %dma_start3A_131] : memref<10000x128xf32, #tpu.memory_space<vmem_shared>> -> memref<40x128xf32, #tpu.memory_space<vmem_shared>>
      %dma_start3A_133 = arith.constant 0 : i32
      %dma_start3A_134 = arith.constant 0 : i32
      %dma_start3A_135 = tpu.memref_slice %arg11[%dma_start3A_133, %dma_start3A_134] : memref<80x128xf32, #tpu.memory_space<vmem>> -> memref<40x128xf32, #tpu.memory_space<vmem>>
      tpu.enqueue_dma source(%dma_start3A_135 : memref<40x128xf32, #tpu.memory_space<vmem>>) target(%dma_start3A_132 : memref<40x128xf32, #tpu.memory_space<vmem_shared>>) target_semaphore(%arg20 : memref<!tpu.dma_semaphore, #tpu.memory_space<semaphore_mem>>)
      %dma_wait3A_136 = arith.constant 0 : i32
      %dma_wait3A_137 = tpu.memref_slice %arg7[%add3A_113, %dma_wait3A_136] : memref<10000x128xf32, #tpu.memory_space<vmem_shared>> -> memref<80x128xf32, #tpu.memory_space<vmem_shared>>
      %dma_wait3A_138 = arith.constant 0 : i32
      %dma_wait3A_139 = tpu.memref_slice %arg7[%add3A_113, %dma_wait3A_138] : memref<10000x128xf32, #tpu.memory_space<vmem_shared>> -> memref<80x128xf32, #tpu.memory_space<vmem_shared>>
      tpu.wait_dma2 semaphore(%arg20 : memref<!tpu.dma_semaphore, #tpu.memory_space<semaphore_mem>>) src(%arg11 : memref<80x128xf32, #tpu.memory_space<vmem>>) dst(%dma_wait3A_139 : memref<80x128xf32, #tpu.memory_space<vmem_shared>>)
      %dma_wait3A_140 = arith.constant 0 : i32
      %dma_wait3A_141 = tpu.memref_slice %arg7[%add3A_119, %dma_wait3A_140] : memref<10000x128xf32, #tpu.memory_space<vmem_shared>> -> memref<80x128xf32, #tpu.memory_space<vmem_shared>>
      %dma_wait3A_142 = arith.constant 0 : i32
      %dma_wait3A_143 = tpu.memref_slice %arg7[%add3A_119, %dma_wait3A_142] : memref<10000x128xf32, #tpu.memory_space<vmem_shared>> -> memref<80x128xf32, #tpu.memory_space<vmem_shared>>
      tpu.wait_dma2 semaphore(%arg20 : memref<!tpu.dma_semaphore, #tpu.memory_space<semaphore_mem>>) src(%arg11 : memref<80x128xf32, #tpu.memory_space<vmem>>) dst(%dma_wait3A_143 : memref<80x128xf32, #tpu.memory_space<vmem_shared>>)
      %dma_wait3A_144 = arith.constant 0 : i32
      %dma_wait3A_145 = arith.constant 0 : i32
      %dma_wait3A_146 = tpu.memref_slice %arg11[%dma_wait3A_144, %dma_wait3A_145] : memref<80x128xf32, #tpu.memory_space<vmem>> -> memref<40x128xf32, #tpu.memory_space<vmem>>
      %dma_wait3A_147 = arith.constant 0 : i32
      %dma_wait3A_148 = tpu.memref_slice %arg7[%add3A_125, %dma_wait3A_147] : memref<10000x128xf32, #tpu.memory_space<vmem_shared>> -> memref<40x128xf32, #tpu.memory_space<vmem_shared>>
      %dma_wait3A_149 = arith.constant 0 : i32
      %dma_wait3A_150 = tpu.memref_slice %arg7[%add3A_125, %dma_wait3A_149] : memref<10000x128xf32, #tpu.memory_space<vmem_shared>> -> memref<40x128xf32, #tpu.memory_space<vmem_shared>>
      %dma_wait3A_151 = arith.constant 0 : i32
      %dma_wait3A_152 = arith.constant 0 : i32
      %dma_wait3A_153 = tpu.memref_slice %arg11[%dma_wait3A_151, %dma_wait3A_152] : memref<80x128xf32, #tpu.memory_space<vmem>> -> memref<40x128xf32, #tpu.memory_space<vmem>>
      tpu.wait_dma2 semaphore(%arg20 : memref<!tpu.dma_semaphore, #tpu.memory_space<semaphore_mem>>) src(%dma_wait3A_153 : memref<40x128xf32, #tpu.memory_space<vmem>>) dst(%dma_wait3A_150 : memref<40x128xf32, #tpu.memory_space<vmem_shared>>)
    } else {
    }
    %barrier3A = arith.constant 0 : index
    tpu.barrier barrier_id(%barrier3A)
    %mul3A_11 = arith.constant 10000 : i32
    %mul3A_12 = arith.muli %add3A, %mul3A_11 : i32
    %dma_start3A = tpu.memref_slice %arg2[%mul3A_12] : memref<320000xi32, #tpu.memory_space<hbm>> -> memref<80xi32, #tpu.memory_space<hbm>>
    %dma_start3A_13 = tpu.memref_slice %arg2[%mul3A_12] : memref<320000xi32, #tpu.memory_space<hbm>> -> memref<80xi32, #tpu.memory_space<hbm>>
    tpu.enqueue_dma source(%dma_start3A_13 : memref<80xi32, #tpu.memory_space<hbm>>) target(%arg8 : memref<80xi32, #tpu.memory_space<vmem>>) target_semaphore(%arg16 : memref<!tpu.dma_semaphore, #tpu.memory_space<semaphore_mem>>)
    %dma_start3A_14 = tpu.memref_slice %arg3[%mul3A_12] : memref<320000xi32, #tpu.memory_space<hbm>> -> memref<80xi32, #tpu.memory_space<hbm>>
    %dma_start3A_15 = tpu.memref_slice %arg3[%mul3A_12] : memref<320000xi32, #tpu.memory_space<hbm>> -> memref<80xi32, #tpu.memory_space<hbm>>
    tpu.enqueue_dma source(%dma_start3A_15 : memref<80xi32, #tpu.memory_space<hbm>>) target(%arg9 : memref<80xi32, #tpu.memory_space<vmem>>) target_semaphore(%arg16 : memref<!tpu.dma_semaphore, #tpu.memory_space<semaphore_mem>>)
    %dma_start3A_16 = arith.constant 0 : i32
    %dma_start3A_17 = tpu.memref_slice %arg5[%mul3A_12, %dma_start3A_16] : memref<320000x128xf32, #tpu.memory_space<hbm>> -> memref<80x128xf32, #tpu.memory_space<hbm>>
    %dma_start3A_18 = arith.constant 0 : i32
    %dma_start3A_19 = tpu.memref_slice %arg5[%mul3A_12, %dma_start3A_18] : memref<320000x128xf32, #tpu.memory_space<hbm>> -> memref<80x128xf32, #tpu.memory_space<hbm>>
    tpu.enqueue_dma source(%dma_start3A_19 : memref<80x128xf32, #tpu.memory_space<hbm>>) target(%arg11 : memref<80x128xf32, #tpu.memory_space<vmem>>) target_semaphore(%arg16 : memref<!tpu.dma_semaphore, #tpu.memory_space<semaphore_mem>>)
    %dma_wait3A = tpu.memref_slice %arg2[%mul3A_12] : memref<320000xi32, #tpu.memory_space<hbm>> -> memref<80xi32, #tpu.memory_space<hbm>>
    %dma_wait3A_20 = tpu.memref_slice %arg2[%mul3A_12] : memref<320000xi32, #tpu.memory_space<hbm>> -> memref<80xi32, #tpu.memory_space<hbm>>
    tpu.wait_dma2 semaphore(%arg16 : memref<!tpu.dma_semaphore, #tpu.memory_space<semaphore_mem>>) src(%dma_wait3A_20 : memref<80xi32, #tpu.memory_space<hbm>>) dst(%arg8 : memref<80xi32, #tpu.memory_space<vmem>>)
    %dma_wait3A_21 = tpu.memref_slice %arg3[%mul3A_12] : memref<320000xi32, #tpu.memory_space<hbm>> -> memref<80xi32, #tpu.memory_space<hbm>>
    %dma_wait3A_22 = tpu.memref_slice %arg3[%mul3A_12] : memref<320000xi32, #tpu.memory_space<hbm>> -> memref<80xi32, #tpu.memory_space<hbm>>
    tpu.wait_dma2 semaphore(%arg16 : memref<!tpu.dma_semaphore, #tpu.memory_space<semaphore_mem>>) src(%dma_wait3A_22 : memref<80xi32, #tpu.memory_space<hbm>>) dst(%arg9 : memref<80xi32, #tpu.memory_space<vmem>>)
    %dma_wait3A_23 = arith.constant 0 : i32
    %dma_wait3A_24 = tpu.memref_slice %arg5[%mul3A_12, %dma_wait3A_23] : memref<320000x128xf32, #tpu.memory_space<hbm>> -> memref<80x128xf32, #tpu.memory_space<hbm>>
    %dma_wait3A_25 = arith.constant 0 : i32
    %dma_wait3A_26 = tpu.memref_slice %arg5[%mul3A_12, %dma_wait3A_25] : memref<320000x128xf32, #tpu.memory_space<hbm>> -> memref<80x128xf32, #tpu.memory_space<hbm>>
    tpu.wait_dma2 semaphore(%arg16 : memref<!tpu.dma_semaphore, #tpu.memory_space<semaphore_mem>>) src(%dma_wait3A_26 : memref<80x128xf32, #tpu.memory_space<hbm>>) dst(%arg11 : memref<80x128xf32, #tpu.memory_space<vmem>>)
    %dma_start3A_27 = arith.constant 0 : i32
    %dma_start3A_28 = arith.constant 0 : i32
    %dma_start3A_29 = tpu.memref_slice %arg4[%dma_start3A_27, %dma_start3A_28] : memref<10000x128xf32, #tpu.memory_space<hbm>> -> memref<10000x128xf32, #tpu.memory_space<hbm>>
    tpu.enqueue_indirect_dma source(%dma_start3A_29 : memref<10000x128xf32, #tpu.memory_space<hbm>>) target(%arg10 : memref<80x128xf32, #tpu.memory_space<vmem>>) offsets(%arg8 : memref<80xi32, #tpu.memory_space<vmem>>) semaphore(%arg18 : memref<!tpu.dma_semaphore, #tpu.memory_space<semaphore_mem>>)
    %add3A_30 = arith.constant 80 : i32
    %add3A_31 = arith.addi %mul3A_12, %add3A_30 : i32
    %dma_start3A_32 = tpu.memref_slice %arg2[%add3A_31] : memref<320000xi32, #tpu.memory_space<hbm>> -> memref<80xi32, #tpu.memory_space<hbm>>
    %dma_start3A_33 = tpu.memref_slice %arg2[%add3A_31] : memref<320000xi32, #tpu.memory_space<hbm>> -> memref<80xi32, #tpu.memory_space<hbm>>
    tpu.enqueue_dma source(%dma_start3A_33 : memref<80xi32, #tpu.memory_space<hbm>>) target(%arg12 : memref<80xi32, #tpu.memory_space<vmem>>) target_semaphore(%arg17 : memref<!tpu.dma_semaphore, #tpu.memory_space<semaphore_mem>>)
    %dma_start3A_34 = tpu.memref_slice %arg3[%add3A_31] : memref<320000xi32, #tpu.memory_space<hbm>> -> memref<80xi32, #tpu.memory_space<hbm>>
    %dma_start3A_35 = tpu.memref_slice %arg3[%add3A_31] : memref<320000xi32, #tpu.memory_space<hbm>> -> memref<80xi32, #tpu.memory_space<hbm>>
    tpu.enqueue_dma source(%dma_start3A_35 : memref<80xi32, #tpu.memory_space<hbm>>) target(%arg13 : memref<80xi32, #tpu.memory_space<vmem>>) target_semaphore(%arg17 : memref<!tpu.dma_semaphore, #tpu.memory_space<semaphore_mem>>)
    %dma_start3A_36 = arith.constant 0 : i32
    %dma_start3A_37 = tpu.memref_slice %arg5[%add3A_31, %dma_start3A_36] : memref<320000x128xf32, #tpu.memory_space<hbm>> -> memref<80x128xf32, #tpu.memory_space<hbm>>
    %dma_start3A_38 = arith.constant 0 : i32
    %dma_start3A_39 = tpu.memref_slice %arg5[%add3A_31, %dma_start3A_38] : memref<320000x128xf32, #tpu.memory_space<hbm>> -> memref<80x128xf32, #tpu.memory_space<hbm>>
    tpu.enqueue_dma source(%dma_start3A_39 : memref<80x128xf32, #tpu.memory_space<hbm>>) target(%arg15 : memref<80x128xf32, #tpu.memory_space<vmem>>) target_semaphore(%arg17 : memref<!tpu.dma_semaphore, #tpu.memory_space<semaphore_mem>>)
    %scan3A = arith.constant 0 : i32
    %scan3A_40 = arith.constant 0 : i32
    %scan3A_41 = arith.constant 62 : i32
    %scan3A_42 = arith.addi %scan3A_40, %scan3A_41 : i32
    %scan3A_43 = arith.constant 1 : i32
    %scan3A_44 = scf.for %scan3A_72 = %scan3A_40 to %scan3A_42 step %scan3A_43 iter_args(%scan3A_73 = %scan3A) -> (i32)  : i32 {
      %mul3A_74 = arith.constant 2 : i32
      %mul3A_75 = arith.muli %mul3A_74, %scan3A_72 : i32
      %mul3A_76 = arith.constant 80 : i32
      %mul3A_77 = arith.muli %mul3A_75, %mul3A_76 : i32
      %add3A_78 = arith.addi %mul3A_12, %mul3A_77 : i32
      %add3A_79 = arith.constant 80 : i32
      %add3A_80 = arith.addi %add3A_78, %add3A_79 : i32
      %dma_wait3A_81 = arith.constant 0 : i32
      %dma_wait3A_82 = arith.constant 0 : i32
      %dma_wait3A_83 = tpu.memref_slice %arg4[%dma_wait3A_81, %dma_wait3A_82] : memref<10000x128xf32, #tpu.memory_space<hbm>> -> memref<10000x128xf32, #tpu.memory_space<hbm>>
      tpu.wait_indirect_dma semaphore(%arg18 : memref<!tpu.dma_semaphore, #tpu.memory_space<semaphore_mem>>) src(%dma_wait3A_83 : memref<10000x128xf32, #tpu.memory_space<hbm>>) dst(%arg10 : memref<80x128xf32, #tpu.memory_space<vmem>>)
      %dma_wait3A_84 = tpu.memref_slice %arg2[%add3A_80] : memref<320000xi32, #tpu.memory_space<hbm>> -> memref<80xi32, #tpu.memory_space<hbm>>
      %dma_wait3A_85 = tpu.memref_slice %arg2[%add3A_80] : memref<320000xi32, #tpu.memory_space<hbm>> -> memref<80xi32, #tpu.memory_space<hbm>>
      tpu.wait_dma2 semaphore(%arg17 : memref<!tpu.dma_semaphore, #tpu.memory_space<semaphore_mem>>) src(%dma_wait3A_85 : memref<80xi32, #tpu.memory_space<hbm>>) dst(%arg12 : memref<80xi32, #tpu.memory_space<vmem>>)
      %dma_wait3A_86 = tpu.memref_slice %arg3[%add3A_80] : memref<320000xi32, #tpu.memory_space<hbm>> -> memref<80xi32, #tpu.memory_space<hbm>>
      %dma_wait3A_87 = tpu.memref_slice %arg3[%add3A_80] : memref<320000xi32, #tpu.memory_space<hbm>> -> memref<80xi32, #tpu.memory_space<hbm>>
      tpu.wait_dma2 semaphore(%arg17 : memref<!tpu.dma_semaphore, #tpu.memory_space<semaphore_mem>>) src(%dma_wait3A_87 : memref<80xi32, #tpu.memory_space<hbm>>) dst(%arg13 : memref<80xi32, #tpu.memory_space<vmem>>)
      %dma_wait3A_88 = arith.constant 0 : i32
      %dma_wait3A_89 = tpu.memref_slice %arg5[%add3A_80, %dma_wait3A_88] : memref<320000x128xf32, #tpu.memory_space<hbm>> -> memref<80x128xf32, #tpu.memory_space<hbm>>
      %dma_wait3A_90 = arith.constant 0 : i32
      %dma_wait3A_91 = tpu.memref_slice %arg5[%add3A_80, %dma_wait3A_90] : memref<320000x128xf32, #tpu.memory_space<hbm>> -> memref<80x128xf32, #tpu.memory_space<hbm>>
      tpu.wait_dma2 semaphore(%arg17 : memref<!tpu.dma_semaphore, #tpu.memory_space<semaphore_mem>>) src(%dma_wait3A_91 : memref<80x128xf32, #tpu.memory_space<hbm>>) dst(%arg15 : memref<80x128xf32, #tpu.memory_space<vmem>>)
      %gt3A = arith.constant 0 : i32
      %gt3A_92 = arith.cmpi sgt, %scan3A_72, %gt3A : i32
      %convert_element_type3A_93 = arith.extui %gt3A_92 : i1 to i32
      %cond3A_94 = arith.constant 0 : i32
      %cond3A_95 = arith.cmpi ne, %convert_element_type3A_93, %cond3A_94 : i32
      scf.if %cond3A_95 {
        %dma_wait3A_146 = arith.constant 0 : i32
        %dma_wait3A_147 = arith.constant 0 : i32
        %dma_wait3A_148 = tpu.memref_slice %arg7[%dma_wait3A_146, %dma_wait3A_147] : memref<10000x128xf32, #tpu.memory_space<vmem_shared>> -> memref<10000x128xf32, #tpu.memory_space<vmem_shared>>
        tpu.wait_indirect_dma semaphore(%arg21 : memref<!tpu.dma_semaphore, #tpu.memory_space<semaphore_mem>>) src(%arg14 : memref<80x128xf32, #tpu.memory_space<vmem>>) dst(%dma_wait3A_148 : memref<10000x128xf32, #tpu.memory_space<vmem_shared>>)
      } else {
      }
      %dma_start3A_96 = arith.constant 0 : i32
      %dma_start3A_97 = arith.constant 0 : i32
      %dma_start3A_98 = tpu.memref_slice %arg4[%dma_start3A_96, %dma_start3A_97] : memref<10000x128xf32, #tpu.memory_space<hbm>> -> memref<10000x128xf32, #tpu.memory_space<hbm>>
      tpu.enqueue_indirect_dma source(%dma_start3A_98 : memref<10000x128xf32, #tpu.memory_space<hbm>>) target(%arg14 : memref<80x128xf32, #tpu.memory_space<vmem>>) offsets(%arg12 : memref<80xi32, #tpu.memory_space<vmem>>) semaphore(%arg19 : memref<!tpu.dma_semaphore, #tpu.memory_space<semaphore_mem>>)
      %parallel_loop3A_99 = arith.constant 0 : i32
      %parallel_loop3A_100 = arith.constant 80 : i32
      %parallel_loop3A_101 = arith.constant 1 : i32
      scf.for %parallel_loop3A_146 = %parallel_loop3A_99 to %parallel_loop3A_100 step %parallel_loop3A_101  : i32 {
        %parallel_loop3A_147 = arith.index_cast %parallel_loop3A_146 : i32 to index
        %parallel_loop3A_148 = arith.constant 0 : index
        %parallel_loop3A_149 = tpu.vector_load %arg10[%parallel_loop3A_147, %parallel_loop3A_148] {strides = array<i32>} : memref<80x128xf32, #tpu.memory_space<vmem>>, vector<1x16xf32>,
        %parallel_loop3A_150 = vector.shape_cast %parallel_loop3A_149 : vector<1x16xf32> to vector<16xf32>
        %parallel_loop3A_151 = arith.index_cast %parallel_loop3A_146 : i32 to index
        %parallel_loop3A_152 = arith.constant 0 : index
        %parallel_loop3A_153 = tpu.vector_load %arg11[%parallel_loop3A_151, %parallel_loop3A_152] {strides = array<i32>} : memref<80x128xf32, #tpu.memory_space<vmem>>, vector<1x16xf32>,
        %parallel_loop3A_154 = vector.shape_cast %parallel_loop3A_153 : vector<1x16xf32> to vector<16xf32>
        %parallel_loop3A_155 = arith.mulf %parallel_loop3A_150, %parallel_loop3A_154 : vector<16xf32>
        %parallel_loop3A_156 = arith.index_cast %parallel_loop3A_146 : i32 to index
        %parallel_loop3A_157 = arith.constant 0 : index
        %parallel_loop3A_158 = tpu.vector_load %arg10[%parallel_loop3A_156, %parallel_loop3A_157] {strides = array<i32>} : memref<80x128xf32, #tpu.memory_space<vmem>>, vector<1x16xf32>,
        %parallel_loop3A_159 = vector.shape_cast %parallel_loop3A_158 : vector<1x16xf32> to vector<16xf32>
        %parallel_loop3A_160 = vector.shape_cast %parallel_loop3A_155 : vector<16xf32> to vector<1x16xf32>
        tpu.vector_store %arg10[%parallel_loop3A_156, %parallel_loop3A_157], %parallel_loop3A_160 {strides = array<i32>} : memref<80x128xf32, #tpu.memory_space<vmem>>, vector<1x16xf32>,
        %parallel_loop3A_161 = arith.index_cast %parallel_loop3A_146 : i32 to index
        %parallel_loop3A_162 = arith.constant 16 : index
        %parallel_loop3A_163 = tpu.vector_load %arg10[%parallel_loop3A_161, %parallel_loop3A_162] {strides = array<i32>} : memref<80x128xf32, #tpu.memory_space<vmem>>, vector<1x16xf32>,
        %parallel_loop3A_164 = vector.shape_cast %parallel_loop3A_163 : vector<1x16xf32> to vector<16xf32>
        %parallel_loop3A_165 = arith.index_cast %parallel_loop3A_146 : i32 to index
        %parallel_loop3A_166 = arith.constant 16 : index
        %parallel_loop3A_167 = tpu.vector_load %arg11[%parallel_loop3A_165, %parallel_loop3A_166] {strides = array<i32>} : memref<80x128xf32, #tpu.memory_space<vmem>>, vector<1x16xf32>,
        %parallel_loop3A_168 = vector.shape_cast %parallel_loop3A_167 : vector<1x16xf32> to vector<16xf32>
        %parallel_loop3A_169 = arith.mulf %parallel_loop3A_164, %parallel_loop3A_168 : vector<16xf32>
        %parallel_loop3A_170 = arith.index_cast %parallel_loop3A_146 : i32 to index
        %parallel_loop3A_171 = arith.constant 16 : index
        %parallel_loop3A_172 = tpu.vector_load %arg10[%parallel_loop3A_170, %parallel_loop3A_171] {strides = array<i32>} : memref<80x128xf32, #tpu.memory_space<vmem>>, vector<1x16xf32>,
        %parallel_loop3A_173 = vector.shape_cast %parallel_loop3A_172 : vector<1x16xf32> to vector<16xf32>
        %parallel_loop3A_174 = vector.shape_cast %parallel_loop3A_169 : vector<16xf32> to vector<1x16xf32>
        tpu.vector_store %arg10[%parallel_loop3A_170, %parallel_loop3A_171], %parallel_loop3A_174 {strides = array<i32>} : memref<80x128xf32, #tpu.memory_space<vmem>>, vector<1x16xf32>,
        %parallel_loop3A_175 = arith.index_cast %parallel_loop3A_146 : i32 to index
        %parallel_loop3A_176 = arith.constant 32 : index
        %parallel_loop3A_177 = tpu.vector_load %arg10[%parallel_loop3A_175, %parallel_loop3A_176] {strides = array<i32>} : memref<80x128xf32, #tpu.memory_space<vmem>>, vector<1x16xf32>,
        %parallel_loop3A_178 = vector.shape_cast %parallel_loop3A_177 : vector<1x16xf32> to vector<16xf32>
        %parallel_loop3A_179 = arith.index_cast %parallel_loop3A_146 : i32 to index
        %parallel_loop3A_180 = arith.constant 32 : index
        %parallel_loop3A_181 = tpu.vector_load %arg11[%parallel_loop3A_179, %parallel_loop3A_180] {strides = array<i32>} : memref<80x128xf32, #tpu.memory_space<vmem>>, vector<1x16xf32>,
        %parallel_loop3A_182 = vector.shape_cast %parallel_loop3A_181 : vector<1x16xf32> to vector<16xf32>
        %parallel_loop3A_183 = arith.mulf %parallel_loop3A_178, %parallel_loop3A_182 : vector<16xf32>
        %parallel_loop3A_184 = arith.index_cast %parallel_loop3A_146 : i32 to index
        %parallel_loop3A_185 = arith.constant 32 : index
        %parallel_loop3A_186 = tpu.vector_load %arg10[%parallel_loop3A_184, %parallel_loop3A_185] {strides = array<i32>} : memref<80x128xf32, #tpu.memory_space<vmem>>, vector<1x16xf32>,
        %parallel_loop3A_187 = vector.shape_cast %parallel_loop3A_186 : vector<1x16xf32> to vector<16xf32>
        %parallel_loop3A_188 = vector.shape_cast %parallel_loop3A_183 : vector<16xf32> to vector<1x16xf32>
        tpu.vector_store %arg10[%parallel_loop3A_184, %parallel_loop3A_185], %parallel_loop3A_188 {strides = array<i32>} : memref<80x128xf32, #tpu.memory_space<vmem>>, vector<1x16xf32>,
        %parallel_loop3A_189 = arith.index_cast %parallel_loop3A_146 : i32 to index
        %parallel_loop3A_190 = arith.constant 48 : index
        %parallel_loop3A_191 = tpu.vector_load %arg10[%parallel_loop3A_189, %parallel_loop3A_190] {strides = array<i32>} : memref<80x128xf32, #tpu.memory_space<vmem>>, vector<1x16xf32>,
        %parallel_loop3A_192 = vector.shape_cast %parallel_loop3A_191 : vector<1x16xf32> to vector<16xf32>
        %parallel_loop3A_193 = arith.index_cast %parallel_loop3A_146 : i32 to index
        %parallel_loop3A_194 = arith.constant 48 : index
        %parallel_loop3A_195 = tpu.vector_load %arg11[%parallel_loop3A_193, %parallel_loop3A_194] {strides = array<i32>} : memref<80x128xf32, #tpu.memory_space<vmem>>, vector<1x16xf32>,
        %parallel_loop3A_196 = vector.shape_cast %parallel_loop3A_195 : vector<1x16xf32> to vector<16xf32>
        %parallel_loop3A_197 = arith.mulf %parallel_loop3A_192, %parallel_loop3A_196 : vector<16xf32>
        %parallel_loop3A_198 = arith.index_cast %parallel_loop3A_146 : i32 to index
        %parallel_loop3A_199 = arith.constant 48 : index
        %parallel_loop3A_200 = tpu.vector_load %arg10[%parallel_loop3A_198, %parallel_loop3A_199] {strides = array<i32>} : memref<80x128xf32, #tpu.memory_space<vmem>>, vector<1x16xf32>,
        %parallel_loop3A_201 = vector.shape_cast %parallel_loop3A_200 : vector<1x16xf32> to vector<16xf32>
        %parallel_loop3A_202 = vector.shape_cast %parallel_loop3A_197 : vector<16xf32> to vector<1x16xf32>
        tpu.vector_store %arg10[%parallel_loop3A_198, %parallel_loop3A_199], %parallel_loop3A_202 {strides = array<i32>} : memref<80x128xf32, #tpu.memory_space<vmem>>, vector<1x16xf32>,
        %parallel_loop3A_203 = arith.index_cast %parallel_loop3A_146 : i32 to index
        %parallel_loop3A_204 = arith.constant 64 : index
        %parallel_loop3A_205 = tpu.vector_load %arg10[%parallel_loop3A_203, %parallel_loop3A_204] {strides = array<i32>} : memref<80x128xf32, #tpu.memory_space<vmem>>, vector<1x16xf32>,
        %parallel_loop3A_206 = vector.shape_cast %parallel_loop3A_205 : vector<1x16xf32> to vector<16xf32>
        %parallel_loop3A_207 = arith.index_cast %parallel_loop3A_146 : i32 to index
        %parallel_loop3A_208 = arith.constant 64 : index
        %parallel_loop3A_209 = tpu.vector_load %arg11[%parallel_loop3A_207, %parallel_loop3A_208] {strides = array<i32>} : memref<80x128xf32, #tpu.memory_space<vmem>>, vector<1x16xf32>,
        %parallel_loop3A_210 = vector.shape_cast %parallel_loop3A_209 : vector<1x16xf32> to vector<16xf32>
        %parallel_loop3A_211 = arith.mulf %parallel_loop3A_206, %parallel_loop3A_210 : vector<16xf32>
        %parallel_loop3A_212 = arith.index_cast %parallel_loop3A_146 : i32 to index
        %parallel_loop3A_213 = arith.constant 64 : index
        %parallel_loop3A_214 = tpu.vector_load %arg10[%parallel_loop3A_212, %parallel_loop3A_213] {strides = array<i32>} : memref<80x128xf32, #tpu.memory_space<vmem>>, vector<1x16xf32>,
        %parallel_loop3A_215 = vector.shape_cast %parallel_loop3A_214 : vector<1x16xf32> to vector<16xf32>
        %parallel_loop3A_216 = vector.shape_cast %parallel_loop3A_211 : vector<16xf32> to vector<1x16xf32>
        tpu.vector_store %arg10[%parallel_loop3A_212, %parallel_loop3A_213], %parallel_loop3A_216 {strides = array<i32>} : memref<80x128xf32, #tpu.memory_space<vmem>>, vector<1x16xf32>,
        %parallel_loop3A_217 = arith.index_cast %parallel_loop3A_146 : i32 to index
        %parallel_loop3A_218 = arith.constant 80 : index
        %parallel_loop3A_219 = tpu.vector_load %arg10[%parallel_loop3A_217, %parallel_loop3A_218] {strides = array<i32>} : memref<80x128xf32, #tpu.memory_space<vmem>>, vector<1x16xf32>,
        %parallel_loop3A_220 = vector.shape_cast %parallel_loop3A_219 : vector<1x16xf32> to vector<16xf32>
        %parallel_loop3A_221 = arith.index_cast %parallel_loop3A_146 : i32 to index
        %parallel_loop3A_222 = arith.constant 80 : index
        %parallel_loop3A_223 = tpu.vector_load %arg11[%parallel_loop3A_221, %parallel_loop3A_222] {strides = array<i32>} : memref<80x128xf32, #tpu.memory_space<vmem>>, vector<1x16xf32>,
        %parallel_loop3A_224 = vector.shape_cast %parallel_loop3A_223 : vector<1x16xf32> to vector<16xf32>
        %parallel_loop3A_225 = arith.mulf %parallel_loop3A_220, %parallel_loop3A_224 : vector<16xf32>
        %parallel_loop3A_226 = arith.index_cast %parallel_loop3A_146 : i32 to index
        %parallel_loop3A_227 = arith.constant 80 : index
        %parallel_loop3A_228 = tpu.vector_load %arg10[%parallel_loop3A_226, %parallel_loop3A_227] {strides = array<i32>} : memref<80x128xf32, #tpu.memory_space<vmem>>, vector<1x16xf32>,
        %parallel_loop3A_229 = vector.shape_cast %parallel_loop3A_228 : vector<1x16xf32> to vector<16xf32>
        %parallel_loop3A_230 = vector.shape_cast %parallel_loop3A_225 : vector<16xf32> to vector<1x16xf32>
        tpu.vector_store %arg10[%parallel_loop3A_226, %parallel_loop3A_227], %parallel_loop3A_230 {strides = array<i32>} : memref<80x128xf32, #tpu.memory_space<vmem>>, vector<1x16xf32>,
        %parallel_loop3A_231 = arith.index_cast %parallel_loop3A_146 : i32 to index
        %parallel_loop3A_232 = arith.constant 96 : index
        %parallel_loop3A_233 = tpu.vector_load %arg10[%parallel_loop3A_231, %parallel_loop3A_232] {strides = array<i32>} : memref<80x128xf32, #tpu.memory_space<vmem>>, vector<1x16xf32>,
        %parallel_loop3A_234 = vector.shape_cast %parallel_loop3A_233 : vector<1x16xf32> to vector<16xf32>
        %parallel_loop3A_235 = arith.index_cast %parallel_loop3A_146 : i32 to index
        %parallel_loop3A_236 = arith.constant 96 : index
        %parallel_loop3A_237 = tpu.vector_load %arg11[%parallel_loop3A_235, %parallel_loop3A_236] {strides = array<i32>} : memref<80x128xf32, #tpu.memory_space<vmem>>, vector<1x16xf32>,
        %parallel_loop3A_238 = vector.shape_cast %parallel_loop3A_237 : vector<1x16xf32> to vector<16xf32>
        %parallel_loop3A_239 = arith.mulf %parallel_loop3A_234, %parallel_loop3A_238 : vector<16xf32>
        %parallel_loop3A_240 = arith.index_cast %parallel_loop3A_146 : i32 to index
        %parallel_loop3A_241 = arith.constant 96 : index
        %parallel_loop3A_242 = tpu.vector_load %arg10[%parallel_loop3A_240, %parallel_loop3A_241] {strides = array<i32>} : memref<80x128xf32, #tpu.memory_space<vmem>>, vector<1x16xf32>,
        %parallel_loop3A_243 = vector.shape_cast %parallel_loop3A_242 : vector<1x16xf32> to vector<16xf32>
        %parallel_loop3A_244 = vector.shape_cast %parallel_loop3A_239 : vector<16xf32> to vector<1x16xf32>
        tpu.vector_store %arg10[%parallel_loop3A_240, %parallel_loop3A_241], %parallel_loop3A_244 {strides = array<i32>} : memref<80x128xf32, #tpu.memory_space<vmem>>, vector<1x16xf32>,
        %parallel_loop3A_245 = arith.index_cast %parallel_loop3A_146 : i32 to index
        %parallel_loop3A_246 = arith.constant 112 : index
        %parallel_loop3A_247 = tpu.vector_load %arg10[%parallel_loop3A_245, %parallel_loop3A_246] {strides = array<i32>} : memref<80x128xf32, #tpu.memory_space<vmem>>, vector<1x16xf32>,
        %parallel_loop3A_248 = vector.shape_cast %parallel_loop3A_247 : vector<1x16xf32> to vector<16xf32>
        %parallel_loop3A_249 = arith.index_cast %parallel_loop3A_146 : i32 to index
        %parallel_loop3A_250 = arith.constant 112 : index
        %parallel_loop3A_251 = tpu.vector_load %arg11[%parallel_loop3A_249, %parallel_loop3A_250] {strides = array<i32>} : memref<80x128xf32, #tpu.memory_space<vmem>>, vector<1x16xf32>,
        %parallel_loop3A_252 = vector.shape_cast %parallel_loop3A_251 : vector<1x16xf32> to vector<16xf32>
        %parallel_loop3A_253 = arith.mulf %parallel_loop3A_248, %parallel_loop3A_252 : vector<16xf32>
        %parallel_loop3A_254 = arith.index_cast %parallel_loop3A_146 : i32 to index
        %parallel_loop3A_255 = arith.constant 112 : index
        %parallel_loop3A_256 = tpu.vector_load %arg10[%parallel_loop3A_254, %parallel_loop3A_255] {strides = array<i32>} : memref<80x128xf32, #tpu.memory_space<vmem>>, vector<1x16xf32>,
        %parallel_loop3A_257 = vector.shape_cast %parallel_loop3A_256 : vector<1x16xf32> to vector<16xf32>
        %parallel_loop3A_258 = vector.shape_cast %parallel_loop3A_253 : vector<16xf32> to vector<1x16xf32>
        tpu.vector_store %arg10[%parallel_loop3A_254, %parallel_loop3A_255], %parallel_loop3A_258 {strides = array<i32>} : memref<80x128xf32, #tpu.memory_space<vmem>>, vector<1x16xf32>,
      } {sc.loop_unroll_factor = 8 : i64, sc.parallel_access}
      %dma_start3A_102 = arith.constant 0 : i32
      %dma_start3A_103 = arith.constant 0 : i32
      %dma_start3A_104 = tpu.memref_slice %arg7[%dma_start3A_102, %dma_start3A_103] : memref<10000x128xf32, #tpu.memory_space<vmem_shared>> -> memref<10000x128xf32, #tpu.memory_space<vmem_shared>>
      tpu.enqueue_indirect_dma source(%arg10 : memref<80x128xf32, #tpu.memory_space<vmem>>) target(%dma_start3A_104 : memref<10000x128xf32, #tpu.memory_space<vmem_shared>>) offsets(%arg9 : memref<80xi32, #tpu.memory_space<vmem>>) semaphore(%arg20 : memref<!tpu.dma_semaphore, #tpu.memory_space<semaphore_mem>>) {add = true}
      %add3A_105 = arith.constant 160 : i32
      %add3A_106 = arith.addi %add3A_78, %add3A_105 : i32
      %dma_start3A_107 = tpu.memref_slice %arg2[%add3A_106] : memref<320000xi32, #tpu.memory_space<hbm>> -> memref<80xi32, #tpu.memory_space<hbm>>
      %dma_start3A_108 = tpu.memref_slice %arg2[%add3A_106] : memref<320000xi32, #tpu.memory_space<hbm>> -> memref<80xi32, #tpu.memory_space<hbm>>
      tpu.enqueue_dma source(%dma_start3A_108 : memref<80xi32, #tpu.memory_space<hbm>>) target(%arg8 : memref<80xi32, #tpu.memory_space<vmem>>) target_semaphore(%arg16 : memref<!tpu.dma_semaphore, #tpu.memory_space<semaphore_mem>>)
      %dma_start3A_109 = tpu.memref_slice %arg3[%add3A_106] : memref<320000xi32, #tpu.memory_space<hbm>> -> memref<80xi32, #tpu.memory_space<hbm>>
      %dma_start3A_110 = tpu.memref_slice %arg3[%add3A_106] : memref<320000xi32, #tpu.memory_space<hbm>> -> memref<80xi32, #tpu.memory_space<hbm>>
      tpu.enqueue_dma source(%dma_start3A_110 : memref<80xi32, #tpu.memory_space<hbm>>) target(%arg9 : memref<80xi32, #tpu.memory_space<vmem>>) target_semaphore(%arg16 : memref<!tpu.dma_semaphore, #tpu.memory_space<semaphore_mem>>)
      %dma_start3A_111 = arith.constant 0 : i32
      %dma_start3A_112 = tpu.memref_slice %arg5[%add3A_106, %dma_start3A_111] : memref<320000x128xf32, #tpu.memory_space<hbm>> -> memref<80x128xf32, #tpu.memory_space<hbm>>
      %dma_start3A_113 = arith.constant 0 : i32
      %dma_start3A_114 = tpu.memref_slice %arg5[%add3A_106, %dma_start3A_113] : memref<320000x128xf32, #tpu.memory_space<hbm>> -> memref<80x128xf32, #tpu.memory_space<hbm>>
      tpu.enqueue_dma source(%dma_start3A_114 : memref<80x128xf32, #tpu.memory_space<hbm>>) target(%arg11 : memref<80x128xf32, #tpu.memory_space<vmem>>) target_semaphore(%arg16 : memref<!tpu.dma_semaphore, #tpu.memory_space<semaphore_mem>>)
      %dma_wait3A_115 = arith.constant 0 : i32
      %dma_wait3A_116 = arith.constant 0 : i32
      %dma_wait3A_117 = tpu.memref_slice %arg4[%dma_wait3A_115, %dma_wait3A_116] : memref<10000x128xf32, #tpu.memory_space<hbm>> -> memref<10000x128xf32, #tpu.memory_space<hbm>>
      tpu.wait_indirect_dma semaphore(%arg19 : memref<!tpu.dma_semaphore, #tpu.memory_space<semaphore_mem>>) src(%dma_wait3A_117 : memref<10000x128xf32, #tpu.memory_space<hbm>>) dst(%arg14 : memref<80x128xf32, #tpu.memory_space<vmem>>)
      %parallel_loop3A_118 = arith.constant 0 : i32
      %parallel_loop3A_119 = arith.constant 80 : i32
      %parallel_loop3A_120 = arith.constant 1 : i32
      scf.for %parallel_loop3A_146 = %parallel_loop3A_118 to %parallel_loop3A_119 step %parallel_loop3A_120  : i32 {
        %parallel_loop3A_147 = arith.index_cast %parallel_loop3A_146 : i32 to index
        %parallel_loop3A_148 = arith.constant 0 : index
        %parallel_loop3A_149 = tpu.vector_load %arg14[%parallel_loop3A_147, %parallel_loop3A_148] {strides = array<i32>} : memref<80x128xf32, #tpu.memory_space<vmem>>, vector<1x16xf32>,
        %parallel_loop3A_150 = vector.shape_cast %parallel_loop3A_149 : vector<1x16xf32> to vector<16xf32>
        %parallel_loop3A_151 = arith.index_cast %parallel_loop3A_146 : i32 to index
        %parallel_loop3A_152 = arith.constant 0 : index
        %parallel_loop3A_153 = tpu.vector_load %arg15[%parallel_loop3A_151, %parallel_loop3A_152] {strides = array<i32>} : memref<80x128xf32, #tpu.memory_space<vmem>>, vector<1x16xf32>,
        %parallel_loop3A_154 = vector.shape_cast %parallel_loop3A_153 : vector<1x16xf32> to vector<16xf32>
        %parallel_loop3A_155 = arith.mulf %parallel_loop3A_150, %parallel_loop3A_154 : vector<16xf32>
        %parallel_loop3A_156 = arith.index_cast %parallel_loop3A_146 : i32 to index
        %parallel_loop3A_157 = arith.constant 0 : index
        %parallel_loop3A_158 = tpu.vector_load %arg14[%parallel_loop3A_156, %parallel_loop3A_157] {strides = array<i32>} : memref<80x128xf32, #tpu.memory_space<vmem>>, vector<1x16xf32>,
        %parallel_loop3A_159 = vector.shape_cast %parallel_loop3A_158 : vector<1x16xf32> to vector<16xf32>
        %parallel_loop3A_160 = vector.shape_cast %parallel_loop3A_155 : vector<16xf32> to vector<1x16xf32>
        tpu.vector_store %arg14[%parallel_loop3A_156, %parallel_loop3A_157], %parallel_loop3A_160 {strides = array<i32>} : memref<80x128xf32, #tpu.memory_space<vmem>>, vector<1x16xf32>,
        %parallel_loop3A_161 = arith.index_cast %parallel_loop3A_146 : i32 to index
        %parallel_loop3A_162 = arith.constant 16 : index
        %parallel_loop3A_163 = tpu.vector_load %arg14[%parallel_loop3A_161, %parallel_loop3A_162] {strides = array<i32>} : memref<80x128xf32, #tpu.memory_space<vmem>>, vector<1x16xf32>,
        %parallel_loop3A_164 = vector.shape_cast %parallel_loop3A_163 : vector<1x16xf32> to vector<16xf32>
        %parallel_loop3A_165 = arith.index_cast %parallel_loop3A_146 : i32 to index
        %parallel_loop3A_166 = arith.constant 16 : index
        %parallel_loop3A_167 = tpu.vector_load %arg15[%parallel_loop3A_165, %parallel_loop3A_166] {strides = array<i32>} : memref<80x128xf32, #tpu.memory_space<vmem>>, vector<1x16xf32>,
        %parallel_loop3A_168 = vector.shape_cast %parallel_loop3A_167 : vector<1x16xf32> to vector<16xf32>
        %parallel_loop3A_169 = arith.mulf %parallel_loop3A_164, %parallel_loop3A_168 : vector<16xf32>
        %parallel_loop3A_170 = arith.index_cast %parallel_loop3A_146 : i32 to index
        %parallel_loop3A_171 = arith.constant 16 : index
        %parallel_loop3A_172 = tpu.vector_load %arg14[%parallel_loop3A_170, %parallel_loop3A_171] {strides = array<i32>} : memref<80x128xf32, #tpu.memory_space<vmem>>, vector<1x16xf32>,
        %parallel_loop3A_173 = vector.shape_cast %parallel_loop3A_172 : vector<1x16xf32> to vector<16xf32>
        %parallel_loop3A_174 = vector.shape_cast %parallel_loop3A_169 : vector<16xf32> to vector<1x16xf32>
        tpu.vector_store %arg14[%parallel_loop3A_170, %parallel_loop3A_171], %parallel_loop3A_174 {strides = array<i32>} : memref<80x128xf32, #tpu.memory_space<vmem>>, vector<1x16xf32>,
        %parallel_loop3A_175 = arith.index_cast %parallel_loop3A_146 : i32 to index
        %parallel_loop3A_176 = arith.constant 32 : index
        %parallel_loop3A_177 = tpu.vector_load %arg14[%parallel_loop3A_175, %parallel_loop3A_176] {strides = array<i32>} : memref<80x128xf32, #tpu.memory_space<vmem>>, vector<1x16xf32>,
        %parallel_loop3A_178 = vector.shape_cast %parallel_loop3A_177 : vector<1x16xf32> to vector<16xf32>
        %parallel_loop3A_179 = arith.index_cast %parallel_loop3A_146 : i32 to index
        %parallel_loop3A_180 = arith.constant 32 : index
        %parallel_loop3A_181 = tpu.vector_load %arg15[%parallel_loop3A_179, %parallel_loop3A_180] {strides = array<i32>} : memref<80x128xf32, #tpu.memory_space<vmem>>, vector<1x16xf32>,
        %parallel_loop3A_182 = vector.shape_cast %parallel_loop3A_181 : vector<1x16xf32> to vector<16xf32>
        %parallel_loop3A_183 = arith.mulf %parallel_loop3A_178, %parallel_loop3A_182 : vector<16xf32>
        %parallel_loop3A_184 = arith.index_cast %parallel_loop3A_146 : i32 to index
        %parallel_loop3A_185 = arith.constant 32 : index
        %parallel_loop3A_186 = tpu.vector_load %arg14[%parallel_loop3A_184, %parallel_loop3A_185] {strides = array<i32>} : memref<80x128xf32, #tpu.memory_space<vmem>>, vector<1x16xf32>,
        %parallel_loop3A_187 = vector.shape_cast %parallel_loop3A_186 : vector<1x16xf32> to vector<16xf32>
        %parallel_loop3A_188 = vector.shape_cast %parallel_loop3A_183 : vector<16xf32> to vector<1x16xf32>
        tpu.vector_store %arg14[%parallel_loop3A_184, %parallel_loop3A_185], %parallel_loop3A_188 {strides = array<i32>} : memref<80x128xf32, #tpu.memory_space<vmem>>, vector<1x16xf32>,
        %parallel_loop3A_189 = arith.index_cast %parallel_loop3A_146 : i32 to index
        %parallel_loop3A_190 = arith.constant 48 : index
        %parallel_loop3A_191 = tpu.vector_load %arg14[%parallel_loop3A_189, %parallel_loop3A_190] {strides = array<i32>} : memref<80x128xf32, #tpu.memory_space<vmem>>, vector<1x16xf32>,
        %parallel_loop3A_192 = vector.shape_cast %parallel_loop3A_191 : vector<1x16xf32> to vector<16xf32>
        %parallel_loop3A_193 = arith.index_cast %parallel_loop3A_146 : i32 to index
        %parallel_loop3A_194 = arith.constant 48 : index
        %parallel_loop3A_195 = tpu.vector_load %arg15[%parallel_loop3A_193, %parallel_loop3A_194] {strides = array<i32>} : memref<80x128xf32, #tpu.memory_space<vmem>>, vector<1x16xf32>,
        %parallel_loop3A_196 = vector.shape_cast %parallel_loop3A_195 : vector<1x16xf32> to vector<16xf32>
        %parallel_loop3A_197 = arith.mulf %parallel_loop3A_192, %parallel_loop3A_196 : vector<16xf32>
        %parallel_loop3A_198 = arith.index_cast %parallel_loop3A_146 : i32 to index
        %parallel_loop3A_199 = arith.constant 48 : index
        %parallel_loop3A_200 = tpu.vector_load %arg14[%parallel_loop3A_198, %parallel_loop3A_199] {strides = array<i32>} : memref<80x128xf32, #tpu.memory_space<vmem>>, vector<1x16xf32>,
        %parallel_loop3A_201 = vector.shape_cast %parallel_loop3A_200 : vector<1x16xf32> to vector<16xf32>
        %parallel_loop3A_202 = vector.shape_cast %parallel_loop3A_197 : vector<16xf32> to vector<1x16xf32>
        tpu.vector_store %arg14[%parallel_loop3A_198, %parallel_loop3A_199], %parallel_loop3A_202 {strides = array<i32>} : memref<80x128xf32, #tpu.memory_space<vmem>>, vector<1x16xf32>,
        %parallel_loop3A_203 = arith.index_cast %parallel_loop3A_146 : i32 to index
        %parallel_loop3A_204 = arith.constant 64 : index
        %parallel_loop3A_205 = tpu.vector_load %arg14[%parallel_loop3A_203, %parallel_loop3A_204] {strides = array<i32>} : memref<80x128xf32, #tpu.memory_space<vmem>>, vector<1x16xf32>,
        %parallel_loop3A_206 = vector.shape_cast %parallel_loop3A_205 : vector<1x16xf32> to vector<16xf32>
        %parallel_loop3A_207 = arith.index_cast %parallel_loop3A_146 : i32 to index
        %parallel_loop3A_208 = arith.constant 64 : index
        %parallel_loop3A_209 = tpu.vector_load %arg15[%parallel_loop3A_207, %parallel_loop3A_208] {strides = array<i32>} : memref<80x128xf32, #tpu.memory_space<vmem>>, vector<1x16xf32>,
        %parallel_loop3A_210 = vector.shape_cast %parallel_loop3A_209 : vector<1x16xf32> to vector<16xf32>
        %parallel_loop3A_211 = arith.mulf %parallel_loop3A_206, %parallel_loop3A_210 : vector<16xf32>
        %parallel_loop3A_212 = arith.index_cast %parallel_loop3A_146 : i32 to index
        %parallel_loop3A_213 = arith.constant 64 : index
        %parallel_loop3A_214 = tpu.vector_load %arg14[%parallel_loop3A_212, %parallel_loop3A_213] {strides = array<i32>} : memref<80x128xf32, #tpu.memory_space<vmem>>, vector<1x16xf32>,
        %parallel_loop3A_215 = vector.shape_cast %parallel_loop3A_214 : vector<1x16xf32> to vector<16xf32>
        %parallel_loop3A_216 = vector.shape_cast %parallel_loop3A_211 : vector<16xf32> to vector<1x16xf32>
        tpu.vector_store %arg14[%parallel_loop3A_212, %parallel_loop3A_213], %parallel_loop3A_216 {strides = array<i32>} : memref<80x128xf32, #tpu.memory_space<vmem>>, vector<1x16xf32>,
        %parallel_loop3A_217 = arith.index_cast %parallel_loop3A_146 : i32 to index
        %parallel_loop3A_218 = arith.constant 80 : index
        %parallel_loop3A_219 = tpu.vector_load %arg14[%parallel_loop3A_217, %parallel_loop3A_218] {strides = array<i32>} : memref<80x128xf32, #tpu.memory_space<vmem>>, vector<1x16xf32>,
        %parallel_loop3A_220 = vector.shape_cast %parallel_loop3A_219 : vector<1x16xf32> to vector<16xf32>
        %parallel_loop3A_221 = arith.index_cast %parallel_loop3A_146 : i32 to index
        %parallel_loop3A_222 = arith.constant 80 : index
        %parallel_loop3A_223 = tpu.vector_load %arg15[%parallel_loop3A_221, %parallel_loop3A_222] {strides = array<i32>} : memref<80x128xf32, #tpu.memory_space<vmem>>, vector<1x16xf32>,
        %parallel_loop3A_224 = vector.shape_cast %parallel_loop3A_223 : vector<1x16xf32> to vector<16xf32>
        %parallel_loop3A_225 = arith.mulf %parallel_loop3A_220, %parallel_loop3A_224 : vector<16xf32>
        %parallel_loop3A_226 = arith.index_cast %parallel_loop3A_146 : i32 to index
        %parallel_loop3A_227 = arith.constant 80 : index
        %parallel_loop3A_228 = tpu.vector_load %arg14[%parallel_loop3A_226, %parallel_loop3A_227] {strides = array<i32>} : memref<80x128xf32, #tpu.memory_space<vmem>>, vector<1x16xf32>,
        %parallel_loop3A_229 = vector.shape_cast %parallel_loop3A_228 : vector<1x16xf32> to vector<16xf32>
        %parallel_loop3A_230 = vector.shape_cast %parallel_loop3A_225 : vector<16xf32> to vector<1x16xf32>
        tpu.vector_store %arg14[%parallel_loop3A_226, %parallel_loop3A_227], %parallel_loop3A_230 {strides = array<i32>} : memref<80x128xf32, #tpu.memory_space<vmem>>, vector<1x16xf32>,
        %parallel_loop3A_231 = arith.index_cast %parallel_loop3A_146 : i32 to index
        %parallel_loop3A_232 = arith.constant 96 : index
        %parallel_loop3A_233 = tpu.vector_load %arg14[%parallel_loop3A_231, %parallel_loop3A_232] {strides = array<i32>} : memref<80x128xf32, #tpu.memory_space<vmem>>, vector<1x16xf32>,
        %parallel_loop3A_234 = vector.shape_cast %parallel_loop3A_233 : vector<1x16xf32> to vector<16xf32>
        %parallel_loop3A_235 = arith.index_cast %parallel_loop3A_146 : i32 to index
        %parallel_loop3A_236 = arith.constant 96 : index
        %parallel_loop3A_237 = tpu.vector_load %arg15[%parallel_loop3A_235, %parallel_loop3A_236] {strides = array<i32>} : memref<80x128xf32, #tpu.memory_space<vmem>>, vector<1x16xf32>,
        %parallel_loop3A_238 = vector.shape_cast %parallel_loop3A_237 : vector<1x16xf32> to vector<16xf32>
        %parallel_loop3A_239 = arith.mulf %parallel_loop3A_234, %parallel_loop3A_238 : vector<16xf32>
        %parallel_loop3A_240 = arith.index_cast %parallel_loop3A_146 : i32 to index
        %parallel_loop3A_241 = arith.constant 96 : index
        %parallel_loop3A_242 = tpu.vector_load %arg14[%parallel_loop3A_240, %parallel_loop3A_241] {strides = array<i32>} : memref<80x128xf32, #tpu.memory_space<vmem>>, vector<1x16xf32>,
        %parallel_loop3A_243 = vector.shape_cast %parallel_loop3A_242 : vector<1x16xf32> to vector<16xf32>
        %parallel_loop3A_244 = vector.shape_cast %parallel_loop3A_239 : vector<16xf32> to vector<1x16xf32>
        tpu.vector_store %arg14[%parallel_loop3A_240, %parallel_loop3A_241], %parallel_loop3A_244 {strides = array<i32>} : memref<80x128xf32, #tpu.memory_space<vmem>>, vector<1x16xf32>,
        %parallel_loop3A_245 = arith.index_cast %parallel_loop3A_146 : i32 to index
        %parallel_loop3A_246 = arith.constant 112 : index
        %parallel_loop3A_247 = tpu.vector_load %arg14[%parallel_loop3A_245, %parallel_loop3A_246] {strides = array<i32>} : memref<80x128xf32, #tpu.memory_space<vmem>>, vector<1x16xf32>,
        %parallel_loop3A_248 = vector.shape_cast %parallel_loop3A_247 : vector<1x16xf32> to vector<16xf32>
        %parallel_loop3A_249 = arith.index_cast %parallel_loop3A_146 : i32 to index
        %parallel_loop3A_250 = arith.constant 112 : index
        %parallel_loop3A_251 = tpu.vector_load %arg15[%parallel_loop3A_249, %parallel_loop3A_250] {strides = array<i32>} : memref<80x128xf32, #tpu.memory_space<vmem>>, vector<1x16xf32>,
        %parallel_loop3A_252 = vector.shape_cast %parallel_loop3A_251 : vector<1x16xf32> to vector<16xf32>
        %parallel_loop3A_253 = arith.mulf %parallel_loop3A_248, %parallel_loop3A_252 : vector<16xf32>
        %parallel_loop3A_254 = arith.index_cast %parallel_loop3A_146 : i32 to index
        %parallel_loop3A_255 = arith.constant 112 : index
        %parallel_loop3A_256 = tpu.vector_load %arg14[%parallel_loop3A_254, %parallel_loop3A_255] {strides = array<i32>} : memref<80x128xf32, #tpu.memory_space<vmem>>, vector<1x16xf32>,
        %parallel_loop3A_257 = vector.shape_cast %parallel_loop3A_256 : vector<1x16xf32> to vector<16xf32>
        %parallel_loop3A_258 = vector.shape_cast %parallel_loop3A_253 : vector<16xf32> to vector<1x16xf32>
        tpu.vector_store %arg14[%parallel_loop3A_254, %parallel_loop3A_255], %parallel_loop3A_258 {strides = array<i32>} : memref<80x128xf32, #tpu.memory_space<vmem>>, vector<1x16xf32>,
      } {sc.loop_unroll_factor = 8 : i64, sc.parallel_access}
      %dma_start3A_121 = arith.constant 0 : i32
      %dma_start3A_122 = arith.constant 0 : i32
      %dma_start3A_123 = tpu.memref_slice %arg7[%dma_start3A_121, %dma_start3A_122] : memref<10000x128xf32, #tpu.memory_space<vmem_shared>> -> memref<10000x128xf32, #tpu.memory_space<vmem_shared>>
      tpu.enqueue_indirect_dma source(%arg14 : memref<80x128xf32, #tpu.memory_space<vmem>>) target(%dma_start3A_123 : memref<10000x128xf32, #tpu.memory_space<vmem_shared>>) offsets(%arg13 : memref<80xi32, #tpu.memory_space<vmem>>) semaphore(%arg21 : memref<!tpu.dma_semaphore, #tpu.memory_space<semaphore_mem>>) {add = true}
      %lt3A_124 = arith.constant 61 : i32
      %lt3A_125 = arith.cmpi slt, %scan3A_72, %lt3A_124 : i32
      %convert_element_type3A_126 = arith.extui %lt3A_125 : i1 to i32
      %cond3A_127 = arith.constant 0 : i32
      %cond3A_128 = arith.cmpi ne, %convert_element_type3A_126, %cond3A_127 : i32
      scf.if %cond3A_128 {
        %add3A_146 = arith.constant 160 : i32
        %add3A_147 = arith.addi %add3A_80, %add3A_146 : i32
        %dma_start3A_148 = tpu.memref_slice %arg2[%add3A_147] : memref<320000xi32, #tpu.memory_space<hbm>> -> memref<80xi32, #tpu.memory_space<hbm>>
        %dma_start3A_149 = tpu.memref_slice %arg2[%add3A_147] : memref<320000xi32, #tpu.memory_space<hbm>> -> memref<80xi32, #tpu.memory_space<hbm>>
        tpu.enqueue_dma source(%dma_start3A_149 : memref<80xi32, #tpu.memory_space<hbm>>) target(%arg12 : memref<80xi32, #tpu.memory_space<vmem>>) target_semaphore(%arg17 : memref<!tpu.dma_semaphore, #tpu.memory_space<semaphore_mem>>)
        %dma_start3A_150 = tpu.memref_slice %arg3[%add3A_147] : memref<320000xi32, #tpu.memory_space<hbm>> -> memref<80xi32, #tpu.memory_space<hbm>>
        %dma_start3A_151 = tpu.memref_slice %arg3[%add3A_147] : memref<320000xi32, #tpu.memory_space<hbm>> -> memref<80xi32, #tpu.memory_space<hbm>>
        tpu.enqueue_dma source(%dma_start3A_151 : memref<80xi32, #tpu.memory_space<hbm>>) target(%arg13 : memref<80xi32, #tpu.memory_space<vmem>>) target_semaphore(%arg17 : memref<!tpu.dma_semaphore, #tpu.memory_space<semaphore_mem>>)
        %dma_start3A_152 = arith.constant 0 : i32
        %dma_start3A_153 = tpu.memref_slice %arg5[%add3A_147, %dma_start3A_152] : memref<320000x128xf32, #tpu.memory_space<hbm>> -> memref<80x128xf32, #tpu.memory_space<hbm>>
        %dma_start3A_154 = arith.constant 0 : i32
        %dma_start3A_155 = tpu.memref_slice %arg5[%add3A_147, %dma_start3A_154] : memref<320000x128xf32, #tpu.memory_space<hbm>> -> memref<80x128xf32, #tpu.memory_space<hbm>>
        tpu.enqueue_dma source(%dma_start3A_155 : memref<80x128xf32, #tpu.memory_space<hbm>>) target(%arg15 : memref<80x128xf32, #tpu.memory_space<vmem>>) target_semaphore(%arg17 : memref<!tpu.dma_semaphore, #tpu.memory_space<semaphore_mem>>)
      } else {
      }
      %add3A_129 = arith.constant 160 : i32
      %add3A_130 = arith.addi %add3A_78, %add3A_129 : i32
      %dma_wait3A_131 = tpu.memref_slice %arg2[%add3A_130] : memref<320000xi32, #tpu.memory_space<hbm>> -> memref<80xi32, #tpu.memory_space<hbm>>
      %dma_wait3A_132 = tpu.memref_slice %arg2[%add3A_130] : memref<320000xi32, #tpu.memory_space<hbm>> -> memref<80xi32, #tpu.memory_space<hbm>>
      tpu.wait_dma2 semaphore(%arg16 : memref<!tpu.dma_semaphore, #tpu.memory_space<semaphore_mem>>) src(%dma_wait3A_132 : memref<80xi32, #tpu.memory_space<hbm>>) dst(%arg8 : memref<80xi32, #tpu.memory_space<vmem>>)
      %dma_wait3A_133 = tpu.memref_slice %arg3[%add3A_130] : memref<320000xi32, #tpu.memory_space<hbm>> -> memref<80xi32, #tpu.memory_space<hbm>>
      %dma_wait3A_134 = tpu.memref_slice %arg3[%add3A_130] : memref<320000xi32, #tpu.memory_space<hbm>> -> memref<80xi32, #tpu.memory_space<hbm>>
      tpu.wait_dma2 semaphore(%arg16 : memref<!tpu.dma_semaphore, #tpu.memory_space<semaphore_mem>>) src(%dma_wait3A_134 : memref<80xi32, #tpu.memory_space<hbm>>) dst(%arg9 : memref<80xi32, #tpu.memory_space<vmem>>)
      %dma_wait3A_135 = arith.constant 0 : i32
      %dma_wait3A_136 = tpu.memref_slice %arg5[%add3A_130, %dma_wait3A_135] : memref<320000x128xf32, #tpu.memory_space<hbm>> -> memref<80x128xf32, #tpu.memory_space<hbm>>
      %dma_wait3A_137 = arith.constant 0 : i32
      %dma_wait3A_138 = tpu.memref_slice %arg5[%add3A_130, %dma_wait3A_137] : memref<320000x128xf32, #tpu.memory_space<hbm>> -> memref<80x128xf32, #tpu.memory_space<hbm>>
      tpu.wait_dma2 semaphore(%arg16 : memref<!tpu.dma_semaphore, #tpu.memory_space<semaphore_mem>>) src(%dma_wait3A_138 : memref<80x128xf32, #tpu.memory_space<hbm>>) dst(%arg11 : memref<80x128xf32, #tpu.memory_space<vmem>>)
      %dma_wait3A_139 = arith.constant 0 : i32
      %dma_wait3A_140 = arith.constant 0 : i32
      %dma_wait3A_141 = tpu.memref_slice %arg7[%dma_wait3A_139, %dma_wait3A_140] : memref<10000x128xf32, #tpu.memory_space<vmem_shared>> -> memref<10000x128xf32, #tpu.memory_space<vmem_shared>>
      tpu.wait_indirect_dma semaphore(%arg20 : memref<!tpu.dma_semaphore, #tpu.memory_space<semaphore_mem>>) src(%arg10 : memref<80x128xf32, #tpu.memory_space<vmem>>) dst(%dma_wait3A_141 : memref<10000x128xf32, #tpu.memory_space<vmem_shared>>)
      %dma_start3A_142 = arith.constant 0 : i32
      %dma_start3A_143 = arith.constant 0 : i32
      %dma_start3A_144 = tpu.memref_slice %arg4[%dma_start3A_142, %dma_start3A_143] : memref<10000x128xf32, #tpu.memory_space<hbm>> -> memref<10000x128xf32, #tpu.memory_space<hbm>>
      tpu.enqueue_indirect_dma source(%dma_start3A_144 : memref<10000x128xf32, #tpu.memory_space<hbm>>) target(%arg10 : memref<80x128xf32, #tpu.memory_space<vmem>>) offsets(%arg8 : memref<80xi32, #tpu.memory_space<vmem>>) semaphore(%arg18 : memref<!tpu.dma_semaphore, #tpu.memory_space<semaphore_mem>>)
      %scan3A_145 = arith.constant 0 : i32
      scf.yield %scan3A_145 : i32
    }
    %scan3A_45 = arith.constant 62 : i32
    %dma_wait3A_46 = arith.constant 0 : i32
    %dma_wait3A_47 = arith.constant 0 : i32
    %dma_wait3A_48 = tpu.memref_slice %arg4[%dma_wait3A_46, %dma_wait3A_47] : memref<10000x128xf32, #tpu.memory_space<hbm>> -> memref<10000x128xf32, #tpu.memory_space<hbm>>
    tpu.wait_indirect_dma semaphore(%arg18 : memref<!tpu.dma_semaphore, #tpu.memory_space<semaphore_mem>>) src(%dma_wait3A_48 : memref<10000x128xf32, #tpu.memory_space<hbm>>) dst(%arg10 : memref<80x128xf32, #tpu.memory_space<vmem>>)
    %dma_wait3A_49 = arith.constant 0 : i32
    %dma_wait3A_50 = arith.constant 0 : i32
    %dma_wait3A_51 = tpu.memref_slice %arg7[%dma_wait3A_49, %dma_wait3A_50] : memref<10000x128xf32, #tpu.memory_space<vmem_shared>> -> memref<10000x128xf32, #tpu.memory_space<vmem_shared>>
    tpu.wait_indirect_dma semaphore(%arg21 : memref<!tpu.dma_semaphore, #tpu.memory_space<semaphore_mem>>) src(%arg14 : memref<80x128xf32, #tpu.memory_space<vmem>>) dst(%dma_wait3A_51 : memref<10000x128xf32, #tpu.memory_space<vmem_shared>>)
    %parallel_loop3A_52 = arith.constant 0 : i32
    %parallel_loop3A_53 = arith.constant 80 : i32
    %parallel_loop3A_54 = arith.constant 1 : i32
    scf.for %parallel_loop3A_72 = %parallel_loop3A_52 to %parallel_loop3A_53 step %parallel_loop3A_54  : i32 {
      %parallel_loop3A_73 = arith.index_cast %parallel_loop3A_72 : i32 to index
      %parallel_loop3A_74 = arith.constant 0 : index
      %parallel_loop3A_75 = tpu.vector_load %arg10[%parallel_loop3A_73, %parallel_loop3A_74] {strides = array<i32>} : memref<80x128xf32, #tpu.memory_space<vmem>>, vector<1x16xf32>,
      %parallel_loop3A_76 = vector.shape_cast %parallel_loop3A_75 : vector<1x16xf32> to vector<16xf32>
      %parallel_loop3A_77 = arith.index_cast %parallel_loop3A_72 : i32 to index
      %parallel_loop3A_78 = arith.constant 0 : index
      %parallel_loop3A_79 = tpu.vector_load %arg11[%parallel_loop3A_77, %parallel_loop3A_78] {strides = array<i32>} : memref<80x128xf32, #tpu.memory_space<vmem>>, vector<1x16xf32>,
      %parallel_loop3A_80 = vector.shape_cast %parallel_loop3A_79 : vector<1x16xf32> to vector<16xf32>
      %parallel_loop3A_81 = arith.mulf %parallel_loop3A_76, %parallel_loop3A_80 : vector<16xf32>
      %parallel_loop3A_82 = arith.index_cast %parallel_loop3A_72 : i32 to index
      %parallel_loop3A_83 = arith.constant 0 : index
      %parallel_loop3A_84 = tpu.vector_load %arg10[%parallel_loop3A_82, %parallel_loop3A_83] {strides = array<i32>} : memref<80x128xf32, #tpu.memory_space<vmem>>, vector<1x16xf32>,
      %parallel_loop3A_85 = vector.shape_cast %parallel_loop3A_84 : vector<1x16xf32> to vector<16xf32>
      %parallel_loop3A_86 = vector.shape_cast %parallel_loop3A_81 : vector<16xf32> to vector<1x16xf32>
      tpu.vector_store %arg10[%parallel_loop3A_82, %parallel_loop3A_83], %parallel_loop3A_86 {strides = array<i32>} : memref<80x128xf32, #tpu.memory_space<vmem>>, vector<1x16xf32>,
      %parallel_loop3A_87 = arith.index_cast %parallel_loop3A_72 : i32 to index
      %parallel_loop3A_88 = arith.constant 16 : index
      %parallel_loop3A_89 = tpu.vector_load %arg10[%parallel_loop3A_87, %parallel_loop3A_88] {strides = array<i32>} : memref<80x128xf32, #tpu.memory_space<vmem>>, vector<1x16xf32>,
      %parallel_loop3A_90 = vector.shape_cast %parallel_loop3A_89 : vector<1x16xf32> to vector<16xf32>
      %parallel_loop3A_91 = arith.index_cast %parallel_loop3A_72 : i32 to index
      %parallel_loop3A_92 = arith.constant 16 : index
      %parallel_loop3A_93 = tpu.vector_load %arg11[%parallel_loop3A_91, %parallel_loop3A_92] {strides = array<i32>} : memref<80x128xf32, #tpu.memory_space<vmem>>, vector<1x16xf32>,
      %parallel_loop3A_94 = vector.shape_cast %parallel_loop3A_93 : vector<1x16xf32> to vector<16xf32>
      %parallel_loop3A_95 = arith.mulf %parallel_loop3A_90, %parallel_loop3A_94 : vector<16xf32>
      %parallel_loop3A_96 = arith.index_cast %parallel_loop3A_72 : i32 to index
      %parallel_loop3A_97 = arith.constant 16 : index
      %parallel_loop3A_98 = tpu.vector_load %arg10[%parallel_loop3A_96, %parallel_loop3A_97] {strides = array<i32>} : memref<80x128xf32, #tpu.memory_space<vmem>>, vector<1x16xf32>,
      %parallel_loop3A_99 = vector.shape_cast %parallel_loop3A_98 : vector<1x16xf32> to vector<16xf32>
      %parallel_loop3A_100 = vector.shape_cast %parallel_loop3A_95 : vector<16xf32> to vector<1x16xf32>
      tpu.vector_store %arg10[%parallel_loop3A_96, %parallel_loop3A_97], %parallel_loop3A_100 {strides = array<i32>} : memref<80x128xf32, #tpu.memory_space<vmem>>, vector<1x16xf32>,
      %parallel_loop3A_101 = arith.index_cast %parallel_loop3A_72 : i32 to index
      %parallel_loop3A_102 = arith.constant 32 : index
      %parallel_loop3A_103 = tpu.vector_load %arg10[%parallel_loop3A_101, %parallel_loop3A_102] {strides = array<i32>} : memref<80x128xf32, #tpu.memory_space<vmem>>, vector<1x16xf32>,
      %parallel_loop3A_104 = vector.shape_cast %parallel_loop3A_103 : vector<1x16xf32> to vector<16xf32>
      %parallel_loop3A_105 = arith.index_cast %parallel_loop3A_72 : i32 to index
      %parallel_loop3A_106 = arith.constant 32 : index
      %parallel_loop3A_107 = tpu.vector_load %arg11[%parallel_loop3A_105, %parallel_loop3A_106] {strides = array<i32>} : memref<80x128xf32, #tpu.memory_space<vmem>>, vector<1x16xf32>,
      %parallel_loop3A_108 = vector.shape_cast %parallel_loop3A_107 : vector<1x16xf32> to vector<16xf32>
      %parallel_loop3A_109 = arith.mulf %parallel_loop3A_104, %parallel_loop3A_108 : vector<16xf32>
      %parallel_loop3A_110 = arith.index_cast %parallel_loop3A_72 : i32 to index
      %parallel_loop3A_111 = arith.constant 32 : index
      %parallel_loop3A_112 = tpu.vector_load %arg10[%parallel_loop3A_110, %parallel_loop3A_111] {strides = array<i32>} : memref<80x128xf32, #tpu.memory_space<vmem>>, vector<1x16xf32>,
      %parallel_loop3A_113 = vector.shape_cast %parallel_loop3A_112 : vector<1x16xf32> to vector<16xf32>
      %parallel_loop3A_114 = vector.shape_cast %parallel_loop3A_109 : vector<16xf32> to vector<1x16xf32>
      tpu.vector_store %arg10[%parallel_loop3A_110, %parallel_loop3A_111], %parallel_loop3A_114 {strides = array<i32>} : memref<80x128xf32, #tpu.memory_space<vmem>>, vector<1x16xf32>,
      %parallel_loop3A_115 = arith.index_cast %parallel_loop3A_72 : i32 to index
      %parallel_loop3A_116 = arith.constant 48 : index
      %parallel_loop3A_117 = tpu.vector_load %arg10[%parallel_loop3A_115, %parallel_loop3A_116] {strides = array<i32>} : memref<80x128xf32, #tpu.memory_space<vmem>>, vector<1x16xf32>,
      %parallel_loop3A_118 = vector.shape_cast %parallel_loop3A_117 : vector<1x16xf32> to vector<16xf32>
      %parallel_loop3A_119 = arith.index_cast %parallel_loop3A_72 : i32 to index
      %parallel_loop3A_120 = arith.constant 48 : index
      %parallel_loop3A_121 = tpu.vector_load %arg11[%parallel_loop3A_119, %parallel_loop3A_120] {strides = array<i32>} : memref<80x128xf32, #tpu.memory_space<vmem>>, vector<1x16xf32>,
      %parallel_loop3A_122 = vector.shape_cast %parallel_loop3A_121 : vector<1x16xf32> to vector<16xf32>
      %parallel_loop3A_123 = arith.mulf %parallel_loop3A_118, %parallel_loop3A_122 : vector<16xf32>
      %parallel_loop3A_124 = arith.index_cast %parallel_loop3A_72 : i32 to index
      %parallel_loop3A_125 = arith.constant 48 : index
      %parallel_loop3A_126 = tpu.vector_load %arg10[%parallel_loop3A_124, %parallel_loop3A_125] {strides = array<i32>} : memref<80x128xf32, #tpu.memory_space<vmem>>, vector<1x16xf32>,
      %parallel_loop3A_127 = vector.shape_cast %parallel_loop3A_126 : vector<1x16xf32> to vector<16xf32>
      %parallel_loop3A_128 = vector.shape_cast %parallel_loop3A_123 : vector<16xf32> to vector<1x16xf32>
      tpu.vector_store %arg10[%parallel_loop3A_124, %parallel_loop3A_125], %parallel_loop3A_128 {strides = array<i32>} : memref<80x128xf32, #tpu.memory_space<vmem>>, vector<1x16xf32>,
      %parallel_loop3A_129 = arith.index_cast %parallel_loop3A_72 : i32 to index
      %parallel_loop3A_130 = arith.constant 64 : index
      %parallel_loop3A_131 = tpu.vector_load %arg10[%parallel_loop3A_129, %parallel_loop3A_130] {strides = array<i32>} : memref<80x128xf32, #tpu.memory_space<vmem>>, vector<1x16xf32>,
      %parallel_loop3A_132 = vector.shape_cast %parallel_loop3A_131 : vector<1x16xf32> to vector<16xf32>
      %parallel_loop3A_133 = arith.index_cast %parallel_loop3A_72 : i32 to index
      %parallel_loop3A_134 = arith.constant 64 : index
      %parallel_loop3A_135 = tpu.vector_load %arg11[%parallel_loop3A_133, %parallel_loop3A_134] {strides = array<i32>} : memref<80x128xf32, #tpu.memory_space<vmem>>, vector<1x16xf32>,
      %parallel_loop3A_136 = vector.shape_cast %parallel_loop3A_135 : vector<1x16xf32> to vector<16xf32>
      %parallel_loop3A_137 = arith.mulf %parallel_loop3A_132, %parallel_loop3A_136 : vector<16xf32>
      %parallel_loop3A_138 = arith.index_cast %parallel_loop3A_72 : i32 to index
      %parallel_loop3A_139 = arith.constant 64 : index
      %parallel_loop3A_140 = tpu.vector_load %arg10[%parallel_loop3A_138, %parallel_loop3A_139] {strides = array<i32>} : memref<80x128xf32, #tpu.memory_space<vmem>>, vector<1x16xf32>,
      %parallel_loop3A_141 = vector.shape_cast %parallel_loop3A_140 : vector<1x16xf32> to vector<16xf32>
      %parallel_loop3A_142 = vector.shape_cast %parallel_loop3A_137 : vector<16xf32> to vector<1x16xf32>
      tpu.vector_store %arg10[%parallel_loop3A_138, %parallel_loop3A_139], %parallel_loop3A_142 {strides = array<i32>} : memref<80x128xf32, #tpu.memory_space<vmem>>, vector<1x16xf32>,
      %parallel_loop3A_143 = arith.index_cast %parallel_loop3A_72 : i32 to index
      %parallel_loop3A_144 = arith.constant 80 : index
      %parallel_loop3A_145 = tpu.vector_load %arg10[%parallel_loop3A_143, %parallel_loop3A_144] {strides = array<i32>} : memref<80x128xf32, #tpu.memory_space<vmem>>, vector<1x16xf32>,
      %parallel_loop3A_146 = vector.shape_cast %parallel_loop3A_145 : vector<1x16xf32> to vector<16xf32>
      %parallel_loop3A_147 = arith.index_cast %parallel_loop3A_72 : i32 to index
      %parallel_loop3A_148 = arith.constant 80 : index
      %parallel_loop3A_149 = tpu.vector_load %arg11[%parallel_loop3A_147, %parallel_loop3A_148] {strides = array<i32>} : memref<80x128xf32, #tpu.memory_space<vmem>>, vector<1x16xf32>,
      %parallel_loop3A_150 = vector.shape_cast %parallel_loop3A_149 : vector<1x16xf32> to vector<16xf32>
      %parallel_loop3A_151 = arith.mulf %parallel_loop3A_146, %parallel_loop3A_150 : vector<16xf32>
      %parallel_loop3A_152 = arith.index_cast %parallel_loop3A_72 : i32 to index
      %parallel_loop3A_153 = arith.constant 80 : index
      %parallel_loop3A_154 = tpu.vector_load %arg10[%parallel_loop3A_152, %parallel_loop3A_153] {strides = array<i32>} : memref<80x128xf32, #tpu.memory_space<vmem>>, vector<1x16xf32>,
      %parallel_loop3A_155 = vector.shape_cast %parallel_loop3A_154 : vector<1x16xf32> to vector<16xf32>
      %parallel_loop3A_156 = vector.shape_cast %parallel_loop3A_151 : vector<16xf32> to vector<1x16xf32>
      tpu.vector_store %arg10[%parallel_loop3A_152, %parallel_loop3A_153], %parallel_loop3A_156 {strides = array<i32>} : memref<80x128xf32, #tpu.memory_space<vmem>>, vector<1x16xf32>,
      %parallel_loop3A_157 = arith.index_cast %parallel_loop3A_72 : i32 to index
      %parallel_loop3A_158 = arith.constant 96 : index
      %parallel_loop3A_159 = tpu.vector_load %arg10[%parallel_loop3A_157, %parallel_loop3A_158] {strides = array<i32>} : memref<80x128xf32, #tpu.memory_space<vmem>>, vector<1x16xf32>,
      %parallel_loop3A_160 = vector.shape_cast %parallel_loop3A_159 : vector<1x16xf32> to vector<16xf32>
      %parallel_loop3A_161 = arith.index_cast %parallel_loop3A_72 : i32 to index
      %parallel_loop3A_162 = arith.constant 96 : index
      %parallel_loop3A_163 = tpu.vector_load %arg11[%parallel_loop3A_161, %parallel_loop3A_162] {strides = array<i32>} : memref<80x128xf32, #tpu.memory_space<vmem>>, vector<1x16xf32>,
      %parallel_loop3A_164 = vector.shape_cast %parallel_loop3A_163 : vector<1x16xf32> to vector<16xf32>
      %parallel_loop3A_165 = arith.mulf %parallel_loop3A_160, %parallel_loop3A_164 : vector<16xf32>
      %parallel_loop3A_166 = arith.index_cast %parallel_loop3A_72 : i32 to index
      %parallel_loop3A_167 = arith.constant 96 : index
      %parallel_loop3A_168 = tpu.vector_load %arg10[%parallel_loop3A_166, %parallel_loop3A_167] {strides = array<i32>} : memref<80x128xf32, #tpu.memory_space<vmem>>, vector<1x16xf32>,
      %parallel_loop3A_169 = vector.shape_cast %parallel_loop3A_168 : vector<1x16xf32> to vector<16xf32>
      %parallel_loop3A_170 = vector.shape_cast %parallel_loop3A_165 : vector<16xf32> to vector<1x16xf32>
      tpu.vector_store %arg10[%parallel_loop3A_166, %parallel_loop3A_167], %parallel_loop3A_170 {strides = array<i32>} : memref<80x128xf32, #tpu.memory_space<vmem>>, vector<1x16xf32>,
      %parallel_loop3A_171 = arith.index_cast %parallel_loop3A_72 : i32 to index
      %parallel_loop3A_172 = arith.constant 112 : index
      %parallel_loop3A_173 = tpu.vector_load %arg10[%parallel_loop3A_171, %parallel_loop3A_172] {strides = array<i32>} : memref<80x128xf32, #tpu.memory_space<vmem>>, vector<1x16xf32>,
      %parallel_loop3A_174 = vector.shape_cast %parallel_loop3A_173 : vector<1x16xf32> to vector<16xf32>
      %parallel_loop3A_175 = arith.index_cast %parallel_loop3A_72 : i32 to index
      %parallel_loop3A_176 = arith.constant 112 : index
      %parallel_loop3A_177 = tpu.vector_load %arg11[%parallel_loop3A_175, %parallel_loop3A_176] {strides = array<i32>} : memref<80x128xf32, #tpu.memory_space<vmem>>, vector<1x16xf32>,
      %parallel_loop3A_178 = vector.shape_cast %parallel_loop3A_177 : vector<1x16xf32> to vector<16xf32>
      %parallel_loop3A_179 = arith.mulf %parallel_loop3A_174, %parallel_loop3A_178 : vector<16xf32>
      %parallel_loop3A_180 = arith.index_cast %parallel_loop3A_72 : i32 to index
      %parallel_loop3A_181 = arith.constant 112 : index
      %parallel_loop3A_182 = tpu.vector_load %arg10[%parallel_loop3A_180, %parallel_loop3A_181] {strides = array<i32>} : memref<80x128xf32, #tpu.memory_space<vmem>>, vector<1x16xf32>,
      %parallel_loop3A_183 = vector.shape_cast %parallel_loop3A_182 : vector<1x16xf32> to vector<16xf32>
      %parallel_loop3A_184 = vector.shape_cast %parallel_loop3A_179 : vector<16xf32> to vector<1x16xf32>
      tpu.vector_store %arg10[%parallel_loop3A_180, %parallel_loop3A_181], %parallel_loop3A_184 {strides = array<i32>} : memref<80x128xf32, #tpu.memory_space<vmem>>, vector<1x16xf32>,
    } {sc.loop_unroll_factor = 8 : i64, sc.parallel_access}
    %dma_start3A_55 = arith.constant 0 : i32
    %dma_start3A_56 = arith.constant 0 : i32
    %dma_start3A_57 = tpu.memref_slice %arg7[%dma_start3A_55, %dma_start3A_56] : memref<10000x128xf32, #tpu.memory_space<vmem_shared>> -> memref<10000x128xf32, #tpu.memory_space<vmem_shared>>
    tpu.enqueue_indirect_dma source(%arg10 : memref<80x128xf32, #tpu.memory_space<vmem>>) target(%dma_start3A_57 : memref<10000x128xf32, #tpu.memory_space<vmem_shared>>) offsets(%arg9 : memref<80xi32, #tpu.memory_space<vmem>>) semaphore(%arg20 : memref<!tpu.dma_semaphore, #tpu.memory_space<semaphore_mem>>) {add = true}
    %dma_wait3A_58 = arith.constant 0 : i32
    %dma_wait3A_59 = arith.constant 0 : i32
    %dma_wait3A_60 = tpu.memref_slice %arg7[%dma_wait3A_58, %dma_wait3A_59] : memref<10000x128xf32, #tpu.memory_space<vmem_shared>> -> memref<10000x128xf32, #tpu.memory_space<vmem_shared>>
    tpu.wait_indirect_dma semaphore(%arg20 : memref<!tpu.dma_semaphore, #tpu.memory_space<semaphore_mem>>) src(%arg10 : memref<80x128xf32, #tpu.memory_space<vmem>>) dst(%dma_wait3A_60 : memref<10000x128xf32, #tpu.memory_space<vmem_shared>>)
    %barrier3A_61 = arith.constant 0 : index
    tpu.barrier barrier_id(%barrier3A_61)
    %lt3A_62 = arith.constant 15 : i32
    %lt3A_63 = arith.cmpi slt, %arg1, %lt3A_62 : i32
    %convert_element_type3A_64 = arith.extui %lt3A_63 : i1 to i32
    %cond3A_65 = arith.constant 0 : i32
    %cond3A_66 = arith.cmpi ne, %convert_element_type3A_64, %cond3A_65 : i32
    scf.if %cond3A_66 {
      "tpu.region"() ({
        %run_scoped3A = tpu.sem_alloc : memref<!tpu.dma_semaphore, #tpu.memory_space<semaphore_mem>>
        %dma_start3A_72 = arith.constant 0 : i32
        %dma_start3A_73 = tpu.memref_slice %arg6[%arg0, %mul3A_4, %dma_start3A_72] : memref<2x10000x128xf32, #tpu.memory_space<hbm>> -> memref<1x632x128xf32, #tpu.memory_space<hbm>>
        %dma_start3A_74 = tpu.memref_squeeze %dma_start3A_73 : memref<1x632x128xf32, #tpu.memory_space<hbm>> -> memref<632x128xf32, #tpu.memory_space<hbm>>
        %dma_start3A_75 = arith.constant 0 : i32
        %dma_start3A_76 = tpu.memref_slice %arg7[%mul3A_4, %dma_start3A_75] : memref<10000x128xf32, #tpu.memory_space<vmem_shared>> -> memref<632x128xf32, #tpu.memory_space<vmem_shared>>
        tpu.enqueue_dma source(%dma_start3A_76 : memref<632x128xf32, #tpu.memory_space<vmem_shared>>) target(%dma_start3A_74 : memref<632x128xf32, #tpu.memory_space<hbm>>) target_semaphore(%run_scoped3A : memref<!tpu.dma_semaphore, #tpu.memory_space<semaphore_mem>>)
        %dma_wait3A_77 = arith.constant 0 : i32
        %dma_wait3A_78 = tpu.memref_slice %arg6[%arg0, %mul3A_4, %dma_wait3A_77] : memref<2x10000x128xf32, #tpu.memory_space<hbm>> -> memref<1x632x128xf32, #tpu.memory_space<hbm>>
        %dma_wait3A_79 = tpu.memref_squeeze %dma_wait3A_78 : memref<1x632x128xf32, #tpu.memory_space<hbm>> -> memref<632x128xf32, #tpu.memory_space<hbm>>
        %dma_wait3A_80 = arith.constant 0 : i32
        %dma_wait3A_81 = tpu.memref_slice %arg7[%mul3A_4, %dma_wait3A_80] : memref<10000x128xf32, #tpu.memory_space<vmem_shared>> -> memref<632x128xf32, #tpu.memory_space<vmem_shared>>
        tpu.wait_dma2 semaphore(%run_scoped3A : memref<!tpu.dma_semaphore, #tpu.memory_space<semaphore_mem>>) src(%dma_wait3A_81 : memref<632x128xf32, #tpu.memory_space<vmem_shared>>) dst(%dma_wait3A_79 : memref<632x128xf32, #tpu.memory_space<hbm>>)
        tpu.yield
      }) : () -> ()
    } else {
    }
    %eq3A_67 = arith.constant 15 : i32
    %eq3A_68 = arith.cmpi eq, %arg1, %eq3A_67 : i32
    %convert_element_type3A_69 = arith.extui %eq3A_68 : i1 to i32
    %cond3A_70 = arith.constant 0 : i32
    %cond3A_71 = arith.cmpi ne, %convert_element_type3A_69, %cond3A_70 : i32
    scf.if %cond3A_71 {
      "tpu.region"() ({
        %run_scoped3A = tpu.sem_alloc : memref<!tpu.dma_semaphore, #tpu.memory_space<semaphore_mem>>
        %dma_start3A_72 = arith.constant 0 : i32
        %dma_start3A_73 = tpu.memref_slice %arg6[%arg0, %mul3A_4, %dma_start3A_72] : memref<2x10000x128xf32, #tpu.memory_space<hbm>> -> memref<1x520x128xf32, #tpu.memory_space<hbm>>
        %dma_start3A_74 = tpu.memref_squeeze %dma_start3A_73 : memref<1x520x128xf32, #tpu.memory_space<hbm>> -> memref<520x128xf32, #tpu.memory_space<hbm>>
        %dma_start3A_75 = arith.constant 0 : i32
        %dma_start3A_76 = tpu.memref_slice %arg7[%mul3A_4, %dma_start3A_75] : memref<10000x128xf32, #tpu.memory_space<vmem_shared>> -> memref<520x128xf32, #tpu.memory_space<vmem_shared>>
        tpu.enqueue_dma source(%dma_start3A_76 : memref<520x128xf32, #tpu.memory_space<vmem_shared>>) target(%dma_start3A_74 : memref<520x128xf32, #tpu.memory_space<hbm>>) target_semaphore(%run_scoped3A : memref<!tpu.dma_semaphore, #tpu.memory_space<semaphore_mem>>)
        %dma_wait3A_77 = arith.constant 0 : i32
        %dma_wait3A_78 = tpu.memref_slice %arg6[%arg0, %mul3A_4, %dma_wait3A_77] : memref<2x10000x128xf32, #tpu.memory_space<hbm>> -> memref<1x520x128xf32, #tpu.memory_space<hbm>>
        %dma_wait3A_79 = tpu.memref_squeeze %dma_wait3A_78 : memref<1x520x128xf32, #tpu.memory_space<hbm>> -> memref<520x128xf32, #tpu.memory_space<hbm>>
        %dma_wait3A_80 = arith.constant 0 : i32
        %dma_wait3A_81 = tpu.memref_slice %arg7[%mul3A_4, %dma_wait3A_80] : memref<10000x128xf32, #tpu.memory_space<vmem_shared>> -> memref<520x128xf32, #tpu.memory_space<vmem_shared>>
        tpu.wait_dma2 semaphore(%run_scoped3A : memref<!tpu.dma_semaphore, #tpu.memory_space<semaphore_mem>>) src(%dma_wait3A_81 : memref<520x128xf32, #tpu.memory_space<vmem_shared>>) dst(%dma_wait3A_79 : memref<520x128xf32, #tpu.memory_space<hbm>>)
        tpu.yield
      }) : () -> ()
    } else {
    }
    return
  }
}

module attributes {stable_mosaic.version = 14 : i64} {
  func.func @_node_mlp_body(%arg0: i32, %arg1: memref<2000x128xf32, #tpu.memory_space<vmem>>, %arg2: memref<128x128xf32, #tpu.memory_space<vmem>>, %arg3: memref<1x128xf32, #tpu.memory_space<vmem>>, %arg4: memref<2000x128xf32, #tpu.memory_space<vmem>>) attributes {dimension_semantics = [#tpu.dimension_semantics<arbitrary>], iteration_bounds = array<i64: 5>, scalar_prefetch = 0 : i64, scratch_operands = 0 : i64, tpu.core_type = #tpu.core_type<tc>, window_params = [{transform_indices = @transform_0, window_bounds = array<i64: 2000, 128>}, {pipeline_mode = #tpu.pipeline_mode<synchronous>, transform_indices = @transform_1, window_bounds = array<i64: 128, 128>}, {pipeline_mode = #tpu.pipeline_mode<synchronous>, transform_indices = @transform_2, window_bounds = array<i64: 1, 128>}, {transform_indices = @transform_3, window_bounds = array<i64: 2000, 128>}]} {
    %get3A = arith.constant 0 : index
    %get3A_0 = arith.constant 0 : index
    %get3A_1 = vector.load %arg1[%get3A, %get3A_0] : memref<2000x128xf32, #tpu.memory_space<vmem>>, vector<2000x128xf32>
    %get3A_2 = arith.constant 0 : index
    %get3A_3 = arith.constant 0 : index
    %get3A_4 = vector.load %arg2[%get3A_2, %get3A_3] : memref<128x128xf32, #tpu.memory_space<vmem>>, vector<128x128xf32>
    %dot_general3A = arith.constant dense<0.000000e+00> : vector<2000x128xf32>
    %dot_general3A_5 = tpu.matmul %get3A_1, %get3A_4, %dot_general3A {dimension_numbers = #tpu.dot_dimension_numbers<[1], [0], [0], [1], [0, 0, 1, 1], [], []>, transpose_lhs_hint = false} : vector<2000x128xf32>, vector<128x128xf32>, vector<2000x128xf32> -> vector<2000x128xf32>
    %get3A_6 = arith.constant 0 : index
    %get3A_7 = arith.constant 0 : index
    %get3A_8 = vector.load %arg3[%get3A_6, %get3A_7] : memref<1x128xf32, #tpu.memory_space<vmem>>, vector<1x128xf32>
    %add3A = vector.broadcast %get3A_8 : vector<1x128xf32> to vector<2000x128xf32>
    %add3A_9 = arith.addf %dot_general3A_5, %add3A : vector<2000x128xf32>
    %mul3A = arith.constant 5.000000e-01 : f32
    %mul3A_10 = vector.broadcast %mul3A : f32 to vector<2000x128xf32>
    %mul3A_11 = arith.mulf %mul3A_10, %add3A_9 : vector<2000x128xf32>
    %mul3A_12 = arith.constant 0.707106769 : f32
    %mul3A_13 = vector.broadcast %mul3A_12 : f32 to vector<2000x128xf32>
    %mul3A_14 = arith.mulf %add3A_9, %mul3A_13 : vector<2000x128xf32>
    %erf3A = math.erf %mul3A_14 : vector<2000x128xf32>
    %add3A_15 = arith.constant 1.000000e+00 : f32
    %add3A_16 = vector.broadcast %add3A_15 : f32 to vector<2000x128xf32>
    %add3A_17 = arith.addf %add3A_16, %erf3A : vector<2000x128xf32>
    %mul3A_18 = arith.mulf %mul3A_11, %add3A_17 : vector<2000x128xf32>
    %swap3A = arith.constant 0 : index
    %swap3A_19 = arith.constant 0 : index
    %swap3A_20 = vector.load %arg4[%swap3A, %swap3A_19] : memref<2000x128xf32, #tpu.memory_space<vmem>>, vector<2000x128xf32>
    tpu.vector_store %arg4[%swap3A, %swap3A_19], %mul3A_18 {strides = array<i32>} : memref<2000x128xf32, #tpu.memory_space<vmem>>, vector<2000x128xf32>,
    return
  }
  func.func @transform_0(%arg0: i32) -> (i32, i32) {
    %c0_i32 = arith.constant 0 : i32
    %c0_i32_0 = arith.constant 0 : i32
    return %arg0, %c0_i32 : i32, i32
  }
  func.func @transform_1(%arg0: i32) -> (i32, i32) {
    %c0_i32 = arith.constant 0 : i32
    %c0_i32_0 = arith.constant 0 : i32
    %c0_i32_1 = arith.constant 0 : i32
    return %c0_i32, %c0_i32_0 : i32, i32
  }
  func.func @transform_2(%arg0: i32) -> (i32, i32) {
    %c0_i32 = arith.constant 0 : i32
    %c0_i32_0 = arith.constant 0 : i32
    %c0_i32_1 = arith.constant 0 : i32
    return %c0_i32, %c0_i32_0 : i32, i32
  }
  func.func @transform_3(%arg0: i32) -> (i32, i32) {
    %c0_i32 = arith.constant 0 : i32
    %c0_i32_0 = arith.constant 0 : i32
    return %arg0, %c0_i32 : i32, i32
  }
}

module attributes {stable_mosaic.version = 14 : i64} {
  func.func @_ffn_body(%arg0: i32, %arg1: memref<2000x128xf32, #tpu.memory_space<vmem>>, %arg2: memref<2x2000x128xf32, #tpu.memory_space<vmem>>, %arg3: memref<128x128xf32, #tpu.memory_space<vmem>>, %arg4: memref<1x128xf32, #tpu.memory_space<vmem>>, %arg5: memref<1x128xf32, #tpu.memory_space<vmem>>, %arg6: memref<1x128xf32, #tpu.memory_space<vmem>>, %arg7: memref<128x128xf32, #tpu.memory_space<vmem>>, %arg8: memref<1x128xf32, #tpu.memory_space<vmem>>, %arg9: memref<1x128xf32, #tpu.memory_space<vmem>>, %arg10: memref<1x128xf32, #tpu.memory_space<vmem>>, %arg11: memref<2000x128xf32, #tpu.memory_space<vmem>>) attributes {dimension_semantics = [#tpu.dimension_semantics<arbitrary>], iteration_bounds = array<i64: 5>, scalar_prefetch = 0 : i64, scratch_operands = 0 : i64, tpu.core_type = #tpu.core_type<tc>, window_params = [{transform_indices = @transform_0, window_bounds = array<i64: 2000, 128>}, {transform_indices = @transform_1, window_bounds = array<i64: 2, 2000, 128>}, {pipeline_mode = #tpu.pipeline_mode<synchronous>, transform_indices = @transform_2, window_bounds = array<i64: 128, 128>}, {pipeline_mode = #tpu.pipeline_mode<synchronous>, transform_indices = @transform_3, window_bounds = array<i64: 1, 128>}, {pipeline_mode = #tpu.pipeline_mode<synchronous>, transform_indices = @transform_4, window_bounds = array<i64: 1, 128>}, {pipeline_mode = #tpu.pipeline_mode<synchronous>, transform_indices = @transform_5, window_bounds = array<i64: 1, 128>}, {pipeline_mode = #tpu.pipeline_mode<synchronous>, transform_indices = @transform_6, window_bounds = array<i64: 128, 128>}, {pipeline_mode = #tpu.pipeline_mode<synchronous>, transform_indices = @transform_7, window_bounds = array<i64: 1, 128>}, {pipeline_mode = #tpu.pipeline_mode<synchronous>, transform_indices = @transform_8, window_bounds = array<i64: 1, 128>}, {pipeline_mode = #tpu.pipeline_mode<synchronous>, transform_indices = @transform_9, window_bounds = array<i64: 1, 128>}, {transform_indices = @transform_10, window_bounds = array<i64: 2000, 128>}]} {
    %get3A = arith.constant 0 : index
    %get3A_0 = arith.constant 0 : index
    %get3A_1 = vector.load %arg1[%get3A, %get3A_0] : memref<2000x128xf32, #tpu.memory_space<vmem>>, vector<2000x128xf32>
    %get3A_2 = arith.constant 0 : index
    %get3A_3 = arith.constant 0 : index
    %get3A_4 = arith.constant 0 : index
    %get3A_5 = vector.load %arg2[%get3A_2, %get3A_3, %get3A_4] : memref<2x2000x128xf32, #tpu.memory_space<vmem>>, vector<1x2000x128xf32>
    %get3A_6 = vector.shape_cast %get3A_5 : vector<1x2000x128xf32> to vector<2000x128xf32>
    %add3A = arith.addf %get3A_1, %get3A_6 : vector<2000x128xf32>
    %get3A_7 = arith.constant 1 : index
    %get3A_8 = arith.constant 0 : index
    %get3A_9 = arith.constant 0 : index
    %get3A_10 = vector.load %arg2[%get3A_7, %get3A_8, %get3A_9] : memref<2x2000x128xf32, #tpu.memory_space<vmem>>, vector<1x2000x128xf32>
    %get3A_11 = vector.shape_cast %get3A_10 : vector<1x2000x128xf32> to vector<2000x128xf32>
    %add3A_12 = arith.addf %add3A, %get3A_11 : vector<2000x128xf32>
    %get3A_13 = arith.constant 0 : index
    %get3A_14 = arith.constant 0 : index
    %get3A_15 = vector.load %arg3[%get3A_13, %get3A_14] : memref<128x128xf32, #tpu.memory_space<vmem>>, vector<128x128xf32>
    %dot_general3A = arith.constant dense<0.000000e+00> : vector<2000x128xf32>
    %dot_general3A_16 = tpu.matmul %add3A_12, %get3A_15, %dot_general3A {dimension_numbers = #tpu.dot_dimension_numbers<[1], [0], [0], [1], [0, 0, 1, 1], [], []>, transpose_lhs_hint = false} : vector<2000x128xf32>, vector<128x128xf32>, vector<2000x128xf32> -> vector<2000x128xf32>
    %get3A_17 = arith.constant 0 : index
    %get3A_18 = arith.constant 0 : index
    %get3A_19 = vector.load %arg4[%get3A_17, %get3A_18] : memref<1x128xf32, #tpu.memory_space<vmem>>, vector<1x128xf32>
    %add3A_20 = vector.broadcast %get3A_19 : vector<1x128xf32> to vector<2000x128xf32>
    %add3A_21 = arith.addf %dot_general3A_16, %add3A_20 : vector<2000x128xf32>
    %get3A_22 = arith.constant 0 : index
    %get3A_23 = arith.constant 0 : index
    %get3A_24 = vector.load %arg5[%get3A_22, %get3A_23] : memref<1x128xf32, #tpu.memory_space<vmem>>, vector<1x128xf32>
    %mul3A = arith.constant 0.999994993 : f32
    %mul3A_25 = vector.broadcast %mul3A : f32 to vector<1x128xf32>
    %mul3A_26 = arith.mulf %get3A_24, %mul3A_25 : vector<1x128xf32>
    %mul3A_27 = vector.broadcast %mul3A_26 : vector<1x128xf32> to vector<2000x128xf32>
    %mul3A_28 = arith.mulf %add3A_21, %mul3A_27 : vector<2000x128xf32>
    %get3A_29 = arith.constant 0 : index
    %get3A_30 = arith.constant 0 : index
    %get3A_31 = vector.load %arg6[%get3A_29, %get3A_30] : memref<1x128xf32, #tpu.memory_space<vmem>>, vector<1x128xf32>
    %add3A_32 = vector.broadcast %get3A_31 : vector<1x128xf32> to vector<2000x128xf32>
    %add3A_33 = arith.addf %mul3A_28, %add3A_32 : vector<2000x128xf32>
    %max3A = arith.constant 0.000000e+00 : f32
    %max3A_34 = vector.broadcast %max3A : f32 to vector<2000x128xf32>
    %max3A_35 = arith.maximumf %add3A_33, %max3A_34 : vector<2000x128xf32>
    %get3A_36 = arith.constant 0 : index
    %get3A_37 = arith.constant 0 : index
    %get3A_38 = vector.load %arg7[%get3A_36, %get3A_37] : memref<128x128xf32, #tpu.memory_space<vmem>>, vector<128x128xf32>
    %dot_general3A_39 = arith.constant dense<0.000000e+00> : vector<2000x128xf32>
    %dot_general3A_40 = tpu.matmul %max3A_35, %get3A_38, %dot_general3A_39 {dimension_numbers = #tpu.dot_dimension_numbers<[1], [0], [0], [1], [0, 0, 1, 1], [], []>, transpose_lhs_hint = false} : vector<2000x128xf32>, vector<128x128xf32>, vector<2000x128xf32> -> vector<2000x128xf32>
    %get3A_41 = arith.constant 0 : index
    %get3A_42 = arith.constant 0 : index
    %get3A_43 = vector.load %arg8[%get3A_41, %get3A_42] : memref<1x128xf32, #tpu.memory_space<vmem>>, vector<1x128xf32>
    %add3A_44 = vector.broadcast %get3A_43 : vector<1x128xf32> to vector<2000x128xf32>
    %add3A_45 = arith.addf %dot_general3A_40, %add3A_44 : vector<2000x128xf32>
    %get3A_46 = arith.constant 0 : index
    %get3A_47 = arith.constant 0 : index
    %get3A_48 = vector.load %arg9[%get3A_46, %get3A_47] : memref<1x128xf32, #tpu.memory_space<vmem>>, vector<1x128xf32>
    %mul3A_49 = arith.constant 0.999994993 : f32
    %mul3A_50 = vector.broadcast %mul3A_49 : f32 to vector<1x128xf32>
    %mul3A_51 = arith.mulf %get3A_48, %mul3A_50 : vector<1x128xf32>
    %mul3A_52 = vector.broadcast %mul3A_51 : vector<1x128xf32> to vector<2000x128xf32>
    %mul3A_53 = arith.mulf %add3A_45, %mul3A_52 : vector<2000x128xf32>
    %get3A_54 = arith.constant 0 : index
    %get3A_55 = arith.constant 0 : index
    %get3A_56 = vector.load %arg10[%get3A_54, %get3A_55] : memref<1x128xf32, #tpu.memory_space<vmem>>, vector<1x128xf32>
    %add3A_57 = vector.broadcast %get3A_56 : vector<1x128xf32> to vector<2000x128xf32>
    %add3A_58 = arith.addf %mul3A_53, %add3A_57 : vector<2000x128xf32>
    %max3A_59 = arith.constant 0.000000e+00 : f32
    %max3A_60 = vector.broadcast %max3A_59 : f32 to vector<2000x128xf32>
    %max3A_61 = arith.maximumf %add3A_58, %max3A_60 : vector<2000x128xf32>
    %add3A_62 = arith.addf %add3A_12, %max3A_61 : vector<2000x128xf32>
    %swap3A = arith.constant 0 : index
    %swap3A_63 = arith.constant 0 : index
    %swap3A_64 = vector.load %arg11[%swap3A, %swap3A_63] : memref<2000x128xf32, #tpu.memory_space<vmem>>, vector<2000x128xf32>
    tpu.vector_store %arg11[%swap3A, %swap3A_63], %add3A_62 {strides = array<i32>} : memref<2000x128xf32, #tpu.memory_space<vmem>>, vector<2000x128xf32>,
    return
  }
  func.func @transform_0(%arg0: i32) -> (i32, i32) {
    %c0_i32 = arith.constant 0 : i32
    %c0_i32_0 = arith.constant 0 : i32
    return %arg0, %c0_i32 : i32, i32
  }
  func.func @transform_1(%arg0: i32) -> (i32, i32, i32) {
    %c0_i32 = arith.constant 0 : i32
    %c0_i32_0 = arith.constant 0 : i32
    %c0_i32_1 = arith.constant 0 : i32
    return %c0_i32, %arg0, %c0_i32_0 : i32, i32, i32
  }
  func.func @transform_2(%arg0: i32) -> (i32, i32) {
    %c0_i32 = arith.constant 0 : i32
    %c0_i32_0 = arith.constant 0 : i32
    %c0_i32_1 = arith.constant 0 : i32
    return %c0_i32, %c0_i32_0 : i32, i32
  }
  func.func @transform_3(%arg0: i32) -> (i32, i32) {
    %c0_i32 = arith.constant 0 : i32
    %c0_i32_0 = arith.constant 0 : i32
    %c0_i32_1 = arith.constant 0 : i32
    return %c0_i32, %c0_i32_0 : i32, i32
  }
  func.func @transform_4(%arg0: i32) -> (i32, i32) {
    %c0_i32 = arith.constant 0 : i32
    %c0_i32_0 = arith.constant 0 : i32
    %c0_i32_1 = arith.constant 0 : i32
    return %c0_i32, %c0_i32_0 : i32, i32
  }
  func.func @transform_5(%arg0: i32) -> (i32, i32) {
    %c0_i32 = arith.constant 0 : i32
    %c0_i32_0 = arith.constant 0 : i32
    %c0_i32_1 = arith.constant 0 : i32
    return %c0_i32, %c0_i32_0 : i32, i32
  }
  func.func @transform_6(%arg0: i32) -> (i32, i32) {
    %c0_i32 = arith.constant 0 : i32
    %c0_i32_0 = arith.constant 0 : i32
    %c0_i32_1 = arith.constant 0 : i32
    return %c0_i32, %c0_i32_0 : i32, i32
  }
  func.func @transform_7(%arg0: i32) -> (i32, i32) {
    %c0_i32 = arith.constant 0 : i32
    %c0_i32_0 = arith.constant 0 : i32
    %c0_i32_1 = arith.constant 0 : i32
    return %c0_i32, %c0_i32_0 : i32, i32
  }
  func.func @transform_8(%arg0: i32) -> (i32, i32) {
    %c0_i32 = arith.constant 0 : i32
    %c0_i32_0 = arith.constant 0 : i32
    %c0_i32_1 = arith.constant 0 : i32
    return %c0_i32, %c0_i32_0 : i32, i32
  }
  func.func @transform_9(%arg0: i32) -> (i32, i32) {
    %c0_i32 = arith.constant 0 : i32
    %c0_i32_0 = arith.constant 0 : i32
    %c0_i32_1 = arith.constant 0 : i32
    return %c0_i32, %c0_i32_0 : i32, i32
  }
  func.func @transform_10(%arg0: i32) -> (i32, i32) {
    %c0_i32 = arith.constant 0 : i32
    %c0_i32_0 = arith.constant 0 : i32
    return %arg0, %c0_i32 : i32, i32
  }
}

</mosaic_0001>

<sc_bundles>
// kernel: kernel.5.cloned.1.call-start
scs
__scs_entry_jumppad:
0x0: {  	(pc) =	sbr.rel $0x88, $3  }
0x1: {  	(tag) =	ssettag $0x0;
	lr =	simm.s32 $0x1  }
0x2: {  	[smem:$0x3F94] =	sst lr;
	_ =	strace $0xD0000000  }
0x3: {  	_ = 	snop  }
0x4: {  	_ = 	snop  }
0x5: {  	_ = 	snop  }
0x6: {  	_ = 	snop  }
0x7: {  	_ = 	snop  }
__scs_overlays_trampoline_lowered:
0x8: {  	[smem:$0x3FA3] =	sst s0  }
0x9: {  	[smem:$0x3FA4] =	sst s1  }
0xa: {  	[smem:$0x3FA5] =	sst s2  }
0xb: {  	[smem:$0x3FA6] =	sst s3  }
0xc: {  	[smem:$0x3FA7] =	sst s4  }
0xd: {  	[smem:$0x3FA8] =	sst s5  }
0xe: {  	[smem:$0x3FA9] =	sst s6  }
0xf: {  	[smem:$0x3FAA] =	sst s7  }
0x10: {  	[smem:$0x3FAB] =	sst s8  }
0x11: {  	[smem:$0x3FAC] =	sst s9;
	s0 =	simm.s32 @!p0 $0x0  }
0x12: {  	s1 =	sld [smem:$0x3F92];
	s0 =	simm.s32 @p0 $0x1  }
0x13: {  	[smem:$0x3FAD] =	sst s0;
	s0 =	simm.s32 @!p1 $0x0  }
0x14: {  	s2 =	sld [smem:$0x3F91];
	s0 =	simm.s32 @p1 $0x1  }
0x15: {  	[smem:$0x3FAE] =	sst s0;
	s0 =	simm.s32 @!p2 $0x0  }
0x16: {  	s3 =	sld [smem:$0x3FDB];
	s0 =	simm.s32 @p2 $0x1  }
0x17: {  	s4 =	simm.s32 $0x1BF5;
	[smem:$0x3FB0] =	sst s0  }
0x18: {  	s0 =	sld [smem:$0x3F93];
	_ =	swait.ge [sflag:s4], $0x0  }
0x19: {  	s7 =	sld [smem:$0x3F94]  }
0x1a: {  	s8 =	sadd.s32 $0xFFFFE003, lr  }
0x1b: {  	s9 =	sadd.s32 $0xFFFFFEF7, lr;
	s5 =	simm.s32 $0xFFFFFFFF;
	p2 =	slt.u32 s8, $0xFFFFF086  }
0x1c: {  	p1 =	slt.u32 s9, $0xF7A;
	s5 =	simm.s32 @!p2 $0x0  }
0x1d: {  	s5 =	simm.s32 @p1 $0x1;
	p0 =	seq.s32 s7, s2  }
0x1e: {  	s7 =	smul.u32 @!p0 $0xF7A, s2;
	p2 =	seq.s32 @!p0 s5, $0x0  }
0x1f: {  	s9 =	smul.u32 $0xF7A, s1;
	s8 =	simm.s32 @!p0 $0x1BF5;
	p2 =	por !p2, p0  }
0x20: {  	[sflag:s8] =	ssyncset.s32 @!p0 $0xFFFFF086;
	s6 =	sadd.s32 @!p0 s3, s7;
	s7 =	simm.s32 @!p0 $0x108  }
0x21: {  	s3 =	sadd.s32 s3, s9;
	s6 =	sadd.s32 @!p0 $0x88, s6;
	s7 =	simm.s32 @p2 $0x1082  }
0x22: {  	[simem:s7], [sflag:s8] =	dma.local @!p0 [hbm:s6], $0xF7A  }
0x23: {  	s9 =	sor.u32 $0xD0000000, s2;
	s6 =	simm.s32 $0x108;
	_ =	swait.ge @!p0 [sflag:s8], $0x0  }
0x24: {  	s3 =	sadd.s32 $0x88, s3;
	s6 =	simm.s32 @!p1 $0x1082;
	[sflag:s4] =	ssyncset.s32 $0xFFFFF086  }
0x25: {  	[simem:s6], [sflag:s4] =	dma.local [hbm:s3], $0xF7A  }
0x26: {  	[smem:$0x3F94] =	sst s1;
	(tag) =	ssettag s2;
	_ =	strace s9  }
0x27: {  	s1 =	sld [smem:$0x3FA4]  }
0x28: {  	s2 =	sld [smem:$0x3FA5]  }
0x29: {  	s4 =	sld [smem:$0x3FA7]  }
0x2a: {  	p0 =	seq.s32 s5, $0x0;
	s5 =	sld [smem:$0x3FA8]  }
0x2b: {  	s6 =	sld [smem:$0x3FA9]  }
0x2c: {  	s7 =	sld [smem:$0x3FAA]  }
0x2d: {  	s3 =	simm.s32 $0x108;
	s8 =	sld [smem:$0x3FAB]  }
0x2e: {  	s3 =	simm.s32 @!p0 $0x1082;
	s9 =	sld [smem:$0x3FAC]  }
0x2f: {  	lr =	sadd.s32 s0, s3;
	s0 =	sld [smem:$0x3FA3]  }
0x30: {  	s3 =	sld [smem:$0x3FA6]  }
0x31: {  	[smem:$0x3FAF] =	sst s10  }
0x32: {  	s10 =	sld [smem:$0x3FAD];
	_ =	sdelay $0x3  }
0x33: {  	p0 =	seq.s32 s10, $0x1;
	s10 =	sld [smem:$0x3FAF];
	_ =	sdelay $0x3  }
0x34: {  	[smem:$0x3FAF] =	sst s10  }
0x35: {  	s10 =	sld [smem:$0x3FAE];
	_ =	sdelay $0x3  }
0x36: {  	p1 =	seq.s32 s10, $0x1;
	s10 =	sld [smem:$0x3FAF];
	_ =	sdelay $0x3  }
0x37: {  	[smem:$0x3FAF] =	sst s10  }
0x38: {  	s10 =	sld [smem:$0x3FB0]  }
0x39: {  	_ = 	snop;
	(pc) =	sbr.ind lr, $3  }
0x3a: {  	_ = 	snop  }
0x3b: {  	_ = 	snop  }
0x3c: {  	p2 =	seq.s32 s10, $0x1;
	s10 =	sld [smem:$0x3FAF]  }
0x3d: {  	_ =	shalt  }
0x3e: {  	_ =	shalt  }
0x3f: {  	_ =	shalt  }
0x40: {  	_ =	shalt  }
0x41: {  	_ =	shalt  }
0x42: {  	_ =	shalt  }
0x43: {  	_ =	shalt  }
0x44: {  	_ =	shalt  }
0x45: {  	_ =	shalt  }
0x46: {  	_ =	shalt  }
0x47: {  	_ =	shalt  }
0x48: {  	_ =	shalt  }
0x49: {  	_ =	shalt  }
0x4a: {  	_ =	shalt  }
0x4b: {  	_ =	shalt  }
0x4c: {  	_ =	shalt  }
0x4d: {  	_ =	shalt  }
0x4e: {  	_ =	shalt  }
0x4f: {  	_ =	shalt  }
0x50: {  	_ =	shalt  }
0x51: {  	_ =	shalt  }
0x52: {  	_ =	shalt  }
0x53: {  	_ =	shalt  }
0x54: {  	_ =	shalt  }
0x55: {  	_ =	shalt  }
0x56: {  	_ =	shalt  }
0x57: {  	_ =	shalt  }
0x58: {  	_ =	shalt  }
0x59: {  	_ =	shalt  }
0x5a: {  	_ =	shalt  }
0x5b: {  	_ =	shalt  }
0x5c: {  	_ =	shalt  }
0x5d: {  	_ =	shalt  }
0x5e: {  	_ =	shalt  }
0x5f: {  	_ =	shalt  }
0x60: {  	_ =	shalt  }
0x61: {  	_ =	shalt  }
0x62: {  	_ =	shalt  }
0x63: {  	_ =	shalt  }
0x64: {  	_ =	shalt  }
0x65: {  	_ =	shalt  }
0x66: {  	_ =	shalt  }
0x67: {  	_ =	shalt  }
0x68: {  	_ =	shalt  }
0x69: {  	_ =	shalt  }
0x6a: {  	_ =	shalt  }
0x6b: {  	_ =	shalt  }
0x6c: {  	_ =	shalt  }
0x6d: {  	_ =	shalt  }
0x6e: {  	_ =	shalt  }
0x6f: {  	_ =	shalt  }
0x70: {  	_ =	shalt  }
0x71: {  	_ =	shalt  }
0x72: {  	_ =	shalt  }
0x73: {  	_ =	shalt  }
0x74: {  	_ =	shalt  }
0x75: {  	_ =	shalt  }
0x76: {  	_ =	shalt  }
0x77: {  	_ =	shalt  }
0x78: {  	_ =	shalt  }
0x79: {  	_ =	shalt  }
0x7a: {  	_ =	shalt  }
0x7b: {  	_ =	shalt  }
0x7c: {  	_ =	shalt  }
0x7d: {  	_ =	shalt  }
0x7e: {  	_ =	shalt  }
0x7f: {  	_ =	shalt  }
0x80: {  	_ =	shalt  }
0x81: {  	_ =	shalt  }
0x82: {  	_ =	shalt  }
0x83: {  	_ =	shalt  }
0x84: {  	_ =	shalt  }
0x85: {  	_ =	shalt  }
0x86: {  	_ =	shalt  }
0x87: {  	_ =	shalt  }
.Lfunc_end0:
.L_simem_size_0:
called_computation_lowered:
.L_overlay_start_0:
0x88: {  	s2 =	sld [smem:$0x3FD9]  }
0x89: {  	s3 =	sld [smem:$0x3FFE];
	_ =	sdelay $0x1  }
0x8a: {  	s1 =	srdreg.scid  }
0x8b: {  	s0 =	sand.u32 $0x1, s1  }
0x8c: {  	s17 =	sshll.u32 s0, $0xA;
	s2 =	sadd.s32 s3, s2  }
0x8d: {  	s2 =	sadd.s32 s2, s17  }
0x8e: {  	[smem:$0x3FBB] =	sst s2  }
0x8f: {  	_ = 	snop  }
0x90: {  	s2 =	sld [smem:$0x3FC7]  }
0x91: {  	s18 =	sld [smem:$0x3FD0];
	(tm) =	ssettm $0x1  }
0x92: {  	s4 =	sld [smem:$0x3FFB];
	_ =	sdelay $0x3  }
0x93: {  	_ =	strace s4  }
0x94: {  	s4 =	sld [smem:$0x3FFC];
	_ =	sdelay $0x3  }
0x95: {  	_ =	strace s4  }
0x96: {  	s4 =	sld [smem:$0x3FFD];
	_ =	sdelay $0x3  }
0x97: {  	_ =	strace s4  }
0x98: {  	_ =	strace $0x8FFFFFFF  }
0x99: {  	s19 =	sld [smem:$0x3FDB];
	_ =	sdelay $0x1  }
0x9a: {  	s5 =	simm.s32 $_scs_section_size  }
0x9b: {  	s6 =	simm.s32 $_size__tile_overlayer_lowered;
	s7 =	simm.s32 $_tile_overlayer_lowered  }
0x9c: {  	s22 =	simm.s32 $0x1BFF;
	s21 =	sshll.u32 s7, $0x1;
	s4 =	sadd.s32 s5, s19  }
0x9d: {  	s8 =	simm.s32 $0x0;
	s20 =	sshll.u32 s6, $0x1;
	s6 =	sadd.s32 s21, s4  }
0x9e: {  	[timem:s8], [sflag:s22] =	dma.local [hbm:s6], s20  }
0x9f: {  	_ =	swait.ge [sflag:s22], s20  }
0xa0: {  	s5 =	ssub.s32 $0x0, s20;
	[sflag:s22] =	ssyncset.done $0x0  }
0xa1: {  	[sflag:s22] =	ssyncadd.s32 s5;
	_ =	sdelay $0x1  }
0xa2: {  	s23 =	simm.s32 $0x1B8B  }
0xa3: {  	_ =	swait.ge [sflag:s23], $0x1  }
0xa4: {  	[sflag:s23] =	ssyncset.done $0x0  }
0xa5: {  	s25 =	simm.s32 $0x1B8E;
	s24 =	sld [smem:$0x3FFE];
	[sflag:s23] =	ssyncadd.s32 $0xFFFFFFFF  }
0xa6: {  	s26 =	simm.s32 $execute0_lowered;
	[smem:$0x3FD2] =	sst s25  }
0xa7: {  	s6 =	sshll.u32 s26, $0x1;
	_ =	strace $0x80000046;
	[dreg:$0x1] =	wrdreg $0xFFFFFFFF  }
0xa8: {  	s28 =	simm.s32 $_size_execute0_lowered;
	s4 =	sadd.s32 s4, s6;
	[dreg:$0x0] =	wrdreg $0x0  }
0xa9: {  	s6 =	sshll.u32 s28, $0x1;
	[dreg:$0x2] =	wrdreg s4  }
0xaa: {  	[dreg:$0x3] =	wrdreg s6  }
0xab: {  	[dreg:$0x4] =	wrdreg $0xC0  }
0xac: {  	_ =	task [dreg:s8], $0x5FFFF  }
0xad: {  	[dreg:$0x1] =	wrdreg $0xFFFFFFFF  }
0xae: {  	[dreg:$0x0] =	wrdreg $0x60  }
0xaf: {  	[dreg:$0x2] =	wrdreg s24  }
0xb0: {  	[dreg:$0x3] =	wrdreg s18  }
0xb1: {  	[dreg:$0x4] =	wrdreg s2  }
0xb2: {  	[dreg:$0x5] =	wrdreg $0x0  }
0xb3: {  	[dreg:$0x6] =	wrdreg $0x9  }
0xb4: {  	_ =	task.clear_ibuf [dreg:s8], $0x7FFFF;
	_ =	strace $0x90000046  }
0xb5: {  	s29 =	simm.s32 $0x9;
	_ =	strace $0x80000048  }
0xb6: {  	_ =	swait.ge [sflag:s29], $0x1  }
0xb7: {  	[sflag:s29] =	ssyncadd.s32 $0xFFFFFFFF  }
0xb8: {  	_ =	strace $0x90000048  }
0xb9: {  	_ =	sfence  }
0xba: {  	s30 =	sld [smem:$0x0];
	_ =	sdelay $0x2  }
0xbb: {  	s31 =	sshll.u32 s1, $0xD;
	s1 =	sshrl.u32 s1, $0x2  }
0xbc: {  	s3 =	sand.u32 $0x4000, s31;
	s1 =	sadd.s32 s1, s30  }
0xbd: {  	s0 =	sor.u32 s3, s0;
	s1 =	sshll.u32 s1, $0x11  }
0xbe: {  	s0 =	sor.u32 s1, s0  }
0xbf: {  	s0 =	sadd.s32 $0x8F2B, s0  }
0xc0: {  	[sflag:s0] =	ssyncadd.remote.s32 $0x1  }
0xc1: {  	_ =	sfence.sel $0xFFFF  }
0xc2: {  	[dreg:$0x0] =	wrdreg $0xFFFFFFFF;
	(pc) =	sbr.abs _section_cstart, $3  }
0xc3: {  	[dreg:$0x1] =	wrdreg $0xFFFFFFFF  }
0xc4: {  	_ =	task.clear_ibuf [dreg:s8], $0x2FFFF;
	_ =	strace $0x9FFFFFFF  }
0xc5: {  	(tm) =	ssettm $0x7FFFFFFF  }
tec
execute0_lowered:
.L_overlay_start_1:
0x0: {  	(tag) =	ssettag $0x1  }
0x1: {  	s0 =	rddreg [dreg:$0x0]  }
0x2: {  	s1 =	rddreg [dreg:$0x1]  }
0x3: {  	s2 =	rddreg [dreg:$0x2]  }
0x4: {  	s3 =	rddreg [dreg:$0x3];
	s4 =	simm.s32 $0x0;
	s5 =	srdreg.scid  }
0x5: {  	s14 =	stileid.u32;
	[smem:$0x7FF] =	sst s4;
	s6 =	sadd.s32 $0xB400, s0  }
0x6: {  	s7 =	sadd.s32 $0x1600, s0;
	s5 =	sand.u32 $0x1, s5;
	s8 =	smul.u32 $0x4F000, s14  }
0x7: {  	s0 =	sadd.s32 $0x15200, s0;
	s10 =	sshll.u32 s14, $0x1;
	s16 =	sadd.s32 $0x128400, s3  }
0x8: {  	s13 =	smul.u32 $0x13C00, s14;
	p0 =	seq.s32 s14, $0xF;
	s23 =	sadd.s32 $0x12AC00, s3  }
0x9: {  	s14 =	simm.s32 $0x50;
	_ =	strace $0x80000047;
	s9 =	ssub.s32 $0x2, s5  }
0xa: {  	s10 =	sor.u32 s5, s10;
	s5 =	smul.u32 $0x138800, s5;
	s8 =	sshrl.u32 s8, $0x2  }
0xb: {  	[dreg:$0x12] =	wrdreg s23;
	s11 =	sshrl.u32 s9, $0x1;
	s8 =	sadd.s32 s8, s3  }
0xc: {  	s23 =	simm.s32 $0x5;
	s11 =	ssub.s32 s9, s11;
	s12 =	sadd.s32 $0x2800, s8  }
0xd: {  	s9 =	smul.u32 $0x2710, s10;
	s25 =	sadd.s32 $0x5000, s8;
	[dreg:$0x5] =	wrdreg s12  }
0xe: {  	s10 =	smul.u32 $0x27100, s10;
	s26 =	sadd.s32 $0x7800, s8;
	[dreg:$0x6] =	wrdreg s25  }
0xf: {  	s17 =	sadd.s32 s13, s5;
	s28 =	sadd.s32 $0xA000, s8;
	[dreg:$0x7] =	wrdreg s26  }
0x10: {  	s5 =	sshrl.u32 s5, $0x3;
	s29 =	sadd.s32 $0xC800, s8;
	[dreg:$0x8] =	wrdreg s28  }
0x11: {  	s13 =	simm.s32 $0x1;
	s15 =	sadd.s32 $0xF000, s8;
	[dreg:$0x9] =	wrdreg s29  }
0x12: {  	s30 =	sshrl.u32 s9, $0x3;
	[dreg:$0xa] =	wrdreg s15;
	s18 =	sadd.s32 $0x50, s9  }
0x13: {  	s10 =	sadd.s32 s2, s10;
	s25 =	sadd.s32 $0x12D400, s3;
	s26 =	sadd.s32 $0x12FC00, s3  }
0x14: {  	s28 =	smax.u32 s11, $0x1;
	s29 =	sadd.s32 $0x132400, s3;
	[dreg:$0xd] =	wrdreg s10  }
0x15: {  	s11 =	simm.s32 $0x13900;
	s15 =	simm.s32 $0x13980;
	[dreg:$0x14] =	wrdreg s25  }
0x16: {  	s31 =	sadd.s32 s6, s30;
	s12 =	sadd.s32 s7, s30;
	[dreg:$0x15] =	wrdreg s26  }
0x17: {  	s10 =	sshrl.u32 s17, $0x3;
	s19 =	sshrl.u32 s18, $0x3;
	[dreg:$0x16] =	wrdreg s28  }
0x18: {  	s22 =	sshll.u32 s18, $0x4;
	[dreg:$0x17] =	wrdreg s29;
	s30 =	sadd.s32 $0x134C00, s3  }
0x19: {  	s17 =	simm.s32 $0x18980;
	s18 =	simm.s32 $0x18A00;
	[dreg:$0xb] =	wrdreg s31  }
0x1a: {  	s25 =	simm.s32 $0x0;
	[dreg:$0xc] =	wrdreg s12;
	s10 =	sadd.s32 s0, s10  }
0x1b: {  	s0 =	sadd.s32 s0, s5;
	s20 =	sadd.s32 s6, s19;
	[dreg:$0x18] =	wrdreg s30  }
0x1c: {  	s21 =	sadd.s32 s7, s19;
	s24 =	sadd.s32 s2, s22;
	[dreg:$0xe] =	wrdreg s10  }
0x1d: {  	s31 =	sadd.s32 $0x11800, s8;
	s5 =	sadd.s32 $0x137400, s3;
	[dreg:$0xf] =	wrdreg s20  }
0x1e: {  	s12 =	simm.s32 $0x16180;
	s19 =	simm.s32 $0x3;
	[dreg:$0x10] =	wrdreg s21  }
0x1f: {  	s22 =	simm.s32 $0x4;
	s0 =	sadd.s32 $0x25080, s0;
	[dreg:$0x13] =	wrdreg s24  }
0x20: {  	[dreg:$0x19] =	wrdreg s31;
	s10 =	simm.s32 $0x13880;
	s20 =	simm.s32 $0x2  }
0x21: {  	v0 =	vimm.f32 $0.0e+00;
	s21 =	simm.s32 $0x18A80;
	s24 =	simm.s32 $0x6;
	[dreg:$0x11] =	wrdreg s0  }
.LBB2_1:
0x22: {  	s0 =	simm.s32 $0x16380  }
0x23: {  	[tilespmem:s0+$0xFFFFFE00] =	vst v0  }
0x24: {  	[tilespmem:s0+$0x1F0] =	vst v0  }
0x25: {  	[tilespmem:s0+$0x1E0] =	vst v0  }
0x26: {  	[tilespmem:s0+$0x1D0] =	vst v0  }
0x27: {  	[tilespmem:s0+$0x1C0] =	vst v0  }
0x28: {  	[tilespmem:s0+$0x1B0] =	vst v0  }
0x29: {  	[tilespmem:s0+$0x1A0] =	vst v0  }
0x2a: {  	[tilespmem:s0+$0x190] =	vst v0  }
0x2b: {  	[tilespmem:s0+$0x180] =	vst v0  }
0x2c: {  	[tilespmem:s0+$0x170] =	vst v0  }
0x2d: {  	[tilespmem:s0+$0x160] =	vst v0  }
0x2e: {  	[tilespmem:s0+$0x150] =	vst v0  }
0x2f: {  	[tilespmem:s0+$0x140] =	vst v0  }
0x30: {  	[tilespmem:s0+$0x130] =	vst v0  }
0x31: {  	[tilespmem:s0+$0x120] =	vst v0  }
0x32: {  	[tilespmem:s0+$0x110] =	vst v0  }
0x33: {  	[tilespmem:s0+$0x100] =	vst v0  }
0x34: {  	[tilespmem:s0+$0xF0] =	vst v0  }
0x35: {  	[tilespmem:s0+$0xE0] =	vst v0  }
0x36: {  	[tilespmem:s0+$0xD0] =	vst v0  }
0x37: {  	[tilespmem:s0+$0xC0] =	vst v0  }
0x38: {  	[tilespmem:s0+$0xB0] =	vst v0  }
0x39: {  	[tilespmem:s0+$0xA0] =	vst v0  }
0x3a: {  	[tilespmem:s0+$0x90] =	vst v0  }
0x3b: {  	[tilespmem:s0+$0x80] =	vst v0  }
0x3c: {  	[tilespmem:s0+$0x70] =	vst v0  }
0x3d: {  	[tilespmem:s0+$0x60] =	vst v0  }
0x3e: {  	[tilespmem:s0+$0x50] =	vst v0  }
0x3f: {  	[tilespmem:s0+$0x40] =	vst v0  }
0x40: {  	[tilespmem:s0+$0x30] =	vst v0  }
0x41: {  	[tilespmem:s0+$0x20] =	vst v0  }
0x42: {  	[tilespmem:s0+$0x10] =	vst v0  }
0x43: {  	[tilespmem:s0+$0x0] =	vst v0  }
0x44: {  	[tilespmem:s0+$0xFFFFFFF0] =	vst v0  }
0x45: {  	[tilespmem:s0+$0xFFFFFFE0] =	vst v0  }
0x46: {  	[tilespmem:s0+$0xFFFFFFD0] =	vst v0  }
0x47: {  	[tilespmem:s0+$0xFFFFFFC0] =	vst v0  }
0x48: {  	[tilespmem:s0+$0xFFFFFFB0] =	vst v0  }
0x49: {  	[tilespmem:s0+$0xFFFFFFA0] =	vst v0  }
0x4a: {  	[tilespmem:s0+$0xFFFFFF90] =	vst v0  }
0x4b: {  	[tilespmem:s0+$0xFFFFFF80] =	vst v0  }
0x4c: {  	[tilespmem:s0+$0xFFFFFF70] =	vst v0  }
0x4d: {  	[tilespmem:s0+$0xFFFFFF60] =	vst v0  }
0x4e: {  	[tilespmem:s0+$0xFFFFFF50] =	vst v0  }
0x4f: {  	[tilespmem:s0+$0xFFFFFF40] =	vst v0  }
0x50: {  	[tilespmem:s0+$0xFFFFFF30] =	vst v0  }
0x51: {  	[tilespmem:s0+$0xFFFFFF20] =	vst v0  }
0x52: {  	[tilespmem:s0+$0xFFFFFF10] =	vst v0  }
0x53: {  	[tilespmem:s0+$0xFFFFFF00] =	vst v0  }
0x54: {  	[tilespmem:s0+$0xFFFFFEF0] =	vst v0  }
0x55: {  	[tilespmem:s0+$0xFFFFFEE0] =	vst v0  }
0x56: {  	[tilespmem:s0+$0xFFFFFED0] =	vst v0  }
0x57: {  	[tilespmem:s0+$0xFFFFFEC0] =	vst v0  }
0x58: {  	[tilespmem:s0+$0xFFFFFEB0] =	vst v0  }
0x59: {  	[tilespmem:s0+$0xFFFFFEA0] =	vst v0  }
0x5a: {  	[tilespmem:s0+$0xFFFFFE90] =	vst v0  }
0x5b: {  	[tilespmem:s0+$0xFFFFFE80] =	vst v0  }
0x5c: {  	[tilespmem:s0+$0xFFFFFE70] =	vst v0  }
0x5d: {  	[tilespmem:s0+$0xFFFFFE60] =	vst v0  }
0x5e: {  	[tilespmem:s0+$0xFFFFFE50] =	vst v0  }
0x5f: {  	[tilespmem:s0+$0xFFFFFE40] =	vst v0  }
0x60: {  	[tilespmem:s0+$0xFFFFFE30] =	vst v0  }
0x61: {  	s26 =	simm.s32 $0x0;
	[tilespmem:s0+$0xFFFFFE20] =	vst v0  }
.LBB2_2:
0x62: {  	s26 =	sadd.s32 $0x8, s26;
	[tilespmem:s0+$0xFFFFFE10] =	vst v0;
	s0 =	sadd.s32 $0x400, s0  }
0x63: {  	[tilespmem:s0+$0xFFFFFE00] =	vst v0;
	p1 =	slt.u32 s26, $0x48  }
0x64: {  	[tilespmem:s0+$0x1F0] =	vst v0  }
0x65: {  	[tilespmem:s0+$0x1E0] =	vst v0  }
0x66: {  	[tilespmem:s0+$0x1D0] =	vst v0  }
0x67: {  	[tilespmem:s0+$0x1C0] =	vst v0  }
0x68: {  	[tilespmem:s0+$0x1B0] =	vst v0  }
0x69: {  	[tilespmem:s0+$0x1A0] =	vst v0  }
0x6a: {  	[tilespmem:s0+$0x190] =	vst v0  }
0x6b: {  	[tilespmem:s0+$0x180] =	vst v0  }
0x6c: {  	[tilespmem:s0+$0x170] =	vst v0  }
0x6d: {  	[tilespmem:s0+$0x160] =	vst v0  }
0x6e: {  	[tilespmem:s0+$0x150] =	vst v0  }
0x6f: {  	[tilespmem:s0+$0x140] =	vst v0  }
0x70: {  	[tilespmem:s0+$0x130] =	vst v0  }
0x71: {  	[tilespmem:s0+$0x120] =	vst v0  }
0x72: {  	[tilespmem:s0+$0x110] =	vst v0  }
0x73: {  	[tilespmem:s0+$0x100] =	vst v0  }
0x74: {  	[tilespmem:s0+$0xF0] =	vst v0  }
0x75: {  	[tilespmem:s0+$0xE0] =	vst v0  }
0x76: {  	[tilespmem:s0+$0xD0] =	vst v0  }
0x77: {  	[tilespmem:s0+$0xC0] =	vst v0  }
0x78: {  	[tilespmem:s0+$0xB0] =	vst v0  }
0x79: {  	[tilespmem:s0+$0xA0] =	vst v0  }
0x7a: {  	[tilespmem:s0+$0x90] =	vst v0  }
0x7b: {  	[tilespmem:s0+$0x80] =	vst v0  }
0x7c: {  	[tilespmem:s0+$0x70] =	vst v0  }
0x7d: {  	[tilespmem:s0+$0x60] =	vst v0  }
0x7e: {  	[tilespmem:s0+$0x50] =	vst v0  }
0x7f: {  	[tilespmem:s0+$0x40] =	vst v0  }
0x80: {  	[tilespmem:s0+$0x30] =	vst v0  }
0x81: {  	[tilespmem:s0+$0x20] =	vst v0  }
0x82: {  	[tilespmem:s0+$0x10] =	vst v0  }
0x83: {  	[tilespmem:s0+$0x0] =	vst v0  }
0x84: {  	[tilespmem:s0+$0xFFFFFFF0] =	vst v0  }
0x85: {  	[tilespmem:s0+$0xFFFFFFE0] =	vst v0  }
0x86: {  	[tilespmem:s0+$0xFFFFFFD0] =	vst v0  }
0x87: {  	[tilespmem:s0+$0xFFFFFFC0] =	vst v0  }
0x88: {  	[tilespmem:s0+$0xFFFFFFB0] =	vst v0  }
0x89: {  	[tilespmem:s0+$0xFFFFFFA0] =	vst v0  }
0x8a: {  	[tilespmem:s0+$0xFFFFFF90] =	vst v0  }
0x8b: {  	[tilespmem:s0+$0xFFFFFF80] =	vst v0  }
0x8c: {  	[tilespmem:s0+$0xFFFFFF70] =	vst v0  }
0x8d: {  	[tilespmem:s0+$0xFFFFFF60] =	vst v0  }
0x8e: {  	[tilespmem:s0+$0xFFFFFF50] =	vst v0  }
0x8f: {  	[tilespmem:s0+$0xFFFFFF40] =	vst v0  }
0x90: {  	[tilespmem:s0+$0xFFFFFF30] =	vst v0  }
0x91: {  	[tilespmem:s0+$0xFFFFFF20] =	vst v0  }
0x92: {  	[tilespmem:s0+$0xFFFFFF10] =	vst v0  }
0x93: {  	[tilespmem:s0+$0xFFFFFF00] =	vst v0  }
0x94: {  	[tilespmem:s0+$0xFFFFFEF0] =	vst v0  }
0x95: {  	[tilespmem:s0+$0xFFFFFEE0] =	vst v0  }
0x96: {  	[tilespmem:s0+$0xFFFFFED0] =	vst v0  }
0x97: {  	[tilespmem:s0+$0xFFFFFEC0] =	vst v0  }
0x98: {  	[tilespmem:s0+$0xFFFFFEB0] =	vst v0  }
0x99: {  	[tilespmem:s0+$0xFFFFFEA0] =	vst v0  }
0x9a: {  	[tilespmem:s0+$0xFFFFFE90] =	vst v0  }
0x9b: {  	[tilespmem:s0+$0xFFFFFE80] =	vst v0  }
0x9c: {  	[tilespmem:s0+$0xFFFFFE70] =	vst v0  }
.Ltmp0:
0x9d: {  	[tilespmem:s0+$0xFFFFFE60] =	vst v0;
	(pc) =	sbr.rel @p1 .LBB2_2-.Ltmp0, $4  }
0x9e: {  	[tilespmem:s0+$0xFFFFFE50] =	vst v0  }
0x9f: {  	[tilespmem:s0+$0xFFFFFE40] =	vst v0  }
0xa0: {  	[tilespmem:s0+$0xFFFFFE30] =	vst v0  }
0xa1: {  	[tilespmem:s0+$0xFFFFFE20] =	vst v0  }
0xa2: {  	[tilespmem:s0+$0xFFFFFE10] =	vst v0;
	s0 =	simm.s32 @p0 $0x16180  }
0xa3: {  	[spmem:s16] =	stream.linear.scatter @p0 [tilespmem:s0], [sflag:$0x5], $0x2800, $0x38;
	[tilespmem:$0x1DA80] =	vst v63  }
0xa4: {  	s26 =	rddreg [dreg:$0x12]  }
0xa5: {  	[spmem:s26] =	stream.linear.scatter @p0 [tilespmem:s0], [sflag:$0x5], $0x2800, $0x38;
	[tilespmem:$0x1DA80] =	vst v63  }
0xa6: {  	s26 =	rddreg [dreg:$0x14]  }
0xa7: {  	[spmem:s26] =	stream.linear.scatter @p0 [tilespmem:s0], [sflag:$0x5], $0x2800, $0x38;
	[tilespmem:$0x1DA80] =	vst v63  }
0xa8: {  	s26 =	rddreg [dreg:$0x15]  }
0xa9: {  	[spmem:s26] =	stream.linear.scatter @p0 [tilespmem:s0], [sflag:$0x5], $0x2800, $0x38;
	[tilespmem:$0x1DA80] =	vst v63  }
0xaa: {  	s26 =	simm.s32 @p0 $0x5  }
0xab: {  	_ =	swait.ge @p0 [sflag:s26], $0x2800  }
0xac: {  	[sflag:s26] =	ssyncset.done @p0 $0x0  }
0xad: {  	[sflag:s26] =	ssyncadd.s32 @p0 $0xFFFFD800  }
0xae: {  	_ =	swait.ge @p0 [sflag:s26], $0x2800  }
0xaf: {  	[sflag:s26] =	ssyncset.done @p0 $0x0  }
0xb0: {  	[sflag:s26] =	ssyncadd.s32 @p0 $0xFFFFD800  }
0xb1: {  	_ =	swait.ge @p0 [sflag:s26], $0x2800  }
0xb2: {  	[sflag:s26] =	ssyncset.done @p0 $0x0  }
0xb3: {  	[sflag:s26] =	ssyncadd.s32 @p0 $0xFFFFD800  }
0xb4: {  	_ =	swait.ge @p0 [sflag:s26], $0x2800  }
0xb5: {  	[sflag:s26] =	ssyncset.done @p0 $0x0  }
0xb6: {  	s28 =	rddreg [dreg:$0x17];
	[sflag:s26] =	ssyncadd.s32 @p0 $0xFFFFD800  }
0xb7: {  	[spmem:s28] =	stream.linear.scatter @p0 [tilespmem:s0], [sflag:$0x5], $0x2800, $0x38;
	[tilespmem:$0x1DA80] =	vst v63  }
0xb8: {  	s28 =	rddreg [dreg:$0x18]  }
0xb9: {  	[spmem:s28] =	stream.linear.scatter @p0 [tilespmem:s0], [sflag:$0x5], $0x2800, $0x38;
	[tilespmem:$0x1DA80] =	vst v63  }
0xba: {  	_ = 	snop  }
0xbb: {  	[spmem:s5] =	stream.linear.scatter @p0 [tilespmem:s0], [sflag:$0x5], $0x1400, $0x38;
	[tilespmem:$0x1DA80] =	vst v63  }
0xbc: {  	_ =	swait.ge @p0 [sflag:s26], $0x2800  }
0xbd: {  	[sflag:s26] =	ssyncset.done @p0 $0x0  }
0xbe: {  	[sflag:s26] =	ssyncadd.s32 @p0 $0xFFFFD800  }
0xbf: {  	_ =	swait.ge @p0 [sflag:s26], $0x2800  }
0xc0: {  	[sflag:s26] =	ssyncset.done @p0 $0x0  }
0xc1: {  	[sflag:s26] =	ssyncadd.s32 @p0 $0xFFFFD800  }
0xc2: {  	_ =	swait.ge @p0 [sflag:s26], $0x1400  }
0xc3: {  	[sflag:s26] =	ssyncset.done @p0 $0x0  }
0xc4: {  	s0 =	simm.s32 @!p0 $0x16180;
	[sflag:s26] =	ssyncadd.s32 @p0 $0xFFFFEC00  }
0xc5: {  	[spmem:s8] =	stream.linear.scatter @!p0 [tilespmem:s0], [sflag:$0x5], $0x2800, $0x38;
	[tilespmem:$0x1DA80] =	vst v63  }
0xc6: {  	s26 =	rddreg [dreg:$0x5]  }
0xc7: {  	[spmem:s26] =	stream.linear.scatter @!p0 [tilespmem:s0], [sflag:$0x5], $0x2800, $0x38;
	[tilespmem:$0x1DA80] =	vst v63  }
0xc8: {  	s26 =	rddreg [dreg:$0x6]  }
0xc9: {  	[spmem:s26] =	stream.linear.scatter @!p0 [tilespmem:s0], [sflag:$0x5], $0x2800, $0x38;
	[tilespmem:$0x1DA80] =	vst v63  }
0xca: {  	s26 =	rddreg [dreg:$0x7]  }
0xcb: {  	[spmem:s26] =	stream.linear.scatter @!p0 [tilespmem:s0], [sflag:$0x5], $0x2800, $0x38;
	[tilespmem:$0x1DA80] =	vst v63  }
0xcc: {  	s26 =	simm.s32 @!p0 $0x5  }
0xcd: {  	_ =	swait.ge @!p0 [sflag:s26], $0x2800  }
0xce: {  	[sflag:s26] =	ssyncset.done @!p0 $0x0  }
0xcf: {  	[sflag:s26] =	ssyncadd.s32 @!p0 $0xFFFFD800  }
0xd0: {  	_ =	swait.ge @!p0 [sflag:s26], $0x2800  }
0xd1: {  	[sflag:s26] =	ssyncset.done @!p0 $0x0  }
0xd2: {  	[sflag:s26] =	ssyncadd.s32 @!p0 $0xFFFFD800  }
0xd3: {  	_ =	swait.ge @!p0 [sflag:s26], $0x2800  }
0xd4: {  	[sflag:s26] =	ssyncset.done @!p0 $0x0  }
0xd5: {  	[sflag:s26] =	ssyncadd.s32 @!p0 $0xFFFFD800  }
0xd6: {  	_ =	swait.ge @!p0 [sflag:s26], $0x2800  }
0xd7: {  	[sflag:s26] =	ssyncset.done @!p0 $0x0  }
0xd8: {  	s28 =	rddreg [dreg:$0x8];
	[sflag:s26] =	ssyncadd.s32 @!p0 $0xFFFFD800  }
0xd9: {  	[spmem:s28] =	stream.linear.scatter @!p0 [tilespmem:s0], [sflag:$0x5], $0x2800, $0x38;
	[tilespmem:$0x1DA80] =	vst v63  }
0xda: {  	s28 =	rddreg [dreg:$0x9]  }
0xdb: {  	[spmem:s28] =	stream.linear.scatter @!p0 [tilespmem:s0], [sflag:$0x5], $0x2800, $0x38;
	[tilespmem:$0x1DA80] =	vst v63  }
0xdc: {  	s28 =	rddreg [dreg:$0xa]  }
0xdd: {  	[spmem:s28] =	stream.linear.scatter @!p0 [tilespmem:s0], [sflag:$0x5], $0x2800, $0x38;
	[tilespmem:$0x1DA80] =	vst v63  }
0xde: {  	s28 =	rddreg [dreg:$0x19]  }
0xdf: {  	[spmem:s28] =	stream.linear.scatter @!p0 [tilespmem:s0], [sflag:$0x5], $0x2400, $0x38;
	[tilespmem:$0x1DA80] =	vst v63  }
0xe0: {  	_ =	swait.ge @!p0 [sflag:s26], $0x2800  }
0xe1: {  	[sflag:s26] =	ssyncset.done @!p0 $0x0  }
0xe2: {  	[sflag:s26] =	ssyncadd.s32 @!p0 $0xFFFFD800  }
0xe3: {  	_ =	swait.ge @!p0 [sflag:s26], $0x2800  }
0xe4: {  	[sflag:s26] =	ssyncset.done @!p0 $0x0  }
0xe5: {  	[sflag:s26] =	ssyncadd.s32 @!p0 $0xFFFFD800  }
0xe6: {  	_ =	swait.ge @!p0 [sflag:s26], $0x2800  }
0xe7: {  	[sflag:s26] =	ssyncset.done @!p0 $0x0  }
0xe8: {  	[sflag:s26] =	ssyncadd.s32 @!p0 $0xFFFFD800  }
0xe9: {  	_ =	swait.ge @!p0 [sflag:s26], $0x2400  }
0xea: {  	[sflag:s26] =	ssyncset.done @!p0 $0x0  }
0xeb: {  	[sflag:s26] =	ssyncadd.s32 @!p0 $0xFFFFDC00  }
0xec: {  	[bflag:$0x0] =	sbarrier.arrive $0xFFFF  }
0xed: {  	s26 =	simm.s32 $0x0;
	s29 =	rddreg [dreg:$0xb]  }
0xee: {  	[tilespmem:s10], [sflag:$0x1] =	stream.linear.gather [hbm4b:s29+s26], $0x50, $0x38;
	[tilespmem:$0x1DA80] =	vst v63  }
0xef: {  	s30 =	rddreg [dreg:$0xc]  }
0xf0: {  	[tilespmem:s11], [sflag:$0x1] =	stream.linear.gather [hbm4b:s30+s26], $0x50, $0x38;
	[tilespmem:$0x1DA80] =	vst v63  }
0xf1: {  	s31 =	rddreg [dreg:$0xd]  }
0xf2: {  	[tilespmem:s12], [sflag:$0x1] =	stream.linear.gather [hbm4b:s31+s26], $0x2800, $0x38;
	[tilespmem:$0x1DA80] =	vst v63  }
0xf3: {  	_ =	swait.ge [sflag:s13], $0x50  }
0xf4: {  	[sflag:s13] =	ssyncset.done $0x0  }
0xf5: {  	[sflag:s13] =	ssyncadd.s32 $0xFFFFFFB0  }
0xf6: {  	_ =	swait.ge [sflag:s13], $0x50  }
0xf7: {  	[sflag:s13] =	ssyncset.done $0x0  }
0xf8: {  	[sflag:s13] =	ssyncadd.s32 $0xFFFFFFB0  }
0xf9: {  	_ =	swait.ge [sflag:s13], $0x2800  }
0xfa: {  	[sflag:s13] =	ssyncset.done $0x0  }
0xfb: {  	[sflag:s13] =	ssyncadd.s32 $0xFFFFD800  }
0xfc: {  	[tilespmem:s15], [sflag:$0x3] =	stream.indirect.gather [hbm4b:s1+s14], $0x80, s10, s14, $0xb8;
	[tilespmem:$0x1DA80] =	vst v63  }
0xfd: {  	s28 =	rddreg [dreg:$0xf]  }
0xfe: {  	[tilespmem:s17], [sflag:$0x2] =	stream.linear.gather [hbm4b:s28+s26], $0x50, $0x38;
	[tilespmem:$0x1DA80] =	vst v63  }
0xff: {  	s29 =	rddreg [dreg:$0x10]  }
0x100: {  	[tilespmem:s18], [sflag:$0x2] =	stream.linear.gather [hbm4b:s29+s26], $0x50, $0x38;
	[tilespmem:$0x1DA80] =	vst v63  }
0x101: {  	s31 =	simm.s32 $0x1B280;
	s30 =	rddreg [dreg:$0x13]  }
0x102: {  	[tilespmem:s31], [sflag:$0x2] =	stream.linear.gather [hbm4b:s30+s26], $0x2800, $0x38;
	[tilespmem:$0x1DA80] =	vst v63  }
.LBB2_4:
0x103: {  	_ =	swait.ge [sflag:s19], $0x2800  }
0x104: {  	[sflag:s19] =	ssyncset.done $0x0  }
0x105: {  	[sflag:s19] =	ssyncadd.s32 $0xFFFFD800  }
0x106: {  	_ =	swait.ge [sflag:s20], $0x50  }
0x107: {  	[sflag:s20] =	ssyncset.done $0x0  }
0x108: {  	[sflag:s20] =	ssyncadd.s32 $0xFFFFFFB0  }
0x109: {  	_ =	swait.ge [sflag:s20], $0x50  }
0x10a: {  	[sflag:s20] =	ssyncset.done $0x0  }
0x10b: {  	[sflag:s20] =	ssyncadd.s32 $0xFFFFFFB0  }
0x10c: {  	_ =	swait.ge [sflag:s20], $0x2800  }
0x10d: {  	p1 =	seq.s32 s26, $0x0;
	[sflag:s20] =	ssyncset.done $0x0  }
0x10e: {  	s0 =	simm.s32 @!p1 $0x6;
	[sflag:s20] =	ssyncadd.s32 $0xFFFFD800  }
0x10f: {  	_ =	swait.ge @!p1 [sflag:s0], $0x2800  }
0x110: {  	[sflag:s0] =	ssyncset.done @!p1 $0x0  }
0x111: {  	s29 =	simm.s32 $0x13B80;
	[sflag:s0] =	ssyncadd.s32 @!p1 $0xFFFFD800  }
0x112: {  	[tilespmem:s21], [sflag:$0x4] =	stream.indirect.gather [hbm4b:s1+s14], $0x80, s17, s14, $0xb8;
	[tilespmem:$0x1DA80] =	vst v63  }
0x113: {  	s30 =	simm.s32 $0x16380;
	v1 =	vld [tilespmem:s29+$0x180]  }
0x114: {  	v2 =	vld [tilespmem:s30+$0x180]  }
0x115: {  	v3 =	vld [tilespmem:s30+$0xFFFFFE00]  }
0x116: {  	v4 =	vld [tilespmem:s29+$0xFFFFFE80]  }
0x117: {  	v5 =	vld [tilespmem:s30+$0xFFFFFE80]  }
0x118: {  	v6 =	vld [tilespmem:s29+$0xFFFFFF00]  }
0x119: {  	v7 =	vld [tilespmem:s30+$0xFFFFFF00]  }
0x11a: {  	v8 =	vld [tilespmem:s30+$0xFFFFFF80]  }
0x11b: {  	v10 =	vld [tilespmem:s29+$0x0]  }
0x11c: {  	v11 =	vld [tilespmem:s30+$0x0]  }
0x11d: {  	v12 =	vld [tilespmem:s29+$0x80]  }
0x11e: {  	v13 =	vld [tilespmem:s30+$0x80]  }
0x11f: {  	v14 =	vld [tilespmem:s29+$0x100]  }
0x120: {  	v42 =	vld [tilespmem:s29+$0xFFFFFF10]  }
0x121: {  	v43 =	vld [tilespmem:s29+$0xFFFFFF90]  }
0x122: {  	v44 =	vld [tilespmem:s29+$0x10]  }
0x123: {  	v45 =	vld [tilespmem:s29+$0xFFFFFF20]  }
0x124: {  	v46 =	vld [tilespmem:s29+$0xFFFFFFA0]  }
0x125: {  	v47 =	vld [tilespmem:s29+$0x20]  }
0x126: {  	v15 =	vld [tilespmem:s29+$0xA0]  }
0x127: {  	v48 =	vld [tilespmem:s29+$0xFFFFFF30]  }
0x128: {  	v49 =	vld [tilespmem:s29+$0xFFFFFFB0]  }
0x129: {  	v50 =	vld [tilespmem:s29+$0x30]  }
0x12a: {  	v52 =	vld [tilespmem:s29+$0xFFFFFFC0];
	v1 =	vmul.f32 v2, v1  }
0x12b: {  	v53 =	vld [tilespmem:s29+$0x40]  }
0x12c: {  	[tilespmem:s29+$0x180] =	vst v1;
	v1 =	vld [tilespmem:s29+$0x190]  }
0x12d: {  	v2 =	vld [tilespmem:s30+$0x190]  }
0x12e: {  	v54 =	vld [tilespmem:s29+$0xC0]  }
0x12f: {  	v55 =	vld [tilespmem:s29+$0xFFFFFF50]  }
0x130: {  	v56 =	vld [tilespmem:s29+$0xFFFFFFD0]  }
0x131: {  	v57 =	vld [tilespmem:s29+$0xD0]  }
0x132: {  	v58 =	vld [tilespmem:s29+$0xFFFFFE60];
	v1 =	vmul.f32 v2, v1  }
0x133: {  	v59 =	vld [tilespmem:s29+$0xFFFFFFE0]  }
0x134: {  	[tilespmem:s29+$0x190] =	vst v1;
	v1 =	vld [tilespmem:s29+$0x1A0]  }
0x135: {  	v9 =	vld [tilespmem:s30+$0x1A0]  }
0x136: {  	v4 =	vmul.f32 v5, v4;
	v5 =	vld [tilespmem:s29+$0xFFFFFE00]  }
0x137: {  	v60 =	vld [tilespmem:s29+$0x60]  }
0x138: {  	v2 =	vld [tilespmem:s29+$0xFFFFFF80]  }
0x139: {  	v61 =	vld [tilespmem:s29+$0xE0]  }
0x13a: {  	v1 =	vmul.f32 v9, v1;
	v9 =	vld [tilespmem:s30+$0x100]  }
0x13b: {  	v62 =	vld [tilespmem:s29+$0xFFFFFE70];
	[tilespmem:s29+$0xFFFFFE80] =	vst v4;
	v3 =	vmul.f32 v3, v5  }
0x13c: {  	[tilespmem:s29+$0x1A0] =	vst v1;
	v1 =	vmul.f32 v7, v6;
	v6 =	vld [tilespmem:s29+$0x1B0]  }
0x13d: {  	[tilespmem:s29+$0xFFFFFE00] =	vst v3;
	v2 =	vmul.f32 v8, v2;
	v4 =	vld [tilespmem:s30+$0x1B0]  }
0x13e: {  	v7 =	vld [tilespmem:s30+$0xFFFFFE90];
	[tilespmem:s29+$0xFFFFFF00] =	vst v1;
	v1 =	vmul.f32 v11, v10  }
0x13f: {  	[tilespmem:s29+$0xFFFFFF80] =	vst v2;
	v10 =	vld [tilespmem:s29+$0xFFFFFE10];
	v5 =	vmul.f32 v9, v14  }
0x140: {  	v2 =	vmul.f32 v13, v12;
	[tilespmem:s29+$0x0] =	vst v1;
	v1 =	vld [tilespmem:s30+$0xFFFFFF90]  }
0x141: {  	[tilespmem:s29+$0x100] =	vst v5;
	v5 =	vld [tilespmem:s30+$0xFFFFFE10]  }
0x142: {  	[tilespmem:s29+$0x80] =	vst v2;
	v2 =	vld [tilespmem:s30+$0x10];
	v4 =	vmul.f32 v4, v6  }
0x143: {  	v6 =	vld [tilespmem:s30+$0x110]  }
0x144: {  	[tilespmem:s29+$0x1B0] =	vst v4;
	v4 =	vld [tilespmem:s29+$0x1C0]  }
0x145: {  	v9 =	vld [tilespmem:s30+$0x1C0]  }
0x146: {  	v5 =	vmul.f32 v5, v10;
	v10 =	vld [tilespmem:s29+$0x110]  }
0x147: {  	v3 =	vld [tilespmem:s30+$0x90]  }
0x148: {  	v11 =	vld [tilespmem:s29+$0xFFFFFE90];
	v1 =	vmul.f32 v1, v43  }
0x149: {  	v8 =	vld [tilespmem:s30+$0xFFFFFF10];
	v2 =	vmul.f32 v2, v44  }
0x14a: {  	[tilespmem:s29+$0xFFFFFF90] =	vst v1;
	v4 =	vmul.f32 v9, v4;
	v9 =	vld [tilespmem:s29+$0x90]  }
0x14b: {  	[tilespmem:s29+$0x10] =	vst v2;
	v2 =	vmul.f32 v6, v10;
	v6 =	vld [tilespmem:s30+$0xFFFFFFA0]  }
0x14c: {  	v10 =	vld [tilespmem:s29+$0xFFFFFE20]  }
0x14d: {  	[tilespmem:s29+$0x1C0] =	vst v4;
	v4 =	vmul.f32 v7, v11;
	v7 =	vld [tilespmem:s29+$0x1D0]  }
0x14e: {  	v11 =	vld [tilespmem:s29+$0xFFFFFEA0]  }
0x14f: {  	[tilespmem:s29+$0xFFFFFE10] =	vst v5;
	v5 =	vmul.f32 v8, v42;
	v8 =	vld [tilespmem:s30+$0x1D0]  }
0x150: {  	[tilespmem:s29+$0xFFFFFE90] =	vst v4;
	v4 =	vld [tilespmem:s30+$0xFFFFFE20]  }
0x151: {  	[tilespmem:s29+$0xFFFFFF10] =	vst v5;
	v5 =	vld [tilespmem:s30+$0xFFFFFEA0];
	v1 =	vmul.f32 v3, v9  }
0x152: {  	v3 =	vld [tilespmem:s30+$0xFFFFFF20]  }
0x153: {  	v9 =	vld [tilespmem:s30+$0x20];
	[tilespmem:s29+$0x90] =	vst v1  }
0x154: {  	[tilespmem:s29+$0x110] =	vst v2;
	v1 =	vmul.f32 v8, v7;
	v7 =	vld [tilespmem:s30+$0xA0]  }
0x155: {  	v8 =	vld [tilespmem:s30+$0x120]  }
0x156: {  	[tilespmem:s29+$0x1D0] =	vst v1;
	v1 =	vld [tilespmem:s29+$0x1E0];
	v5 =	vmul.f32 v5, v11  }
0x157: {  	v3 =	vmul.f32 v3, v45;
	v2 =	vld [tilespmem:s30+$0x1E0]  }
0x158: {  	v11 =	vld [tilespmem:s29+$0xFFFFFEB0];
	[tilespmem:s29+$0xFFFFFEA0] =	vst v5;
	v5 =	vmul.f32 v6, v46  }
0x159: {  	[tilespmem:s29+$0xFFFFFF20] =	vst v3;
	v3 =	vmul.f32 v9, v47;
	v9 =	vld [tilespmem:s30+$0xFFFFFEB0]  }
0x15a: {  	[tilespmem:s29+$0xFFFFFFA0] =	vst v5;
	v5 =	vmul.f32 v7, v15;
	v7 =	vld [tilespmem:s30+$0xFFFFFF30]  }
0x15b: {  	[tilespmem:s29+$0x20] =	vst v3;
	v3 =	vld [tilespmem:s30+$0xFFFFFFB0]  }
0x15c: {  	v1 =	vmul.f32 v2, v1;
	v2 =	vmul.f32 v4, v10;
	v4 =	vld [tilespmem:s29+$0x120]  }
0x15d: {  	[tilespmem:s29+$0xA0] =	vst v5;
	v5 =	vld [tilespmem:s30+$0x30]  }
0x15e: {  	[tilespmem:s29+$0x1E0] =	vst v1;
	v1 =	vld [tilespmem:s29+$0x1F0]  }
0x15f: {  	v9 =	vmul.f32 v9, v11;
	v11 =	vld [tilespmem:s29+$0x130]  }
0x160: {  	[tilespmem:s29+$0xFFFFFE20] =	vst v2;
	v2 =	vld [tilespmem:s30+$0x1F0]  }
0x161: {  	v6 =	vld [tilespmem:s30+$0xFFFFFE30];
	v4 =	vmul.f32 v8, v4  }
0x162: {  	v8 =	vld [tilespmem:s30+$0xB0]  }
0x163: {  	v7 =	vmul.f32 v7, v48;
	[tilespmem:s29+$0x120] =	vst v4;
	v4 =	vld [tilespmem:s29+$0xFFFFFE30]  }
0x164: {  	[tilespmem:s29+$0xFFFFFEB0] =	vst v9;
	v10 =	vld [tilespmem:s30+$0x130]  }
0x165: {  	v9 =	vld [tilespmem:s30+$0xFFFFFEC0];
	[tilespmem:s29+$0xFFFFFF30] =	vst v7  }
0x166: {  	v7 =	vld [tilespmem:s30+$0xFFFFFF40]  }
0x167: {  	v5 =	vmul.f32 v5, v50;
	v1 =	vmul.f32 v2, v1;
	v2 =	vld [tilespmem:s29+$0x70]  }
0x168: {  	v4 =	vmul.f32 v6, v4;
	v6 =	vld [tilespmem:s29+$0xB0]  }
0x169: {  	[tilespmem:s29+$0x30] =	vst v5;
	v5 =	vmul.f32 v10, v11;
	v11 =	vld [tilespmem:s29+$0xFFFFFF40]  }
0x16a: {  	[tilespmem:s29+$0xFFFFFE30] =	vst v4;
	v4 =	vld [tilespmem:s29+$0xFFFFFE40]  }
0x16b: {  	v51 =	vld [tilespmem:s30+$0xFFFFFE40]  }
0x16c: {  	v3 =	vmul.f32 v3, v49;
	v10 =	vld [tilespmem:s29+$0xFFFFFEC0];
	[tilespmem:s29+$0x130] =	vst v5  }
0x16d: {  	v5 =	vld [tilespmem:s30+$0x140]  }
0x16e: {  	[tilespmem:s29+$0xFFFFFFB0] =	vst v3;
	v3 =	vmul.f32 v8, v6;
	v8 =	vld [tilespmem:s30+$0x40]  }
0x16f: {  	v6 =	vld [tilespmem:s30+$0xFFFFFFC0];
	v7 =	vmul.f32 v7, v11  }
0x170: {  	v11 =	vld [tilespmem:s29+$0xFFFFFE50];
	[tilespmem:s29+$0xB0] =	vst v3;
	v4 =	vmul.f32 v51, v4  }
0x171: {  	v3 =	vld [tilespmem:s30+$0xC0];
	[tilespmem:s29+$0xFFFFFF40] =	vst v7  }
0x172: {  	[tilespmem:s29+$0xFFFFFE40] =	vst v4;
	v4 =	vmul.f32 v9, v10;
	v9 =	vld [tilespmem:s29+$0x140]  }
0x173: {  	v7 =	vmul.f32 v8, v53;
	v8 =	vld [tilespmem:s30+$0xFFFFFF50]  }
0x174: {  	v10 =	vld [tilespmem:s30+$0xFFFFFE50];
	[tilespmem:s29+$0xFFFFFEC0] =	vst v4  }
0x175: {  	v4 =	vmul.f32 v6, v52;
	[tilespmem:s29+$0x40] =	vst v7;
	v6 =	vld [tilespmem:s30+$0xFFFFFED0]  }
0x176: {  	v3 =	vmul.f32 v3, v54;
	v7 =	vld [tilespmem:s30+$0x50]  }
0x177: {  	[tilespmem:s29+$0xFFFFFFC0] =	vst v4;
	v5 =	vmul.f32 v5, v9;
	v9 =	vld [tilespmem:s29+$0xFFFFFED0]  }
0x178: {  	v4 =	vld [tilespmem:s30+$0xFFFFFFD0];
	[tilespmem:s29+$0xC0] =	vst v3  }
0x179: {  	v3 =	vld [tilespmem:s30+$0xD0]  }
0x17a: {  	v8 =	vmul.f32 v8, v55;
	v10 =	vmul.f32 v10, v11;
	v11 =	vld [tilespmem:s29+$0x50];
	[tilespmem:s29+$0x140] =	vst v5  }
0x17b: {  	v5 =	vld [tilespmem:s30+$0x150]  }
0x17c: {  	[tilespmem:s29+$0xFFFFFF50] =	vst v8;
	v6 =	vmul.f32 v6, v9;
	v9 =	vld [tilespmem:s29+$0x150]  }
0x17d: {  	[tilespmem:s29+$0xFFFFFE50] =	vst v10;
	v8 =	vld [tilespmem:s30+$0xFFFFFF60]  }
0x17e: {  	v10 =	vld [tilespmem:s30+$0xFFFFFE60]  }
0x17f: {  	v4 =	vmul.f32 v4, v56;
	v7 =	vmul.f32 v7, v11;
	v11 =	vld [tilespmem:s29+$0xFFFFFF60];
	[tilespmem:s29+$0xFFFFFED0] =	vst v6  }
0x180: {  	v6 =	vld [tilespmem:s30+$0xFFFFFEE0]  }
0x181: {  	v3 =	vmul.f32 v3, v57;
	[tilespmem:s29+$0xFFFFFFD0] =	vst v4;
	v5 =	vmul.f32 v5, v9;
	v9 =	vld [tilespmem:s29+$0xFFFFFEE0]  }
0x182: {  	v4 =	vld [tilespmem:s30+$0xFFFFFFE0];
	[tilespmem:s29+$0x50] =	vst v7  }
0x183: {  	[tilespmem:s29+$0xD0] =	vst v3;
	v7 =	vld [tilespmem:s30+$0x60]  }
0x184: {  	v3 =	vld [tilespmem:s30+$0xE0];
	[tilespmem:s29+$0x150] =	vst v5  }
0x185: {  	v5 =	vld [tilespmem:s30+$0x160]  }
0x186: {  	v10 =	vmul.f32 v10, v58;
	v6 =	vmul.f32 v6, v9;
	v9 =	vld [tilespmem:s29+$0x160]  }
0x187: {  	[tilespmem:s29+$0x1F0] =	vst v1;
	v1 =	vld [tilespmem:s29+$0xF0];
	v4 =	vmul.f32 v4, v59  }
0x188: {  	[tilespmem:s29+$0xFFFFFE60] =	vst v10;
	v8 =	vmul.f32 v8, v11;
	v10 =	vld [tilespmem:s29+$0xFFFFFF70]  }
0x189: {  	v11 =	vld [tilespmem:s30+$0xFFFFFE70];
	[tilespmem:s29+$0xFFFFFFE0] =	vst v4  }
0x18a: {  	[tilespmem:s29+$0xFFFFFF60] =	vst v8;
	v3 =	vmul.f32 v3, v61;
	v4 =	vld [tilespmem:s30+$0xFFFFFFF0]  }
0x18b: {  	[tilespmem:s29+$0xFFFFFEE0] =	vst v6;
	v6 =	vmul.f32 v7, v60;
	v7 =	vld [tilespmem:s30+$0xFFFFFF70];
	v8 =	vmul.f32 v5, v9  }
0x18c: {  	[tilespmem:s29+$0xE0] =	vst v3;
	v63 =	vld [tilespmem:s30+$0xFFFFFEF0]  }
0x18d: {  	[tilespmem:s29+$0x160] =	vst v8;
	v8 =	vld [tilespmem:s29+$0xFFFFFEF0]  }
0x18e: {  	[tilespmem:s29+$0x60] =	vst v6;
	v6 =	vld [tilespmem:s30+$0xF0]  }
0x18f: {  	v9 =	vld [tilespmem:s29+$0xFFFFFFF0]  }
0x190: {  	s0 =	smul.u32 $0xA0, s26;
	v11 =	vmul.f32 v11, v62;
	v5 =	vld [tilespmem:s30+$0x70]  }
0x191: {  	v3 =	vld [tilespmem:s30+$0x170]  }
0x192: {  	s31 =	simm.s32 $0x0;
	s28 =	sadd.s32 s9, s0;
	s0 =	simm.s32 $0x13F80;
	[tilespmem:s29+$0xFFFFFE70] =	vst v11;
	v11 =	vmul.f32 v63, v8;
	v8 =	vld [tilespmem:s29+$0x170]  }
.LBB2_5:
0x193: {  	v12 =	vld [tilespmem:s0+$0x180];
	v7 =	vmul.f32 v7, v10;
	s30 =	sadd.s32 $0x400, s30  }
0x194: {  	s31 =	sadd.s32 $0x8, s31;
	v10 =	vld [tilespmem:s30+$0x180];
	[tilespmem:s29+$0xFFFFFEF0] =	vst v11;
	v4 =	vmul.f32 v4, v9  }
0x195: {  	p1 =	slt.u32 s31, $0x48;
	v9 =	vld [tilespmem:s30+$0xFFFFFE00];
	[tilespmem:s29+$0xFFFFFF70] =	vst v7;
	v2 =	vmul.f32 v5, v2  }
0x196: {  	v5 =	vld [tilespmem:s0+$0xFFFFFE80];
	[tilespmem:s29+$0xFFFFFFF0] =	vst v4;
	v1 =	vmul.f32 v6, v1  }
0x197: {  	v4 =	vld [tilespmem:s30+$0xFFFFFE80];
	[tilespmem:s29+$0x70] =	vst v2;
	v2 =	vmul.f32 v3, v8  }
0x198: {  	v3 =	vld [tilespmem:s0+$0xFFFFFF00];
	[tilespmem:s29+$0xF0] =	vst v1  }
0x199: {  	v1 =	vld [tilespmem:s30+$0xFFFFFF00];
	v6 =	vmul.f32 v10, v12;
	[tilespmem:s29+$0x170] =	vst v2;
	s29 =	smov.u32 s0  }
0x19a: {  	v2 =	vld [tilespmem:s0+$0xFFFFFF80]  }
0x19b: {  	[tilespmem:s0+$0x180] =	vst v6;
	v6 =	vld [tilespmem:s0+$0x190]  }
0x19c: {  	v4 =	vmul.f32 v4, v5;
	v5 =	vld [tilespmem:s30+$0x190]  }
0x19d: {  	v7 =	vld [tilespmem:s30+$0xFFFFFF80]  }
0x19e: {  	[tilespmem:s0+$0xFFFFFE80] =	vst v4;
	v1 =	vmul.f32 v1, v3;
	v3 =	vld [tilespmem:s0+$0x0]  }
0x19f: {  	v4 =	vld [tilespmem:s30+$0x0]  }
0x1a0: {  	[tilespmem:s0+$0xFFFFFF00] =	vst v1;
	v1 =	vld [tilespmem:s0+$0x80]  }
0x1a1: {  	v8 =	vld [tilespmem:s30+$0x80];
	v5 =	vmul.f32 v5, v6  }
0x1a2: {  	v2 =	vmul.f32 v7, v2;
	v6 =	vld [tilespmem:s0+$0x100]  }
0x1a3: {  	[tilespmem:s0+$0x190] =	vst v5;
	v5 =	vld [tilespmem:s0+$0x1A0]  }
0x1a4: {  	[tilespmem:s0+$0xFFFFFF80] =	vst v2;
	v2 =	vmul.f32 v4, v3;
	v3 =	vld [tilespmem:s30+$0x1A0]  }
0x1a5: {  	v4 =	vld [tilespmem:s30+$0x100]  }
0x1a6: {  	v7 =	vld [tilespmem:s0+$0xFFFFFE00];
	[tilespmem:s0+$0x0] =	vst v2;
	v1 =	vmul.f32 v8, v1  }
0x1a7: {  	v2 =	vld [tilespmem:s30+$0xFFFFFE90]  }
0x1a8: {  	v8 =	vld [tilespmem:s30+$0xFFFFFF10];
	[tilespmem:s0+$0x80] =	vst v1  }
0x1a9: {  	v1 =	vld [tilespmem:s30+$0xFFFFFF90];
	v3 =	vmul.f32 v3, v5  }
0x1aa: {  	v5 =	vld [tilespmem:s30+$0x10];
	v4 =	vmul.f32 v4, v6  }
0x1ab: {  	v6 =	vmul.f32 v9, v7;
	[tilespmem:s0+$0x1A0] =	vst v3;
	v3 =	vld [tilespmem:s0+$0x1B0]  }
0x1ac: {  	[tilespmem:s0+$0x100] =	vst v4;
	v4 =	vld [tilespmem:s30+$0x1B0]  }
0x1ad: {  	[tilespmem:s0+$0xFFFFFE00] =	vst v6;
	v6 =	vld [tilespmem:s30+$0x90]  }
0x1ae: {  	v7 =	vld [tilespmem:s30+$0xFFFFFE10]  }
0x1af: {  	v9 =	vld [tilespmem:s30+$0x110]  }
0x1b0: {  	v10 =	vld [tilespmem:s0+$0xFFFFFE10]  }
0x1b1: {  	v11 =	vld [tilespmem:s0+$0xFFFFFE90];
	v3 =	vmul.f32 v4, v3  }
0x1b2: {  	v4 =	vld [tilespmem:s0+$0xFFFFFF10]  }
0x1b3: {  	[tilespmem:s0+$0x1B0] =	vst v3;
	v3 =	vld [tilespmem:s0+$0x1C0]  }
0x1b4: {  	v12 =	vld [tilespmem:s30+$0x1C0]  }
0x1b5: {  	v7 =	vmul.f32 v7, v10;
	v10 =	vld [tilespmem:s0+$0xFFFFFF90]  }
0x1b6: {  	v2 =	vmul.f32 v2, v11;
	v11 =	vld [tilespmem:s0+$0x10]  }
0x1b7: {  	[tilespmem:s0+$0xFFFFFE10] =	vst v7;
	v4 =	vmul.f32 v8, v4;
	v7 =	vld [tilespmem:s0+$0x90]  }
0x1b8: {  	[tilespmem:s0+$0xFFFFFE90] =	vst v2;
	v2 =	vld [tilespmem:s0+$0x110]  }
0x1b9: {  	v8 =	vld [tilespmem:s30+$0xFFFFFE20];
	[tilespmem:s0+$0xFFFFFF10] =	vst v4;
	v3 =	vmul.f32 v12, v3  }
0x1ba: {  	v4 =	vld [tilespmem:s30+$0xFFFFFEA0];
	v1 =	vmul.f32 v1, v10  }
0x1bb: {  	v5 =	vmul.f32 v5, v11;
	[tilespmem:s0+$0x1C0] =	vst v3;
	v3 =	vld [tilespmem:s0+$0x1D0]  }
0x1bc: {  	[tilespmem:s0+$0xFFFFFF90] =	vst v1;
	v1 =	vmul.f32 v6, v7;
	v6 =	vld [tilespmem:s30+$0x1D0]  }
0x1bd: {  	v7 =	vld [tilespmem:s30+$0xFFFFFF20];
	[tilespmem:s0+$0x10] =	vst v5;
	v2 =	vmul.f32 v9, v2  }
0x1be: {  	v5 =	vld [tilespmem:s30+$0xFFFFFFA0];
	[tilespmem:s0+$0x90] =	vst v1  }
0x1bf: {  	v1 =	vld [tilespmem:s30+$0x20];
	[tilespmem:s0+$0x110] =	vst v2  }
0x1c0: {  	v2 =	vld [tilespmem:s30+$0xA0]  }
0x1c1: {  	v9 =	vld [tilespmem:s30+$0x120];
	v3 =	vmul.f32 v6, v3  }
0x1c2: {  	v6 =	vld [tilespmem:s0+$0xFFFFFE20]  }
0x1c3: {  	[tilespmem:s0+$0x1D0] =	vst v3;
	v3 =	vld [tilespmem:s0+$0x1E0]  }
0x1c4: {  	v10 =	vld [tilespmem:s30+$0x1E0]  }
0x1c5: {  	v11 =	vld [tilespmem:s0+$0xFFFFFEA0]  }
0x1c6: {  	v12 =	vld [tilespmem:s0+$0xFFFFFF20]  }
0x1c7: {  	v6 =	vmul.f32 v8, v6;
	v8 =	vld [tilespmem:s0+$0xFFFFFFA0]  }
0x1c8: {  	v13 =	vld [tilespmem:s0+$0x20]  }
0x1c9: {  	[tilespmem:s0+$0xFFFFFE20] =	vst v6;
	v6 =	vld [tilespmem:s0+$0xA0];
	v3 =	vmul.f32 v10, v3  }
0x1ca: {  	v4 =	vmul.f32 v4, v11;
	v10 =	vld [tilespmem:s0+$0x120]  }
0x1cb: {  	v7 =	vmul.f32 v7, v12;
	[tilespmem:s0+$0x1E0] =	vst v3;
	v3 =	vld [tilespmem:s0+$0x1F0]  }
0x1cc: {  	[tilespmem:s0+$0xFFFFFEA0] =	vst v4;
	v4 =	vmul.f32 v5, v8;
	v5 =	vld [tilespmem:s30+$0x1F0]  }
0x1cd: {  	v8 =	vld [tilespmem:s30+$0xFFFFFE30];
	[tilespmem:s0+$0xFFFFFF20] =	vst v7;
	v1 =	vmul.f32 v1, v13  }
0x1ce: {  	v7 =	vld [tilespmem:s30+$0xFFFFFEB0];
	[tilespmem:s0+$0xFFFFFFA0] =	vst v4;
	v2 =	vmul.f32 v2, v6  }
0x1cf: {  	v4 =	vld [tilespmem:s30+$0xFFFFFF30];
	[tilespmem:s0+$0x20] =	vst v1;
	v1 =	vmul.f32 v9, v10  }
0x1d0: {  	v6 =	vld [tilespmem:s30+$0xFFFFFFB0];
	[tilespmem:s0+$0xA0] =	vst v2  }
0x1d1: {  	v2 =	vld [tilespmem:s30+$0x30];
	[tilespmem:s0+$0x120] =	vst v1;
	v1 =	vmul.f32 v5, v3  }
0x1d2: {  	v3 =	vld [tilespmem:s30+$0xB0]  }
0x1d3: {  	v5 =	vld [tilespmem:s30+$0x130];
	[tilespmem:s0+$0x1F0] =	vst v1  }
0x1d4: {  	v1 =	vld [tilespmem:s0+$0xFFFFFE30]  }
0x1d5: {  	v9 =	vld [tilespmem:s0+$0xFFFFFEB0]  }
0x1d6: {  	v10 =	vld [tilespmem:s0+$0xFFFFFF30]  }
0x1d7: {  	v11 =	vld [tilespmem:s0+$0xFFFFFFB0]  }
0x1d8: {  	v12 =	vld [tilespmem:s0+$0x30]  }
0x1d9: {  	v1 =	vmul.f32 v8, v1;
	v8 =	vld [tilespmem:s0+$0xB0]  }
0x1da: {  	v7 =	vmul.f32 v7, v9;
	v9 =	vld [tilespmem:s0+$0x130]  }
0x1db: {  	[tilespmem:s0+$0xFFFFFE30] =	vst v1;
	v1 =	vld [tilespmem:s0+$0xFFFFFE40];
	v4 =	vmul.f32 v4, v10  }
0x1dc: {  	v10 =	vld [tilespmem:s30+$0xFFFFFE40];
	[tilespmem:s0+$0xFFFFFEB0] =	vst v7;
	v6 =	vmul.f32 v6, v11  }
0x1dd: {  	v7 =	vld [tilespmem:s30+$0xFFFFFEC0];
	[tilespmem:s0+$0xFFFFFF30] =	vst v4;
	v2 =	vmul.f32 v2, v12  }
0x1de: {  	v4 =	vld [tilespmem:s30+$0xFFFFFF40];
	[tilespmem:s0+$0xFFFFFFB0] =	vst v6;
	v3 =	vmul.f32 v3, v8  }
0x1df: {  	v6 =	vld [tilespmem:s30+$0xFFFFFFC0];
	[tilespmem:s0+$0x30] =	vst v2;
	v2 =	vmul.f32 v5, v9  }
0x1e0: {  	v5 =	vld [tilespmem:s30+$0x40];
	[tilespmem:s0+$0xB0] =	vst v3  }
0x1e1: {  	v1 =	vmul.f32 v10, v1;
	v3 =	vld [tilespmem:s30+$0xC0];
	[tilespmem:s0+$0x130] =	vst v2  }
0x1e2: {  	v2 =	vld [tilespmem:s30+$0x140]  }
0x1e3: {  	[tilespmem:s0+$0xFFFFFE40] =	vst v1;
	v1 =	vld [tilespmem:s0+$0xFFFFFEC0]  }
0x1e4: {  	v8 =	vld [tilespmem:s0+$0xFFFFFF40]  }
0x1e5: {  	v9 =	vld [tilespmem:s0+$0xFFFFFFC0]  }
0x1e6: {  	v10 =	vld [tilespmem:s0+$0x40]  }
0x1e7: {  	v11 =	vld [tilespmem:s0+$0xC0]  }
0x1e8: {  	v1 =	vmul.f32 v7, v1;
	v7 =	vld [tilespmem:s0+$0x140]  }
0x1e9: {  	v12 =	vld [tilespmem:s30+$0xFFFFFE50];
	v4 =	vmul.f32 v4, v8  }
0x1ea: {  	v8 =	vld [tilespmem:s0+$0xFFFFFE50];
	[tilespmem:s0+$0xFFFFFEC0] =	vst v1;
	v1 =	vmul.f32 v6, v9  }
0x1eb: {  	v6 =	vld [tilespmem:s30+$0xFFFFFED0];
	[tilespmem:s0+$0xFFFFFF40] =	vst v4;
	v4 =	vmul.f32 v5, v10  }
0x1ec: {  	v5 =	vld [tilespmem:s30+$0xFFFFFF50];
	[tilespmem:s0+$0xFFFFFFC0] =	vst v1;
	v1 =	vmul.f32 v3, v11  }
0x1ed: {  	v3 =	vld [tilespmem:s30+$0xFFFFFFD0];
	[tilespmem:s0+$0x40] =	vst v4;
	v2 =	vmul.f32 v2, v7  }
0x1ee: {  	v4 =	vld [tilespmem:s30+$0x50];
	[tilespmem:s0+$0xC0] =	vst v1  }
0x1ef: {  	v1 =	vmul.f32 v12, v8;
	v7 =	vld [tilespmem:s30+$0xD0];
	[tilespmem:s0+$0x140] =	vst v2  }
0x1f0: {  	v2 =	vld [tilespmem:s30+$0x150]  }
0x1f1: {  	[tilespmem:s0+$0xFFFFFE50] =	vst v1;
	v1 =	vld [tilespmem:s0+$0xFFFFFED0]  }
0x1f2: {  	v8 =	vld [tilespmem:s0+$0xFFFFFF50]  }
0x1f3: {  	v9 =	vld [tilespmem:s0+$0xFFFFFFD0]  }
0x1f4: {  	v10 =	vld [tilespmem:s0+$0x50]  }
0x1f5: {  	v11 =	vld [tilespmem:s0+$0xD0]  }
0x1f6: {  	v1 =	vmul.f32 v6, v1;
	v6 =	vld [tilespmem:s0+$0x150]  }
0x1f7: {  	v12 =	vld [tilespmem:s30+$0xFFFFFE60];
	v5 =	vmul.f32 v5, v8  }
0x1f8: {  	v8 =	vld [tilespmem:s0+$0xFFFFFE60];
	[tilespmem:s0+$0xFFFFFED0] =	vst v1;
	v1 =	vmul.f32 v3, v9  }
0x1f9: {  	v3 =	vld [tilespmem:s30+$0xFFFFFEE0];
	[tilespmem:s0+$0xFFFFFF50] =	vst v5;
	v4 =	vmul.f32 v4, v10  }
0x1fa: {  	v5 =	vld [tilespmem:s30+$0xFFFFFF60];
	[tilespmem:s0+$0xFFFFFFD0] =	vst v1;
	v1 =	vmul.f32 v7, v11  }
0x1fb: {  	v7 =	vld [tilespmem:s30+$0xFFFFFFE0];
	[tilespmem:s0+$0x50] =	vst v4;
	v2 =	vmul.f32 v2, v6  }
0x1fc: {  	v4 =	vld [tilespmem:s30+$0x60];
	[tilespmem:s0+$0xD0] =	vst v1  }
0x1fd: {  	v1 =	vmul.f32 v12, v8;
	v6 =	vld [tilespmem:s30+$0xE0];
	[tilespmem:s0+$0x150] =	vst v2  }
0x1fe: {  	v2 =	vld [tilespmem:s30+$0x160]  }
0x1ff: {  	[tilespmem:s0+$0xFFFFFE60] =	vst v1;
	v1 =	vld [tilespmem:s0+$0xFFFFFEE0]  }
0x200: {  	v8 =	vld [tilespmem:s0+$0xFFFFFF60]  }
0x201: {  	v9 =	vld [tilespmem:s0+$0xFFFFFFE0]  }
0x202: {  	v10 =	vld [tilespmem:s0+$0x60]  }
0x203: {  	v11 =	vld [tilespmem:s0+$0xE0]  }
0x204: {  	v1 =	vmul.f32 v3, v1;
	v3 =	vld [tilespmem:s0+$0x160]  }
0x205: {  	v12 =	vld [tilespmem:s30+$0xFFFFFE70];
	v5 =	vmul.f32 v5, v8  }
0x206: {  	v8 =	vld [tilespmem:s0+$0xFFFFFE70];
	[tilespmem:s0+$0xFFFFFEE0] =	vst v1;
	v1 =	vmul.f32 v7, v9  }
0x207: {  	v13 =	vld [tilespmem:s30+$0xFFFFFEF0];
	[tilespmem:s0+$0xFFFFFF60] =	vst v5;
	v5 =	vmul.f32 v4, v10  }
0x208: {  	v7 =	vld [tilespmem:s30+$0xFFFFFF70];
	[tilespmem:s0+$0xFFFFFFE0] =	vst v1;
	v1 =	vmul.f32 v6, v11  }
0x209: {  	v4 =	vld [tilespmem:s30+$0xFFFFFFF0];
	[tilespmem:s0+$0x60] =	vst v5;
	v2 =	vmul.f32 v2, v3  }
0x20a: {  	v5 =	vld [tilespmem:s30+$0x70];
	[tilespmem:s0+$0xE0] =	vst v1  }
0x20b: {  	v1 =	vmul.f32 v12, v8;
	v6 =	vld [tilespmem:s30+$0xF0];
	[tilespmem:s0+$0x160] =	vst v2  }
0x20c: {  	v3 =	vld [tilespmem:s30+$0x170]  }
0x20d: {  	[tilespmem:s0+$0xFFFFFE70] =	vst v1;
	v8 =	vld [tilespmem:s0+$0xFFFFFEF0]  }
.Ltmp1:
0x20e: {  	v10 =	vld [tilespmem:s0+$0xFFFFFF70];
	(pc) =	sbr.rel @p1 .LBB2_5-.Ltmp1, $4  }
0x20f: {  	v9 =	vld [tilespmem:s0+$0xFFFFFFF0]  }
0x210: {  	v2 =	vld [tilespmem:s0+$0x70]  }
0x211: {  	v1 =	vld [tilespmem:s0+$0xF0]  }
0x212: {  	s0 =	sadd.s32 $0x400, s0;
	v11 =	vmul.f32 v13, v8;
	v8 =	vld [tilespmem:s29+$0x170]  }
0x213: {  	v7 =	vmul.f32 v7, v10  }
0x214: {  	[tilespmem:s29+$0xFFFFFEF0] =	vst v11;
	v4 =	vmul.f32 v4, v9  }
0x215: {  	[tilespmem:s29+$0xFFFFFF70] =	vst v7;
	v2 =	vmul.f32 v5, v2  }
0x216: {  	[tilespmem:s29+$0xFFFFFFF0] =	vst v4;
	v1 =	vmul.f32 v6, v1  }
0x217: {  	[tilespmem:s29+$0x70] =	vst v2;
	v2 =	vmul.f32 v3, v8  }
0x218: {  	s0 =	sadd.s32 $0xA0, s28;
	[tilespmem:s29+$0xF0] =	vst v1  }
0x219: {  	[tilespmem:s29+$0x170] =	vst v2;
	s29 =	sshrl.u32 s0, $0x3  }
0x21a: {  	[spmem:s3] =	stream.indirect.scatter.add.f32 [tilespmem:s15], [sflag:$0x5], $0x80, s11, s14, $0xb8;
	[tilespmem:$0x1DA80] =	vst v63  }
0x21b: {  	s30 =	sadd.s32 s6, s29  }
0x21c: {  	[tilespmem:s10], [sflag:$0x1] =	stream.linear.gather [hbm4b:s30+s4], $0x50, $0x38;
	[tilespmem:$0x1DA80] =	vst v63  }
0x21d: {  	s0 =	sshll.u32 s0, $0x4;
	s29 =	sadd.s32 s7, s29  }
0x21e: {  	[tilespmem:s11], [sflag:$0x1] =	stream.linear.gather [hbm4b:s29+s4], $0x50, $0x38;
	[tilespmem:$0x1DA80] =	vst v63  }
0x21f: {  	s0 =	sadd.s32 s2, s0  }
0x220: {  	[tilespmem:s12], [sflag:$0x1] =	stream.linear.gather [hbm4b:s0+s4], $0x2800, $0x38;
	[tilespmem:$0x1DA80] =	vst v63  }
0x221: {  	_ =	swait.ge [sflag:s22], $0x2800  }
0x222: {  	[sflag:s22] =	ssyncset.done $0x0  }
0x223: {  	s29 =	simm.s32 $0x18C80;
	[sflag:s22] =	ssyncadd.s32 $0xFFFFD800  }
0x224: {  	s30 =	simm.s32 $0x1B480;
	v1 =	vld [tilespmem:s29+$0x180]  }
0x225: {  	v2 =	vld [tilespmem:s30+$0x180]  }
0x226: {  	v3 =	vld [tilespmem:s30+$0xFFFFFE00]  }
0x227: {  	v4 =	vld [tilespmem:s29+$0xFFFFFE80]  }
0x228: {  	v5 =	vld [tilespmem:s30+$0xFFFFFE80]  }
0x229: {  	v6 =	vld [tilespmem:s29+$0xFFFFFF00]  }
0x22a: {  	v7 =	vld [tilespmem:s30+$0xFFFFFF00]  }
0x22b: {  	v8 =	vld [tilespmem:s30+$0xFFFFFF80]  }
0x22c: {  	v10 =	vld [tilespmem:s29+$0x0]  }
0x22d: {  	v11 =	vld [tilespmem:s30+$0x0]  }
0x22e: {  	v12 =	vld [tilespmem:s29+$0x80]  }
0x22f: {  	v13 =	vld [tilespmem:s30+$0x80]  }
0x230: {  	v14 =	vld [tilespmem:s29+$0x100]  }
0x231: {  	v41 =	vld [tilespmem:s29+$0xFFFFFF10]  }
0x232: {  	v42 =	vld [tilespmem:s29+$0xFFFFFF90]  }
0x233: {  	v43 =	vld [tilespmem:s29+$0x10]  }
0x234: {  	v44 =	vld [tilespmem:s29+$0xFFFFFF20]  }
0x235: {  	v45 =	vld [tilespmem:s29+$0xFFFFFFA0]  }
0x236: {  	v46 =	vld [tilespmem:s29+$0x20]  }
0x237: {  	v15 =	vld [tilespmem:s29+$0xA0]  }
0x238: {  	v47 =	vld [tilespmem:s29+$0xFFFFFF30]  }
0x239: {  	v48 =	vld [tilespmem:s29+$0xFFFFFFB0]  }
0x23a: {  	v49 =	vld [tilespmem:s29+$0x30]  }
0x23b: {  	v51 =	vld [tilespmem:s29+$0xFFFFFFC0]  }
0x23c: {  	v52 =	vld [tilespmem:s29+$0x40];
	v1 =	vmul.f32 v2, v1  }
0x23d: {  	v53 =	vld [tilespmem:s29+$0xC0]  }
0x23e: {  	[tilespmem:s29+$0x180] =	vst v1;
	v1 =	vld [tilespmem:s29+$0x190]  }
0x23f: {  	v2 =	vld [tilespmem:s30+$0x190]  }
0x240: {  	v54 =	vld [tilespmem:s29+$0xFFFFFF50]  }
0x241: {  	v55 =	vld [tilespmem:s29+$0xFFFFFFD0]  }
0x242: {  	v56 =	vld [tilespmem:s29+$0xD0]  }
0x243: {  	v57 =	vld [tilespmem:s29+$0xFFFFFE60]  }
0x244: {  	v58 =	vld [tilespmem:s29+$0xFFFFFFE0];
	v1 =	vmul.f32 v2, v1  }
0x245: {  	v59 =	vld [tilespmem:s29+$0x60]  }
0x246: {  	[tilespmem:s29+$0x190] =	vst v1;
	v1 =	vld [tilespmem:s29+$0x1A0]  }
0x247: {  	v9 =	vld [tilespmem:s30+$0x1A0]  }
0x248: {  	v4 =	vmul.f32 v5, v4;
	v5 =	vld [tilespmem:s29+$0xFFFFFE00]  }
0x249: {  	v60 =	vld [tilespmem:s29+$0xE0]  }
0x24a: {  	v2 =	vld [tilespmem:s29+$0xFFFFFF80]  }
0x24b: {  	v61 =	vld [tilespmem:s29+$0xFFFFFE70]  }
0x24c: {  	v1 =	vmul.f32 v9, v1;
	v9 =	vld [tilespmem:s30+$0x100]  }
0x24d: {  	v63 =	vld [tilespmem:s29+$0xFFFFFEF0];
	[tilespmem:s29+$0xFFFFFE80] =	vst v4;
	v3 =	vmul.f32 v3, v5  }
0x24e: {  	[tilespmem:s29+$0x1A0] =	vst v1;
	v1 =	vmul.f32 v7, v6;
	v6 =	vld [tilespmem:s29+$0x1B0]  }
0x24f: {  	[tilespmem:s29+$0xFFFFFE00] =	vst v3;
	v2 =	vmul.f32 v8, v2;
	v4 =	vld [tilespmem:s30+$0x1B0]  }
0x250: {  	v7 =	vld [tilespmem:s30+$0xFFFFFE90];
	[tilespmem:s29+$0xFFFFFF00] =	vst v1;
	v1 =	vmul.f32 v11, v10  }
0x251: {  	[tilespmem:s29+$0xFFFFFF80] =	vst v2;
	v10 =	vld [tilespmem:s29+$0xFFFFFE10];
	v5 =	vmul.f32 v9, v14  }
0x252: {  	v2 =	vmul.f32 v13, v12;
	[tilespmem:s29+$0x0] =	vst v1;
	v1 =	vld [tilespmem:s30+$0xFFFFFF90]  }
0x253: {  	[tilespmem:s29+$0x100] =	vst v5;
	v5 =	vld [tilespmem:s30+$0xFFFFFE10]  }
0x254: {  	[tilespmem:s29+$0x80] =	vst v2;
	v2 =	vld [tilespmem:s30+$0x10];
	v4 =	vmul.f32 v4, v6  }
0x255: {  	v6 =	vld [tilespmem:s30+$0x110]  }
0x256: {  	[tilespmem:s29+$0x1B0] =	vst v4;
	v4 =	vld [tilespmem:s29+$0x1C0]  }
0x257: {  	v9 =	vld [tilespmem:s30+$0x1C0]  }
0x258: {  	v5 =	vmul.f32 v5, v10;
	v10 =	vld [tilespmem:s29+$0x110]  }
0x259: {  	v3 =	vld [tilespmem:s30+$0x90]  }
0x25a: {  	v11 =	vld [tilespmem:s29+$0xFFFFFE90];
	v1 =	vmul.f32 v1, v42  }
0x25b: {  	v8 =	vld [tilespmem:s30+$0xFFFFFF10];
	v2 =	vmul.f32 v2, v43  }
0x25c: {  	[tilespmem:s29+$0xFFFFFF90] =	vst v1;
	v4 =	vmul.f32 v9, v4;
	v9 =	vld [tilespmem:s29+$0x90]  }
0x25d: {  	[tilespmem:s29+$0x10] =	vst v2;
	v2 =	vmul.f32 v6, v10;
	v6 =	vld [tilespmem:s30+$0xFFFFFFA0]  }
0x25e: {  	v10 =	vld [tilespmem:s29+$0xFFFFFE20]  }
0x25f: {  	[tilespmem:s29+$0x1C0] =	vst v4;
	v4 =	vmul.f32 v7, v11;
	v7 =	vld [tilespmem:s29+$0x1D0]  }
0x260: {  	v11 =	vld [tilespmem:s29+$0xFFFFFEA0]  }
0x261: {  	[tilespmem:s29+$0xFFFFFE10] =	vst v5;
	v5 =	vmul.f32 v8, v41;
	v8 =	vld [tilespmem:s30+$0x1D0]  }
0x262: {  	[tilespmem:s29+$0xFFFFFE90] =	vst v4;
	v4 =	vld [tilespmem:s30+$0xFFFFFE20]  }
0x263: {  	[tilespmem:s29+$0xFFFFFF10] =	vst v5;
	v5 =	vld [tilespmem:s30+$0xFFFFFEA0];
	v1 =	vmul.f32 v3, v9  }
0x264: {  	v3 =	vld [tilespmem:s30+$0xFFFFFF20]  }
0x265: {  	v9 =	vld [tilespmem:s30+$0x20];
	[tilespmem:s29+$0x90] =	vst v1  }
0x266: {  	[tilespmem:s29+$0x110] =	vst v2;
	v1 =	vmul.f32 v8, v7;
	v7 =	vld [tilespmem:s30+$0xA0]  }
0x267: {  	v8 =	vld [tilespmem:s30+$0x120]  }
0x268: {  	[tilespmem:s29+$0x1D0] =	vst v1;
	v1 =	vld [tilespmem:s29+$0x1E0];
	v5 =	vmul.f32 v5, v11  }
0x269: {  	v3 =	vmul.f32 v3, v44;
	v2 =	vld [tilespmem:s30+$0x1E0]  }
0x26a: {  	v11 =	vld [tilespmem:s29+$0xFFFFFEB0];
	[tilespmem:s29+$0xFFFFFEA0] =	vst v5;
	v5 =	vmul.f32 v6, v45  }
0x26b: {  	[tilespmem:s29+$0xFFFFFF20] =	vst v3;
	v3 =	vmul.f32 v9, v46;
	v9 =	vld [tilespmem:s30+$0xFFFFFEB0]  }
0x26c: {  	[tilespmem:s29+$0xFFFFFFA0] =	vst v5;
	v5 =	vmul.f32 v7, v15;
	v7 =	vld [tilespmem:s30+$0xFFFFFF30]  }
0x26d: {  	[tilespmem:s29+$0x20] =	vst v3;
	v3 =	vld [tilespmem:s30+$0xFFFFFFB0]  }
0x26e: {  	v1 =	vmul.f32 v2, v1;
	v2 =	vmul.f32 v4, v10;
	v4 =	vld [tilespmem:s29+$0x120]  }
0x26f: {  	[tilespmem:s29+$0xA0] =	vst v5;
	v5 =	vld [tilespmem:s30+$0x30]  }
0x270: {  	[tilespmem:s29+$0x1E0] =	vst v1;
	v1 =	vld [tilespmem:s29+$0x1F0]  }
0x271: {  	v9 =	vmul.f32 v9, v11;
	v11 =	vld [tilespmem:s29+$0x130]  }
0x272: {  	[tilespmem:s29+$0xFFFFFE20] =	vst v2;
	v2 =	vld [tilespmem:s30+$0x1F0]  }
0x273: {  	v6 =	vld [tilespmem:s30+$0xFFFFFE30];
	v4 =	vmul.f32 v8, v4  }
0x274: {  	v8 =	vld [tilespmem:s30+$0xB0]  }
0x275: {  	v7 =	vmul.f32 v7, v47;
	[tilespmem:s29+$0x120] =	vst v4;
	v4 =	vld [tilespmem:s29+$0xFFFFFE30]  }
0x276: {  	[tilespmem:s29+$0xFFFFFEB0] =	vst v9;
	v10 =	vld [tilespmem:s30+$0x130]  }
0x277: {  	v9 =	vld [tilespmem:s30+$0xFFFFFEC0];
	[tilespmem:s29+$0xFFFFFF30] =	vst v7;
	v1 =	vmul.f32 v2, v1  }
0x278: {  	v7 =	vld [tilespmem:s30+$0xFFFFFF40]  }
0x279: {  	v5 =	vmul.f32 v5, v49;
	[tilespmem:s29+$0x1F0] =	vst v1;
	v1 =	vld [tilespmem:s29+$0xF0]  }
0x27a: {  	v4 =	vmul.f32 v6, v4;
	v6 =	vld [tilespmem:s29+$0xB0]  }
0x27b: {  	[tilespmem:s29+$0x30] =	vst v5;
	v5 =	vmul.f32 v10, v11;
	v11 =	vld [tilespmem:s29+$0xFFFFFF40]  }
0x27c: {  	[tilespmem:s29+$0xFFFFFE30] =	vst v4;
	v4 =	vld [tilespmem:s29+$0xFFFFFE40]  }
0x27d: {  	v50 =	vld [tilespmem:s30+$0xFFFFFE40]  }
0x27e: {  	v3 =	vmul.f32 v3, v48;
	v10 =	vld [tilespmem:s29+$0xFFFFFEC0];
	[tilespmem:s29+$0x130] =	vst v5  }
0x27f: {  	v5 =	vld [tilespmem:s30+$0x140]  }
0x280: {  	[tilespmem:s29+$0xFFFFFFB0] =	vst v3;
	v3 =	vmul.f32 v8, v6;
	v8 =	vld [tilespmem:s30+$0x40]  }
0x281: {  	v6 =	vld [tilespmem:s30+$0xFFFFFFC0];
	v7 =	vmul.f32 v7, v11  }
0x282: {  	v11 =	vld [tilespmem:s29+$0xFFFFFE50];
	[tilespmem:s29+$0xB0] =	vst v3;
	v4 =	vmul.f32 v50, v4  }
0x283: {  	v3 =	vld [tilespmem:s30+$0xC0];
	[tilespmem:s29+$0xFFFFFF40] =	vst v7  }
0x284: {  	[tilespmem:s29+$0xFFFFFE40] =	vst v4;
	v4 =	vmul.f32 v9, v10;
	v9 =	vld [tilespmem:s29+$0x140]  }
0x285: {  	v7 =	vmul.f32 v8, v52;
	v8 =	vld [tilespmem:s30+$0xFFFFFF50]  }
0x286: {  	v10 =	vld [tilespmem:s30+$0xFFFFFE50];
	[tilespmem:s29+$0xFFFFFEC0] =	vst v4;
	v4 =	vmul.f32 v6, v51  }
0x287: {  	[tilespmem:s29+$0x40] =	vst v7;
	v6 =	vld [tilespmem:s30+$0xFFFFFED0]  }
0x288: {  	v3 =	vmul.f32 v3, v53;
	v7 =	vld [tilespmem:s30+$0x50];
	[tilespmem:s29+$0xFFFFFFC0] =	vst v4  }
0x289: {  	v4 =	vld [tilespmem:s30+$0xFFFFFFD0]  }
0x28a: {  	v5 =	vmul.f32 v5, v9;
	[tilespmem:s29+$0xC0] =	vst v3;
	v9 =	vld [tilespmem:s29+$0xFFFFFED0]  }
0x28b: {  	v8 =	vmul.f32 v8, v54;
	v3 =	vld [tilespmem:s30+$0xD0]  }
0x28c: {  	v10 =	vmul.f32 v10, v11;
	v11 =	vld [tilespmem:s29+$0x50];
	[tilespmem:s29+$0x140] =	vst v5  }
0x28d: {  	[tilespmem:s29+$0xFFFFFF50] =	vst v8;
	v5 =	vld [tilespmem:s30+$0x150]  }
0x28e: {  	[tilespmem:s29+$0xFFFFFE50] =	vst v10;
	v8 =	vld [tilespmem:s30+$0xFFFFFF60]  }
0x28f: {  	v10 =	vld [tilespmem:s30+$0xFFFFFE60];
	v6 =	vmul.f32 v6, v9  }
0x290: {  	v9 =	vld [tilespmem:s29+$0x150];
	v4 =	vmul.f32 v4, v55  }
0x291: {  	v7 =	vmul.f32 v7, v11;
	v11 =	vld [tilespmem:s29+$0xFFFFFF60];
	[tilespmem:s29+$0xFFFFFED0] =	vst v6  }
0x292: {  	[tilespmem:s29+$0xFFFFFFD0] =	vst v4;
	v6 =	vld [tilespmem:s30+$0xFFFFFEE0]  }
0x293: {  	v3 =	vmul.f32 v3, v56;
	v4 =	vld [tilespmem:s30+$0xFFFFFFE0];
	[tilespmem:s29+$0x50] =	vst v7  }
0x294: {  	v7 =	vld [tilespmem:s30+$0x60]  }
0x295: {  	[tilespmem:s29+$0xD0] =	vst v3;
	v10 =	vmul.f32 v10, v57;
	v5 =	vmul.f32 v5, v9;
	v9 =	vld [tilespmem:s29+$0xFFFFFEE0]  }
0x296: {  	v3 =	vld [tilespmem:s30+$0xE0]  }
0x297: {  	[tilespmem:s29+$0xFFFFFE60] =	vst v10;
	v10 =	vld [tilespmem:s29+$0xFFFFFF70]  }
0x298: {  	v8 =	vmul.f32 v8, v11;
	[tilespmem:s29+$0x150] =	vst v5;
	v11 =	vld [tilespmem:s30+$0xFFFFFE70];
	v4 =	vmul.f32 v4, v58  }
0x299: {  	v5 =	vld [tilespmem:s30+$0x160]  }
0x29a: {  	v6 =	vmul.f32 v6, v9;
	v9 =	vld [tilespmem:s29+$0x160];
	[tilespmem:s29+$0xFFFFFFE0] =	vst v4  }
0x29b: {  	[tilespmem:s29+$0xFFFFFF60] =	vst v8;
	v3 =	vmul.f32 v3, v60;
	v4 =	vld [tilespmem:s30+$0xFFFFFFF0]  }
0x29c: {  	[tilespmem:s29+$0xFFFFFEE0] =	vst v6;
	v6 =	vmul.f32 v7, v59;
	v7 =	vld [tilespmem:s30+$0xFFFFFF70]  }
0x29d: {  	[tilespmem:s29+$0xE0] =	vst v3;
	v62 =	vld [tilespmem:s30+$0xFFFFFEF0]  }
0x29e: {  	[tilespmem:s29+$0x60] =	vst v6;
	v6 =	vld [tilespmem:s30+$0xF0]  }
0x29f: {  	v8 =	vmul.f32 v5, v9;
	v5 =	vld [tilespmem:s30+$0x70]  }
0x2a0: {  	v2 =	vmul.f32 v11, v61;
	v9 =	vld [tilespmem:s29+$0xFFFFFFF0]  }
0x2a1: {  	[tilespmem:s29+$0x160] =	vst v8;
	v8 =	vld [tilespmem:s29+$0x70]  }
0x2a2: {  	[tilespmem:s29+$0xFFFFFE70] =	vst v2;
	v2 =	vld [tilespmem:s29+$0x170]  }
0x2a3: {  	s31 =	simm.s32 $0x0;
	s0 =	simm.s32 $0x19080;
	v3 =	vld [tilespmem:s30+$0x170];
	v11 =	vmul.f32 v62, v63  }
.LBB2_7:
0x2a4: {  	v12 =	vld [tilespmem:s0+$0x180];
	v7 =	vmul.f32 v7, v10;
	s30 =	sadd.s32 $0x400, s30  }
0x2a5: {  	s31 =	sadd.s32 $0x8, s31;
	v10 =	vld [tilespmem:s30+$0x180];
	[tilespmem:s29+$0xFFFFFEF0] =	vst v11;
	v4 =	vmul.f32 v4, v9  }
0x2a6: {  	p1 =	slt.u32 s31, $0x48;
	v9 =	vld [tilespmem:s30+$0xFFFFFE00];
	[tilespmem:s29+$0xFFFFFF70] =	vst v7;
	v5 =	vmul.f32 v5, v8  }
0x2a7: {  	v7 =	vld [tilespmem:s0+$0xFFFFFE80];
	[tilespmem:s29+$0xFFFFFFF0] =	vst v4;
	v1 =	vmul.f32 v6, v1  }
0x2a8: {  	v4 =	vld [tilespmem:s30+$0xFFFFFE80];
	[tilespmem:s29+$0x70] =	vst v5;
	v2 =	vmul.f32 v3, v2  }
0x2a9: {  	v3 =	vld [tilespmem:s0+$0xFFFFFF00];
	[tilespmem:s29+$0xF0] =	vst v1  }
0x2aa: {  	v1 =	vld [tilespmem:s30+$0xFFFFFF00];
	v5 =	vmul.f32 v10, v12;
	[tilespmem:s29+$0x170] =	vst v2;
	s29 =	smov.u32 s0  }
0x2ab: {  	v2 =	vld [tilespmem:s0+$0xFFFFFF80]  }
0x2ac: {  	[tilespmem:s0+$0x180] =	vst v5;
	v5 =	vld [tilespmem:s0+$0x190]  }
0x2ad: {  	v4 =	vmul.f32 v4, v7;
	v6 =	vld [tilespmem:s30+$0x190]  }
0x2ae: {  	v7 =	vld [tilespmem:s30+$0xFFFFFF80]  }
0x2af: {  	[tilespmem:s0+$0xFFFFFE80] =	vst v4;
	v1 =	vmul.f32 v1, v3;
	v3 =	vld [tilespmem:s0+$0x0]  }
0x2b0: {  	v4 =	vld [tilespmem:s30+$0x0]  }
0x2b1: {  	[tilespmem:s0+$0xFFFFFF00] =	vst v1;
	v1 =	vld [tilespmem:s0+$0x80]  }
0x2b2: {  	v8 =	vld [tilespmem:s30+$0x80];
	v5 =	vmul.f32 v6, v5  }
0x2b3: {  	v2 =	vmul.f32 v7, v2;
	v6 =	vld [tilespmem:s0+$0x100]  }
0x2b4: {  	[tilespmem:s0+$0x190] =	vst v5;
	v5 =	vld [tilespmem:s0+$0x1A0]  }
0x2b5: {  	[tilespmem:s0+$0xFFFFFF80] =	vst v2;
	v2 =	vmul.f32 v4, v3;
	v3 =	vld [tilespmem:s30+$0x1A0]  }
0x2b6: {  	v4 =	vld [tilespmem:s30+$0x100]  }
0x2b7: {  	v7 =	vld [tilespmem:s0+$0xFFFFFE00];
	[tilespmem:s0+$0x0] =	vst v2;
	v1 =	vmul.f32 v8, v1  }
0x2b8: {  	v2 =	vld [tilespmem:s30+$0xFFFFFE90]  }
0x2b9: {  	v8 =	vld [tilespmem:s30+$0xFFFFFF10];
	[tilespmem:s0+$0x80] =	vst v1  }
0x2ba: {  	v1 =	vld [tilespmem:s30+$0xFFFFFF90];
	v3 =	vmul.f32 v3, v5  }
0x2bb: {  	v5 =	vld [tilespmem:s30+$0x10];
	v4 =	vmul.f32 v4, v6  }
0x2bc: {  	v6 =	vmul.f32 v9, v7;
	[tilespmem:s0+$0x1A0] =	vst v3;
	v3 =	vld [tilespmem:s0+$0x1B0]  }
0x2bd: {  	[tilespmem:s0+$0x100] =	vst v4;
	v4 =	vld [tilespmem:s30+$0x1B0]  }
0x2be: {  	[tilespmem:s0+$0xFFFFFE00] =	vst v6;
	v6 =	vld [tilespmem:s30+$0x90]  }
0x2bf: {  	v7 =	vld [tilespmem:s30+$0xFFFFFE10]  }
0x2c0: {  	v9 =	vld [tilespmem:s30+$0x110]  }
0x2c1: {  	v10 =	vld [tilespmem:s0+$0xFFFFFE10]  }
0x2c2: {  	v11 =	vld [tilespmem:s0+$0xFFFFFE90];
	v3 =	vmul.f32 v4, v3  }
0x2c3: {  	v4 =	vld [tilespmem:s0+$0xFFFFFF10]  }
0x2c4: {  	[tilespmem:s0+$0x1B0] =	vst v3;
	v3 =	vld [tilespmem:s0+$0x1C0]  }
0x2c5: {  	v12 =	vld [tilespmem:s30+$0x1C0]  }
0x2c6: {  	v7 =	vmul.f32 v7, v10;
	v10 =	vld [tilespmem:s0+$0xFFFFFF90]  }
0x2c7: {  	v2 =	vmul.f32 v2, v11;
	v11 =	vld [tilespmem:s0+$0x10]  }
0x2c8: {  	[tilespmem:s0+$0xFFFFFE10] =	vst v7;
	v4 =	vmul.f32 v8, v4;
	v7 =	vld [tilespmem:s0+$0x90]  }
0x2c9: {  	[tilespmem:s0+$0xFFFFFE90] =	vst v2;
	v2 =	vld [tilespmem:s0+$0x110]  }
0x2ca: {  	v8 =	vld [tilespmem:s30+$0xFFFFFE20];
	[tilespmem:s0+$0xFFFFFF10] =	vst v4;
	v3 =	vmul.f32 v12, v3  }
0x2cb: {  	v4 =	vld [tilespmem:s30+$0xFFFFFEA0];
	v1 =	vmul.f32 v1, v10  }
0x2cc: {  	v5 =	vmul.f32 v5, v11;
	[tilespmem:s0+$0x1C0] =	vst v3;
	v3 =	vld [tilespmem:s0+$0x1D0]  }
0x2cd: {  	[tilespmem:s0+$0xFFFFFF90] =	vst v1;
	v1 =	vmul.f32 v6, v7;
	v6 =	vld [tilespmem:s30+$0x1D0]  }
0x2ce: {  	v7 =	vld [tilespmem:s30+$0xFFFFFF20];
	[tilespmem:s0+$0x10] =	vst v5;
	v2 =	vmul.f32 v9, v2  }
0x2cf: {  	v5 =	vld [tilespmem:s30+$0xFFFFFFA0];
	[tilespmem:s0+$0x90] =	vst v1  }
0x2d0: {  	v1 =	vld [tilespmem:s30+$0x20];
	[tilespmem:s0+$0x110] =	vst v2  }
0x2d1: {  	v2 =	vld [tilespmem:s30+$0xA0]  }
0x2d2: {  	v9 =	vld [tilespmem:s30+$0x120];
	v3 =	vmul.f32 v6, v3  }
0x2d3: {  	v6 =	vld [tilespmem:s0+$0xFFFFFE20]  }
0x2d4: {  	[tilespmem:s0+$0x1D0] =	vst v3;
	v3 =	vld [tilespmem:s0+$0x1E0]  }
0x2d5: {  	v10 =	vld [tilespmem:s30+$0x1E0]  }
0x2d6: {  	v11 =	vld [tilespmem:s0+$0xFFFFFEA0]  }
0x2d7: {  	v12 =	vld [tilespmem:s0+$0xFFFFFF20]  }
0x2d8: {  	v6 =	vmul.f32 v8, v6;
	v8 =	vld [tilespmem:s0+$0xFFFFFFA0]  }
0x2d9: {  	v13 =	vld [tilespmem:s0+$0x20]  }
0x2da: {  	[tilespmem:s0+$0xFFFFFE20] =	vst v6;
	v6 =	vld [tilespmem:s0+$0xA0];
	v3 =	vmul.f32 v10, v3  }
0x2db: {  	v4 =	vmul.f32 v4, v11;
	v10 =	vld [tilespmem:s0+$0x120]  }
0x2dc: {  	v7 =	vmul.f32 v7, v12;
	[tilespmem:s0+$0x1E0] =	vst v3;
	v3 =	vld [tilespmem:s0+$0x1F0]  }
0x2dd: {  	[tilespmem:s0+$0xFFFFFEA0] =	vst v4;
	v4 =	vmul.f32 v5, v8;
	v5 =	vld [tilespmem:s30+$0x1F0]  }
0x2de: {  	v8 =	vld [tilespmem:s30+$0xFFFFFE30];
	[tilespmem:s0+$0xFFFFFF20] =	vst v7;
	v1 =	vmul.f32 v1, v13  }
0x2df: {  	v7 =	vld [tilespmem:s30+$0xFFFFFEB0];
	[tilespmem:s0+$0xFFFFFFA0] =	vst v4;
	v2 =	vmul.f32 v2, v6  }
0x2e0: {  	v4 =	vld [tilespmem:s30+$0xFFFFFF30];
	[tilespmem:s0+$0x20] =	vst v1;
	v1 =	vmul.f32 v9, v10  }
0x2e1: {  	v6 =	vld [tilespmem:s30+$0xFFFFFFB0];
	[tilespmem:s0+$0xA0] =	vst v2  }
0x2e2: {  	v2 =	vld [tilespmem:s30+$0x30];
	[tilespmem:s0+$0x120] =	vst v1;
	v1 =	vmul.f32 v5, v3  }
0x2e3: {  	v3 =	vld [tilespmem:s30+$0xB0]  }
0x2e4: {  	v5 =	vld [tilespmem:s30+$0x130];
	[tilespmem:s0+$0x1F0] =	vst v1  }
0x2e5: {  	v1 =	vld [tilespmem:s0+$0xFFFFFE30]  }
0x2e6: {  	v9 =	vld [tilespmem:s0+$0xFFFFFEB0]  }
0x2e7: {  	v10 =	vld [tilespmem:s0+$0xFFFFFF30]  }
0x2e8: {  	v11 =	vld [tilespmem:s0+$0xFFFFFFB0]  }
0x2e9: {  	v12 =	vld [tilespmem:s0+$0x30]  }
0x2ea: {  	v1 =	vmul.f32 v8, v1;
	v8 =	vld [tilespmem:s0+$0xB0]  }
0x2eb: {  	v7 =	vmul.f32 v7, v9;
	v9 =	vld [tilespmem:s0+$0x130]  }
0x2ec: {  	[tilespmem:s0+$0xFFFFFE30] =	vst v1;
	v1 =	vld [tilespmem:s0+$0xFFFFFE40];
	v4 =	vmul.f32 v4, v10  }
0x2ed: {  	v10 =	vld [tilespmem:s30+$0xFFFFFE40];
	[tilespmem:s0+$0xFFFFFEB0] =	vst v7;
	v6 =	vmul.f32 v6, v11  }
0x2ee: {  	v7 =	vld [tilespmem:s30+$0xFFFFFEC0];
	[tilespmem:s0+$0xFFFFFF30] =	vst v4;
	v2 =	vmul.f32 v2, v12  }
0x2ef: {  	v4 =	vld [tilespmem:s30+$0xFFFFFF40];
	[tilespmem:s0+$0xFFFFFFB0] =	vst v6;
	v3 =	vmul.f32 v3, v8  }
0x2f0: {  	v6 =	vld [tilespmem:s30+$0xFFFFFFC0];
	[tilespmem:s0+$0x30] =	vst v2;
	v2 =	vmul.f32 v5, v9  }
0x2f1: {  	v5 =	vld [tilespmem:s30+$0x40];
	[tilespmem:s0+$0xB0] =	vst v3  }
0x2f2: {  	v1 =	vmul.f32 v10, v1;
	v3 =	vld [tilespmem:s30+$0xC0];
	[tilespmem:s0+$0x130] =	vst v2  }
0x2f3: {  	v2 =	vld [tilespmem:s30+$0x140]  }
0x2f4: {  	[tilespmem:s0+$0xFFFFFE40] =	vst v1;
	v1 =	vld [tilespmem:s0+$0xFFFFFEC0]  }
0x2f5: {  	v8 =	vld [tilespmem:s0+$0xFFFFFF40]  }
0x2f6: {  	v9 =	vld [tilespmem:s0+$0xFFFFFFC0]  }
0x2f7: {  	v10 =	vld [tilespmem:s0+$0x40]  }
0x2f8: {  	v11 =	vld [tilespmem:s0+$0xC0]  }
0x2f9: {  	v1 =	vmul.f32 v7, v1;
	v7 =	vld [tilespmem:s0+$0x140]  }
0x2fa: {  	v12 =	vld [tilespmem:s30+$0xFFFFFE50];
	v4 =	vmul.f32 v4, v8  }
0x2fb: {  	v8 =	vld [tilespmem:s0+$0xFFFFFE50];
	[tilespmem:s0+$0xFFFFFEC0] =	vst v1;
	v1 =	vmul.f32 v6, v9  }
0x2fc: {  	v6 =	vld [tilespmem:s30+$0xFFFFFED0];
	[tilespmem:s0+$0xFFFFFF40] =	vst v4;
	v4 =	vmul.f32 v5, v10  }
0x2fd: {  	v5 =	vld [tilespmem:s30+$0xFFFFFF50];
	[tilespmem:s0+$0xFFFFFFC0] =	vst v1;
	v1 =	vmul.f32 v3, v11  }
0x2fe: {  	v3 =	vld [tilespmem:s30+$0xFFFFFFD0];
	[tilespmem:s0+$0x40] =	vst v4;
	v2 =	vmul.f32 v2, v7  }
0x2ff: {  	v4 =	vld [tilespmem:s30+$0x50];
	[tilespmem:s0+$0xC0] =	vst v1  }
0x300: {  	v1 =	vmul.f32 v12, v8;
	v7 =	vld [tilespmem:s30+$0xD0];
	[tilespmem:s0+$0x140] =	vst v2  }
0x301: {  	v2 =	vld [tilespmem:s30+$0x150]  }
0x302: {  	[tilespmem:s0+$0xFFFFFE50] =	vst v1;
	v1 =	vld [tilespmem:s0+$0xFFFFFED0]  }
0x303: {  	v8 =	vld [tilespmem:s0+$0xFFFFFF50]  }
0x304: {  	v9 =	vld [tilespmem:s0+$0xFFFFFFD0]  }
0x305: {  	v10 =	vld [tilespmem:s0+$0x50]  }
0x306: {  	v11 =	vld [tilespmem:s0+$0xD0]  }
0x307: {  	v1 =	vmul.f32 v6, v1;
	v6 =	vld [tilespmem:s0+$0x150]  }
0x308: {  	v12 =	vld [tilespmem:s30+$0xFFFFFE60];
	v5 =	vmul.f32 v5, v8  }
0x309: {  	v8 =	vld [tilespmem:s0+$0xFFFFFE60];
	[tilespmem:s0+$0xFFFFFED0] =	vst v1;
	v1 =	vmul.f32 v3, v9  }
0x30a: {  	v3 =	vld [tilespmem:s30+$0xFFFFFEE0];
	[tilespmem:s0+$0xFFFFFF50] =	vst v5;
	v4 =	vmul.f32 v4, v10  }
0x30b: {  	v5 =	vld [tilespmem:s30+$0xFFFFFF60];
	[tilespmem:s0+$0xFFFFFFD0] =	vst v1;
	v1 =	vmul.f32 v7, v11  }
0x30c: {  	v7 =	vld [tilespmem:s30+$0xFFFFFFE0];
	[tilespmem:s0+$0x50] =	vst v4;
	v2 =	vmul.f32 v2, v6  }
0x30d: {  	v4 =	vld [tilespmem:s30+$0x60];
	[tilespmem:s0+$0xD0] =	vst v1  }
0x30e: {  	v1 =	vmul.f32 v12, v8;
	v6 =	vld [tilespmem:s30+$0xE0];
	[tilespmem:s0+$0x150] =	vst v2  }
0x30f: {  	v2 =	vld [tilespmem:s30+$0x160]  }
0x310: {  	[tilespmem:s0+$0xFFFFFE60] =	vst v1;
	v1 =	vld [tilespmem:s0+$0xFFFFFEE0]  }
0x311: {  	v8 =	vld [tilespmem:s0+$0xFFFFFF60]  }
0x312: {  	v9 =	vld [tilespmem:s0+$0xFFFFFFE0]  }
0x313: {  	v10 =	vld [tilespmem:s0+$0x60]  }
0x314: {  	v11 =	vld [tilespmem:s0+$0xE0]  }
0x315: {  	v1 =	vmul.f32 v3, v1;
	v3 =	vld [tilespmem:s0+$0x160]  }
0x316: {  	v12 =	vld [tilespmem:s30+$0xFFFFFE70];
	v5 =	vmul.f32 v5, v8  }
0x317: {  	v8 =	vld [tilespmem:s0+$0xFFFFFE70];
	[tilespmem:s0+$0xFFFFFEE0] =	vst v1;
	v1 =	vmul.f32 v7, v9  }
0x318: {  	v13 =	vld [tilespmem:s30+$0xFFFFFEF0];
	[tilespmem:s0+$0xFFFFFF60] =	vst v5;
	v5 =	vmul.f32 v4, v10  }
0x319: {  	v7 =	vld [tilespmem:s30+$0xFFFFFF70];
	[tilespmem:s0+$0xFFFFFFE0] =	vst v1;
	v1 =	vmul.f32 v6, v11  }
0x31a: {  	v4 =	vld [tilespmem:s30+$0xFFFFFFF0];
	[tilespmem:s0+$0x60] =	vst v5;
	v2 =	vmul.f32 v2, v3  }
0x31b: {  	v5 =	vld [tilespmem:s30+$0x70];
	[tilespmem:s0+$0xE0] =	vst v1  }
0x31c: {  	v1 =	vmul.f32 v12, v8;
	v6 =	vld [tilespmem:s30+$0xF0];
	[tilespmem:s0+$0x160] =	vst v2  }
0x31d: {  	v3 =	vld [tilespmem:s30+$0x170]  }
0x31e: {  	[tilespmem:s0+$0xFFFFFE70] =	vst v1;
	v2 =	vld [tilespmem:s0+$0xFFFFFEF0]  }
.Ltmp2:
0x31f: {  	v10 =	vld [tilespmem:s0+$0xFFFFFF70];
	(pc) =	sbr.rel @p1 .LBB2_7-.Ltmp2, $4  }
0x320: {  	v9 =	vld [tilespmem:s0+$0xFFFFFFF0]  }
0x321: {  	v8 =	vld [tilespmem:s0+$0x70]  }
0x322: {  	v1 =	vld [tilespmem:s0+$0xF0]  }
0x323: {  	s0 =	sadd.s32 $0x400, s0;
	v11 =	vmul.f32 v13, v2;
	v2 =	vld [tilespmem:s29+$0x170]  }
0x324: {  	v7 =	vmul.f32 v7, v10  }
0x325: {  	[tilespmem:s29+$0xFFFFFEF0] =	vst v11;
	v4 =	vmul.f32 v4, v9  }
0x326: {  	[tilespmem:s29+$0xFFFFFF70] =	vst v7;
	v5 =	vmul.f32 v5, v8  }
0x327: {  	[tilespmem:s29+$0xFFFFFFF0] =	vst v4;
	v1 =	vmul.f32 v6, v1  }
0x328: {  	p1 =	seq.s32 s26, $0x3D;
	[tilespmem:s29+$0x70] =	vst v5;
	v2 =	vmul.f32 v3, v2  }
0x329: {  	s0 =	sadd.s32 @!p1 $0xF0, s28;
	[tilespmem:s29+$0xF0] =	vst v1  }
0x32a: {  	s28 =	sshrl.u32 @!p1 s0, $0x3;
	[tilespmem:s29+$0x170] =	vst v2  }
0x32b: {  	[spmem:s3] =	stream.indirect.scatter.add.f32 [tilespmem:s21], [sflag:$0x6], $0x80, s18, s14, $0xb8;
	[tilespmem:$0x1DA80] =	vst v63  }
0x32c: {  	s30 =	simm.s32 @!p1 $0x0;
	s31 =	simm.s32 @!p1 $0x18980;
	s29 =	sadd.s32 @!p1 s6, s28  }
0x32d: {  	[tilespmem:s31], [sflag:$0x2] =	stream.linear.gather @!p1 [hbm4b:s29+s30], $0x50, $0x38;
	[tilespmem:$0x1DA80] =	vst v63  }
0x32e: {  	s0 =	sshll.u32 @!p1 s0, $0x4;
	s28 =	sadd.s32 @!p1 s7, s28;
	s29 =	simm.s32 @!p1 $0x18A00  }
0x32f: {  	[tilespmem:s29], [sflag:$0x2] =	stream.linear.gather @!p1 [hbm4b:s28+s30], $0x50, $0x38;
	[tilespmem:$0x1DA80] =	vst v63  }
0x330: {  	s0 =	sadd.s32 @!p1 s2, s0;
	s28 =	simm.s32 @!p1 $0x1B280  }
0x331: {  	[tilespmem:s28], [sflag:$0x2] =	stream.linear.gather @!p1 [hbm4b:s0+s30], $0x2800, $0x38;
	[tilespmem:$0x1DA80] =	vst v63  }
0x332: {  	_ =	swait.ge [sflag:s13], $0x50  }
0x333: {  	[sflag:s13] =	ssyncset.done $0x0  }
0x334: {  	[sflag:s13] =	ssyncadd.s32 $0xFFFFFFB0  }
0x335: {  	_ =	swait.ge [sflag:s13], $0x50  }
0x336: {  	[sflag:s13] =	ssyncset.done $0x0  }
0x337: {  	[sflag:s13] =	ssyncadd.s32 $0xFFFFFFB0  }
0x338: {  	s26 =	sadd.s32 $0x1, s26;
	_ =	swait.ge [sflag:s13], $0x2800  }
0x339: {  	p1 =	sne.s32 s26, $0x3E;
	[sflag:s13] =	ssyncset.done $0x0  }
.Ltmp3:
0x33a: {  	[sflag:s13] =	ssyncadd.s32 $0xFFFFD800;
	(pc) =	sbr.rel @p1 .LBB2_4-.Ltmp3, $4  }
0x33b: {  	_ =	swait.ge [sflag:s23], $0x2800  }
0x33c: {  	[sflag:s23] =	ssyncset.done $0x0  }
0x33d: {  	[sflag:s23] =	ssyncadd.s32 $0xFFFFD800  }
0x33e: {  	[tilespmem:s15], [sflag:$0x3] =	stream.indirect.gather [hbm4b:s1+s14], $0x80, s10, s14, $0xb8;
	[tilespmem:$0x1DA80] =	vst v63  }
0x33f: {  	_ =	swait.ge [sflag:s19], $0x2800  }
0x340: {  	[sflag:s19] =	ssyncset.done $0x0  }
0x341: {  	[sflag:s19] =	ssyncadd.s32 $0xFFFFD800  }
0x342: {  	_ =	swait.ge [sflag:s24], $0x2800  }
0x343: {  	[sflag:s24] =	ssyncset.done $0x0  }
0x344: {  	s26 =	simm.s32 $0x13B80;
	[sflag:s24] =	ssyncadd.s32 $0xFFFFD800  }
0x345: {  	s28 =	simm.s32 $0x16380;
	v1 =	vld [tilespmem:s26+$0x180]  }
0x346: {  	v2 =	vld [tilespmem:s28+$0x180]  }
0x347: {  	v3 =	vld [tilespmem:s28+$0xFFFFFE00]  }
0x348: {  	v4 =	vld [tilespmem:s26+$0xFFFFFE80]  }
0x349: {  	v5 =	vld [tilespmem:s28+$0xFFFFFE80]  }
0x34a: {  	v6 =	vld [tilespmem:s26+$0xFFFFFF00]  }
0x34b: {  	v7 =	vld [tilespmem:s28+$0xFFFFFF00]  }
0x34c: {  	v8 =	vld [tilespmem:s28+$0xFFFFFF80]  }
0x34d: {  	v10 =	vld [tilespmem:s26+$0x0]  }
0x34e: {  	v11 =	vld [tilespmem:s28+$0x0]  }
0x34f: {  	v12 =	vld [tilespmem:s26+$0x80]  }
0x350: {  	v13 =	vld [tilespmem:s28+$0x80]  }
0x351: {  	v14 =	vld [tilespmem:s26+$0x100]  }
0x352: {  	v41 =	vld [tilespmem:s26+$0xFFFFFF10]  }
0x353: {  	v42 =	vld [tilespmem:s26+$0xFFFFFF90]  }
0x354: {  	v43 =	vld [tilespmem:s26+$0x10]  }
0x355: {  	v44 =	vld [tilespmem:s26+$0xFFFFFF20]  }
0x356: {  	v45 =	vld [tilespmem:s26+$0xFFFFFFA0]  }
0x357: {  	v46 =	vld [tilespmem:s26+$0x20]  }
0x358: {  	v15 =	vld [tilespmem:s26+$0xA0]  }
0x359: {  	v47 =	vld [tilespmem:s26+$0xFFFFFF30]  }
0x35a: {  	v48 =	vld [tilespmem:s26+$0xFFFFFFB0]  }
0x35b: {  	v49 =	vld [tilespmem:s26+$0x30]  }
0x35c: {  	v51 =	vld [tilespmem:s26+$0xFFFFFFC0]  }
0x35d: {  	v52 =	vld [tilespmem:s26+$0x40];
	v1 =	vmul.f32 v2, v1  }
0x35e: {  	v53 =	vld [tilespmem:s26+$0xC0]  }
0x35f: {  	[tilespmem:s26+$0x180] =	vst v1;
	v1 =	vld [tilespmem:s26+$0x190]  }
0x360: {  	v2 =	vld [tilespmem:s28+$0x190]  }
0x361: {  	v54 =	vld [tilespmem:s26+$0xFFFFFF50]  }
0x362: {  	v55 =	vld [tilespmem:s26+$0xFFFFFFD0]  }
0x363: {  	v56 =	vld [tilespmem:s26+$0xD0]  }
0x364: {  	v57 =	vld [tilespmem:s26+$0xFFFFFE60]  }
0x365: {  	v58 =	vld [tilespmem:s26+$0xFFFFFFE0];
	v1 =	vmul.f32 v2, v1  }
0x366: {  	v59 =	vld [tilespmem:s26+$0x60]  }
0x367: {  	[tilespmem:s26+$0x190] =	vst v1;
	v1 =	vld [tilespmem:s26+$0x1A0]  }
0x368: {  	v9 =	vld [tilespmem:s28+$0x1A0]  }
0x369: {  	v4 =	vmul.f32 v5, v4;
	v5 =	vld [tilespmem:s26+$0xFFFFFE00]  }
0x36a: {  	v60 =	vld [tilespmem:s26+$0xE0]  }
0x36b: {  	v2 =	vld [tilespmem:s26+$0xFFFFFF80]  }
0x36c: {  	v61 =	vld [tilespmem:s26+$0xFFFFFE70]  }
0x36d: {  	v1 =	vmul.f32 v9, v1;
	v9 =	vld [tilespmem:s28+$0x100]  }
0x36e: {  	v63 =	vld [tilespmem:s26+$0xFFFFFEF0];
	[tilespmem:s26+$0xFFFFFE80] =	vst v4;
	v3 =	vmul.f32 v3, v5  }
0x36f: {  	[tilespmem:s26+$0x1A0] =	vst v1;
	v1 =	vmul.f32 v7, v6;
	v6 =	vld [tilespmem:s26+$0x1B0]  }
0x370: {  	[tilespmem:s26+$0xFFFFFE00] =	vst v3;
	v2 =	vmul.f32 v8, v2;
	v4 =	vld [tilespmem:s28+$0x1B0]  }
0x371: {  	v7 =	vld [tilespmem:s28+$0xFFFFFE90];
	[tilespmem:s26+$0xFFFFFF00] =	vst v1;
	v1 =	vmul.f32 v11, v10  }
0x372: {  	[tilespmem:s26+$0xFFFFFF80] =	vst v2;
	v10 =	vld [tilespmem:s26+$0xFFFFFE10];
	v5 =	vmul.f32 v9, v14  }
0x373: {  	v2 =	vmul.f32 v13, v12;
	[tilespmem:s26+$0x0] =	vst v1;
	v1 =	vld [tilespmem:s28+$0xFFFFFF90]  }
0x374: {  	[tilespmem:s26+$0x100] =	vst v5;
	v5 =	vld [tilespmem:s28+$0xFFFFFE10]  }
0x375: {  	[tilespmem:s26+$0x80] =	vst v2;
	v2 =	vld [tilespmem:s28+$0x10];
	v4 =	vmul.f32 v4, v6  }
0x376: {  	v6 =	vld [tilespmem:s28+$0x110]  }
0x377: {  	[tilespmem:s26+$0x1B0] =	vst v4;
	v4 =	vld [tilespmem:s26+$0x1C0]  }
0x378: {  	v9 =	vld [tilespmem:s28+$0x1C0]  }
0x379: {  	v5 =	vmul.f32 v5, v10;
	v10 =	vld [tilespmem:s26+$0x110]  }
0x37a: {  	v3 =	vld [tilespmem:s28+$0x90]  }
0x37b: {  	v11 =	vld [tilespmem:s26+$0xFFFFFE90];
	v1 =	vmul.f32 v1, v42  }
0x37c: {  	v8 =	vld [tilespmem:s28+$0xFFFFFF10];
	v2 =	vmul.f32 v2, v43  }
0x37d: {  	[tilespmem:s26+$0xFFFFFF90] =	vst v1;
	v4 =	vmul.f32 v9, v4;
	v9 =	vld [tilespmem:s26+$0x90]  }
0x37e: {  	[tilespmem:s26+$0x10] =	vst v2;
	v2 =	vmul.f32 v6, v10;
	v6 =	vld [tilespmem:s28+$0xFFFFFFA0]  }
0x37f: {  	v10 =	vld [tilespmem:s26+$0xFFFFFE20]  }
0x380: {  	[tilespmem:s26+$0x1C0] =	vst v4;
	v4 =	vmul.f32 v7, v11;
	v7 =	vld [tilespmem:s26+$0x1D0]  }
0x381: {  	v11 =	vld [tilespmem:s26+$0xFFFFFEA0]  }
0x382: {  	[tilespmem:s26+$0xFFFFFE10] =	vst v5;
	v5 =	vmul.f32 v8, v41;
	v8 =	vld [tilespmem:s28+$0x1D0]  }
0x383: {  	[tilespmem:s26+$0xFFFFFE90] =	vst v4;
	v4 =	vld [tilespmem:s28+$0xFFFFFE20]  }
0x384: {  	[tilespmem:s26+$0xFFFFFF10] =	vst v5;
	v5 =	vld [tilespmem:s28+$0xFFFFFEA0];
	v1 =	vmul.f32 v3, v9  }
0x385: {  	v3 =	vld [tilespmem:s28+$0xFFFFFF20]  }
0x386: {  	v9 =	vld [tilespmem:s28+$0x20];
	[tilespmem:s26+$0x90] =	vst v1  }
0x387: {  	[tilespmem:s26+$0x110] =	vst v2;
	v1 =	vmul.f32 v8, v7;
	v7 =	vld [tilespmem:s28+$0xA0]  }
0x388: {  	v8 =	vld [tilespmem:s28+$0x120]  }
0x389: {  	[tilespmem:s26+$0x1D0] =	vst v1;
	v1 =	vld [tilespmem:s26+$0x1E0];
	v5 =	vmul.f32 v5, v11  }
0x38a: {  	v3 =	vmul.f32 v3, v44;
	v2 =	vld [tilespmem:s28+$0x1E0]  }
0x38b: {  	v11 =	vld [tilespmem:s26+$0xFFFFFEB0];
	[tilespmem:s26+$0xFFFFFEA0] =	vst v5;
	v5 =	vmul.f32 v6, v45  }
0x38c: {  	[tilespmem:s26+$0xFFFFFF20] =	vst v3;
	v3 =	vmul.f32 v9, v46;
	v9 =	vld [tilespmem:s28+$0xFFFFFEB0]  }
0x38d: {  	[tilespmem:s26+$0xFFFFFFA0] =	vst v5;
	v5 =	vmul.f32 v7, v15;
	v7 =	vld [tilespmem:s28+$0xFFFFFF30]  }
0x38e: {  	[tilespmem:s26+$0x20] =	vst v3;
	v3 =	vld [tilespmem:s28+$0xFFFFFFB0]  }
0x38f: {  	v1 =	vmul.f32 v2, v1;
	v2 =	vmul.f32 v4, v10;
	v4 =	vld [tilespmem:s26+$0x120]  }
0x390: {  	[tilespmem:s26+$0xA0] =	vst v5;
	v5 =	vld [tilespmem:s28+$0x30]  }
0x391: {  	[tilespmem:s26+$0x1E0] =	vst v1;
	v1 =	vld [tilespmem:s26+$0x1F0]  }
0x392: {  	v9 =	vmul.f32 v9, v11;
	v11 =	vld [tilespmem:s26+$0x130]  }
0x393: {  	[tilespmem:s26+$0xFFFFFE20] =	vst v2;
	v2 =	vld [tilespmem:s28+$0x1F0]  }
0x394: {  	v6 =	vld [tilespmem:s28+$0xFFFFFE30];
	v4 =	vmul.f32 v8, v4  }
0x395: {  	v8 =	vld [tilespmem:s28+$0xB0]  }
0x396: {  	v7 =	vmul.f32 v7, v47;
	[tilespmem:s26+$0x120] =	vst v4;
	v4 =	vld [tilespmem:s26+$0xFFFFFE30]  }
0x397: {  	[tilespmem:s26+$0xFFFFFEB0] =	vst v9;
	v10 =	vld [tilespmem:s28+$0x130]  }
0x398: {  	v9 =	vld [tilespmem:s28+$0xFFFFFEC0];
	[tilespmem:s26+$0xFFFFFF30] =	vst v7;
	v1 =	vmul.f32 v2, v1  }
0x399: {  	v7 =	vld [tilespmem:s28+$0xFFFFFF40]  }
0x39a: {  	v5 =	vmul.f32 v5, v49;
	[tilespmem:s26+$0x1F0] =	vst v1;
	v1 =	vld [tilespmem:s26+$0xF0]  }
0x39b: {  	v4 =	vmul.f32 v6, v4;
	v6 =	vld [tilespmem:s26+$0xB0]  }
0x39c: {  	[tilespmem:s26+$0x30] =	vst v5;
	v5 =	vmul.f32 v10, v11;
	v11 =	vld [tilespmem:s26+$0xFFFFFF40]  }
0x39d: {  	[tilespmem:s26+$0xFFFFFE30] =	vst v4;
	v4 =	vld [tilespmem:s26+$0xFFFFFE40]  }
0x39e: {  	v50 =	vld [tilespmem:s28+$0xFFFFFE40]  }
0x39f: {  	v3 =	vmul.f32 v3, v48;
	v10 =	vld [tilespmem:s26+$0xFFFFFEC0];
	[tilespmem:s26+$0x130] =	vst v5  }
0x3a0: {  	v5 =	vld [tilespmem:s28+$0x140]  }
0x3a1: {  	[tilespmem:s26+$0xFFFFFFB0] =	vst v3;
	v3 =	vmul.f32 v8, v6;
	v8 =	vld [tilespmem:s28+$0x40]  }
0x3a2: {  	v6 =	vld [tilespmem:s28+$0xFFFFFFC0];
	v7 =	vmul.f32 v7, v11  }
0x3a3: {  	v11 =	vld [tilespmem:s26+$0xFFFFFE50];
	[tilespmem:s26+$0xB0] =	vst v3;
	v4 =	vmul.f32 v50, v4  }
0x3a4: {  	v3 =	vld [tilespmem:s28+$0xC0];
	[tilespmem:s26+$0xFFFFFF40] =	vst v7  }
0x3a5: {  	[tilespmem:s26+$0xFFFFFE40] =	vst v4;
	v4 =	vmul.f32 v9, v10;
	v9 =	vld [tilespmem:s26+$0x140]  }
0x3a6: {  	v7 =	vmul.f32 v8, v52;
	v8 =	vld [tilespmem:s28+$0xFFFFFF50]  }
0x3a7: {  	v10 =	vld [tilespmem:s28+$0xFFFFFE50];
	[tilespmem:s26+$0xFFFFFEC0] =	vst v4;
	v4 =	vmul.f32 v6, v51  }
0x3a8: {  	[tilespmem:s26+$0x40] =	vst v7;
	v6 =	vld [tilespmem:s28+$0xFFFFFED0]  }
0x3a9: {  	v3 =	vmul.f32 v3, v53;
	v7 =	vld [tilespmem:s28+$0x50];
	[tilespmem:s26+$0xFFFFFFC0] =	vst v4  }
0x3aa: {  	v4 =	vld [tilespmem:s28+$0xFFFFFFD0]  }
0x3ab: {  	v5 =	vmul.f32 v5, v9;
	[tilespmem:s26+$0xC0] =	vst v3;
	v9 =	vld [tilespmem:s26+$0xFFFFFED0]  }
0x3ac: {  	v8 =	vmul.f32 v8, v54;
	v3 =	vld [tilespmem:s28+$0xD0]  }
0x3ad: {  	v10 =	vmul.f32 v10, v11;
	v11 =	vld [tilespmem:s26+$0x50];
	[tilespmem:s26+$0x140] =	vst v5  }
0x3ae: {  	[tilespmem:s26+$0xFFFFFF50] =	vst v8;
	v5 =	vld [tilespmem:s28+$0x150]  }
0x3af: {  	[tilespmem:s26+$0xFFFFFE50] =	vst v10;
	v8 =	vld [tilespmem:s28+$0xFFFFFF60]  }
0x3b0: {  	v10 =	vld [tilespmem:s28+$0xFFFFFE60];
	v6 =	vmul.f32 v6, v9  }
0x3b1: {  	v9 =	vld [tilespmem:s26+$0x150];
	v4 =	vmul.f32 v4, v55  }
0x3b2: {  	v7 =	vmul.f32 v7, v11;
	v11 =	vld [tilespmem:s26+$0xFFFFFF60];
	[tilespmem:s26+$0xFFFFFED0] =	vst v6  }
0x3b3: {  	[tilespmem:s26+$0xFFFFFFD0] =	vst v4;
	v6 =	vld [tilespmem:s28+$0xFFFFFEE0]  }
0x3b4: {  	v3 =	vmul.f32 v3, v56;
	v4 =	vld [tilespmem:s28+$0xFFFFFFE0];
	[tilespmem:s26+$0x50] =	vst v7  }
0x3b5: {  	v7 =	vld [tilespmem:s28+$0x60]  }
0x3b6: {  	[tilespmem:s26+$0xD0] =	vst v3;
	v10 =	vmul.f32 v10, v57;
	v5 =	vmul.f32 v5, v9;
	v9 =	vld [tilespmem:s26+$0xFFFFFEE0]  }
0x3b7: {  	v3 =	vld [tilespmem:s28+$0xE0]  }
0x3b8: {  	[tilespmem:s26+$0xFFFFFE60] =	vst v10;
	v10 =	vld [tilespmem:s26+$0xFFFFFF70]  }
0x3b9: {  	v8 =	vmul.f32 v8, v11;
	[tilespmem:s26+$0x150] =	vst v5;
	v11 =	vld [tilespmem:s28+$0xFFFFFE70];
	v4 =	vmul.f32 v4, v58  }
0x3ba: {  	v5 =	vld [tilespmem:s28+$0x160]  }
0x3bb: {  	v6 =	vmul.f32 v6, v9;
	v9 =	vld [tilespmem:s26+$0x160];
	[tilespmem:s26+$0xFFFFFFE0] =	vst v4  }
0x3bc: {  	[tilespmem:s26+$0xFFFFFF60] =	vst v8;
	v3 =	vmul.f32 v3, v60;
	v4 =	vld [tilespmem:s28+$0xFFFFFFF0]  }
0x3bd: {  	[tilespmem:s26+$0xFFFFFEE0] =	vst v6;
	v6 =	vmul.f32 v7, v59;
	v7 =	vld [tilespmem:s28+$0xFFFFFF70]  }
0x3be: {  	[tilespmem:s26+$0xE0] =	vst v3;
	v62 =	vld [tilespmem:s28+$0xFFFFFEF0]  }
0x3bf: {  	[tilespmem:s26+$0x60] =	vst v6;
	v6 =	vld [tilespmem:s28+$0xF0]  }
0x3c0: {  	v8 =	vmul.f32 v5, v9;
	v5 =	vld [tilespmem:s28+$0x70]  }
0x3c1: {  	v2 =	vmul.f32 v11, v61;
	v9 =	vld [tilespmem:s26+$0xFFFFFFF0]  }
0x3c2: {  	[tilespmem:s26+$0x160] =	vst v8;
	v8 =	vld [tilespmem:s26+$0x70]  }
0x3c3: {  	[tilespmem:s26+$0xFFFFFE70] =	vst v2;
	v2 =	vld [tilespmem:s26+$0x170]  }
0x3c4: {  	s29 =	simm.s32 $0x0;
	s0 =	simm.s32 $0x13F80;
	v3 =	vld [tilespmem:s28+$0x170];
	v11 =	vmul.f32 v62, v63  }
.LBB2_10:
0x3c5: {  	v12 =	vld [tilespmem:s0+$0x180];
	v7 =	vmul.f32 v7, v10;
	s28 =	sadd.s32 $0x400, s28  }
0x3c6: {  	s29 =	sadd.s32 $0x8, s29;
	v10 =	vld [tilespmem:s28+$0x180];
	[tilespmem:s26+$0xFFFFFEF0] =	vst v11;
	v4 =	vmul.f32 v4, v9  }
0x3c7: {  	p1 =	slt.u32 s29, $0x48;
	v9 =	vld [tilespmem:s28+$0xFFFFFE00];
	[tilespmem:s26+$0xFFFFFF70] =	vst v7;
	v5 =	vmul.f32 v5, v8  }
0x3c8: {  	v7 =	vld [tilespmem:s0+$0xFFFFFE80];
	[tilespmem:s26+$0xFFFFFFF0] =	vst v4;
	v1 =	vmul.f32 v6, v1  }
0x3c9: {  	v4 =	vld [tilespmem:s28+$0xFFFFFE80];
	[tilespmem:s26+$0x70] =	vst v5;
	v2 =	vmul.f32 v3, v2  }
0x3ca: {  	v3 =	vld [tilespmem:s0+$0xFFFFFF00];
	[tilespmem:s26+$0xF0] =	vst v1  }
0x3cb: {  	v1 =	vld [tilespmem:s28+$0xFFFFFF00];
	v5 =	vmul.f32 v10, v12;
	[tilespmem:s26+$0x170] =	vst v2;
	s26 =	smov.u32 s0  }
0x3cc: {  	v2 =	vld [tilespmem:s0+$0xFFFFFF80]  }
0x3cd: {  	[tilespmem:s0+$0x180] =	vst v5;
	v5 =	vld [tilespmem:s0+$0x190]  }
0x3ce: {  	v4 =	vmul.f32 v4, v7;
	v6 =	vld [tilespmem:s28+$0x190]  }
0x3cf: {  	v7 =	vld [tilespmem:s28+$0xFFFFFF80]  }
0x3d0: {  	[tilespmem:s0+$0xFFFFFE80] =	vst v4;
	v1 =	vmul.f32 v1, v3;
	v3 =	vld [tilespmem:s0+$0x0]  }
0x3d1: {  	v4 =	vld [tilespmem:s28+$0x0]  }
0x3d2: {  	[tilespmem:s0+$0xFFFFFF00] =	vst v1;
	v1 =	vld [tilespmem:s0+$0x80]  }
0x3d3: {  	v8 =	vld [tilespmem:s28+$0x80];
	v5 =	vmul.f32 v6, v5  }
0x3d4: {  	v2 =	vmul.f32 v7, v2;
	v6 =	vld [tilespmem:s0+$0x100]  }
0x3d5: {  	[tilespmem:s0+$0x190] =	vst v5;
	v5 =	vld [tilespmem:s0+$0x1A0]  }
0x3d6: {  	[tilespmem:s0+$0xFFFFFF80] =	vst v2;
	v2 =	vmul.f32 v4, v3;
	v3 =	vld [tilespmem:s28+$0x1A0]  }
0x3d7: {  	v4 =	vld [tilespmem:s28+$0x100]  }
0x3d8: {  	v7 =	vld [tilespmem:s0+$0xFFFFFE00];
	[tilespmem:s0+$0x0] =	vst v2;
	v1 =	vmul.f32 v8, v1  }
0x3d9: {  	v2 =	vld [tilespmem:s28+$0xFFFFFE90]  }
0x3da: {  	v8 =	vld [tilespmem:s28+$0xFFFFFF10];
	[tilespmem:s0+$0x80] =	vst v1  }
0x3db: {  	v1 =	vld [tilespmem:s28+$0xFFFFFF90];
	v3 =	vmul.f32 v3, v5  }
0x3dc: {  	v5 =	vld [tilespmem:s28+$0x10];
	v4 =	vmul.f32 v4, v6  }
0x3dd: {  	v6 =	vmul.f32 v9, v7;
	[tilespmem:s0+$0x1A0] =	vst v3;
	v3 =	vld [tilespmem:s0+$0x1B0]  }
0x3de: {  	[tilespmem:s0+$0x100] =	vst v4;
	v4 =	vld [tilespmem:s28+$0x1B0]  }
0x3df: {  	[tilespmem:s0+$0xFFFFFE00] =	vst v6;
	v6 =	vld [tilespmem:s28+$0x90]  }
0x3e0: {  	v7 =	vld [tilespmem:s28+$0xFFFFFE10]  }
0x3e1: {  	v9 =	vld [tilespmem:s28+$0x110]  }
0x3e2: {  	v10 =	vld [tilespmem:s0+$0xFFFFFE10]  }
0x3e3: {  	v11 =	vld [tilespmem:s0+$0xFFFFFE90];
	v3 =	vmul.f32 v4, v3  }
0x3e4: {  	v4 =	vld [tilespmem:s0+$0xFFFFFF10]  }
0x3e5: {  	[tilespmem:s0+$0x1B0] =	vst v3;
	v3 =	vld [tilespmem:s0+$0x1C0]  }
0x3e6: {  	v12 =	vld [tilespmem:s28+$0x1C0]  }
0x3e7: {  	v7 =	vmul.f32 v7, v10;
	v10 =	vld [tilespmem:s0+$0xFFFFFF90]  }
0x3e8: {  	v2 =	vmul.f32 v2, v11;
	v11 =	vld [tilespmem:s0+$0x10]  }
0x3e9: {  	[tilespmem:s0+$0xFFFFFE10] =	vst v7;
	v4 =	vmul.f32 v8, v4;
	v7 =	vld [tilespmem:s0+$0x90]  }
0x3ea: {  	[tilespmem:s0+$0xFFFFFE90] =	vst v2;
	v2 =	vld [tilespmem:s0+$0x110]  }
0x3eb: {  	v8 =	vld [tilespmem:s28+$0xFFFFFE20];
	[tilespmem:s0+$0xFFFFFF10] =	vst v4;
	v3 =	vmul.f32 v12, v3  }
0x3ec: {  	v4 =	vld [tilespmem:s28+$0xFFFFFEA0];
	v1 =	vmul.f32 v1, v10  }
0x3ed: {  	v5 =	vmul.f32 v5, v11;
	[tilespmem:s0+$0x1C0] =	vst v3;
	v3 =	vld [tilespmem:s0+$0x1D0]  }
0x3ee: {  	[tilespmem:s0+$0xFFFFFF90] =	vst v1;
	v1 =	vmul.f32 v6, v7;
	v6 =	vld [tilespmem:s28+$0x1D0]  }
0x3ef: {  	v7 =	vld [tilespmem:s28+$0xFFFFFF20];
	[tilespmem:s0+$0x10] =	vst v5;
	v2 =	vmul.f32 v9, v2  }
0x3f0: {  	v5 =	vld [tilespmem:s28+$0xFFFFFFA0];
	[tilespmem:s0+$0x90] =	vst v1  }
0x3f1: {  	v1 =	vld [tilespmem:s28+$0x20];
	[tilespmem:s0+$0x110] =	vst v2  }
0x3f2: {  	v2 =	vld [tilespmem:s28+$0xA0]  }
0x3f3: {  	v9 =	vld [tilespmem:s28+$0x120];
	v3 =	vmul.f32 v6, v3  }
0x3f4: {  	v6 =	vld [tilespmem:s0+$0xFFFFFE20]  }
0x3f5: {  	[tilespmem:s0+$0x1D0] =	vst v3;
	v3 =	vld [tilespmem:s0+$0x1E0]  }
0x3f6: {  	v10 =	vld [tilespmem:s28+$0x1E0]  }
0x3f7: {  	v11 =	vld [tilespmem:s0+$0xFFFFFEA0]  }
0x3f8: {  	v12 =	vld [tilespmem:s0+$0xFFFFFF20]  }
0x3f9: {  	v6 =	vmul.f32 v8, v6;
	v8 =	vld [tilespmem:s0+$0xFFFFFFA0]  }
0x3fa: {  	v13 =	vld [tilespmem:s0+$0x20]  }
0x3fb: {  	[tilespmem:s0+$0xFFFFFE20] =	vst v6;
	v6 =	vld [tilespmem:s0+$0xA0];
	v3 =	vmul.f32 v10, v3  }
0x3fc: {  	v4 =	vmul.f32 v4, v11;
	v10 =	vld [tilespmem:s0+$0x120]  }
0x3fd: {  	v7 =	vmul.f32 v7, v12;
	[tilespmem:s0+$0x1E0] =	vst v3;
	v3 =	vld [tilespmem:s0+$0x1F0]  }
0x3fe: {  	[tilespmem:s0+$0xFFFFFEA0] =	vst v4;
	v4 =	vmul.f32 v5, v8;
	v5 =	vld [tilespmem:s28+$0x1F0]  }
0x3ff: {  	v8 =	vld [tilespmem:s28+$0xFFFFFE30];
	[tilespmem:s0+$0xFFFFFF20] =	vst v7;
	v1 =	vmul.f32 v1, v13  }
0x400: {  	v7 =	vld [tilespmem:s28+$0xFFFFFEB0];
	[tilespmem:s0+$0xFFFFFFA0] =	vst v4;
	v2 =	vmul.f32 v2, v6  }
0x401: {  	v4 =	vld [tilespmem:s28+$0xFFFFFF30];
	[tilespmem:s0+$0x20] =	vst v1;
	v1 =	vmul.f32 v9, v10  }
0x402: {  	v6 =	vld [tilespmem:s28+$0xFFFFFFB0];
	[tilespmem:s0+$0xA0] =	vst v2  }
0x403: {  	v2 =	vld [tilespmem:s28+$0x30];
	[tilespmem:s0+$0x120] =	vst v1;
	v1 =	vmul.f32 v5, v3  }
0x404: {  	v3 =	vld [tilespmem:s28+$0xB0]  }
0x405: {  	v5 =	vld [tilespmem:s28+$0x130];
	[tilespmem:s0+$0x1F0] =	vst v1  }
0x406: {  	v1 =	vld [tilespmem:s0+$0xFFFFFE30]  }
0x407: {  	v9 =	vld [tilespmem:s0+$0xFFFFFEB0]  }
0x408: {  	v10 =	vld [tilespmem:s0+$0xFFFFFF30]  }
0x409: {  	v11 =	vld [tilespmem:s0+$0xFFFFFFB0]  }
0x40a: {  	v12 =	vld [tilespmem:s0+$0x30]  }
0x40b: {  	v1 =	vmul.f32 v8, v1;
	v8 =	vld [tilespmem:s0+$0xB0]  }
0x40c: {  	v7 =	vmul.f32 v7, v9;
	v9 =	vld [tilespmem:s0+$0x130]  }
0x40d: {  	[tilespmem:s0+$0xFFFFFE30] =	vst v1;
	v1 =	vld [tilespmem:s0+$0xFFFFFE40];
	v4 =	vmul.f32 v4, v10  }
0x40e: {  	v10 =	vld [tilespmem:s28+$0xFFFFFE40];
	[tilespmem:s0+$0xFFFFFEB0] =	vst v7;
	v6 =	vmul.f32 v6, v11  }
0x40f: {  	v7 =	vld [tilespmem:s28+$0xFFFFFEC0];
	[tilespmem:s0+$0xFFFFFF30] =	vst v4;
	v2 =	vmul.f32 v2, v12  }
0x410: {  	v4 =	vld [tilespmem:s28+$0xFFFFFF40];
	[tilespmem:s0+$0xFFFFFFB0] =	vst v6;
	v3 =	vmul.f32 v3, v8  }
0x411: {  	v6 =	vld [tilespmem:s28+$0xFFFFFFC0];
	[tilespmem:s0+$0x30] =	vst v2;
	v2 =	vmul.f32 v5, v9  }
0x412: {  	v5 =	vld [tilespmem:s28+$0x40];
	[tilespmem:s0+$0xB0] =	vst v3  }
0x413: {  	v1 =	vmul.f32 v10, v1;
	v3 =	vld [tilespmem:s28+$0xC0];
	[tilespmem:s0+$0x130] =	vst v2  }
0x414: {  	v2 =	vld [tilespmem:s28+$0x140]  }
0x415: {  	[tilespmem:s0+$0xFFFFFE40] =	vst v1;
	v1 =	vld [tilespmem:s0+$0xFFFFFEC0]  }
0x416: {  	v8 =	vld [tilespmem:s0+$0xFFFFFF40]  }
0x417: {  	v9 =	vld [tilespmem:s0+$0xFFFFFFC0]  }
0x418: {  	v10 =	vld [tilespmem:s0+$0x40]  }
0x419: {  	v11 =	vld [tilespmem:s0+$0xC0]  }
0x41a: {  	v1 =	vmul.f32 v7, v1;
	v7 =	vld [tilespmem:s0+$0x140]  }
0x41b: {  	v12 =	vld [tilespmem:s28+$0xFFFFFE50];
	v4 =	vmul.f32 v4, v8  }
0x41c: {  	v8 =	vld [tilespmem:s0+$0xFFFFFE50];
	[tilespmem:s0+$0xFFFFFEC0] =	vst v1;
	v1 =	vmul.f32 v6, v9  }
0x41d: {  	v6 =	vld [tilespmem:s28+$0xFFFFFED0];
	[tilespmem:s0+$0xFFFFFF40] =	vst v4;
	v4 =	vmul.f32 v5, v10  }
0x41e: {  	v5 =	vld [tilespmem:s28+$0xFFFFFF50];
	[tilespmem:s0+$0xFFFFFFC0] =	vst v1;
	v1 =	vmul.f32 v3, v11  }
0x41f: {  	v3 =	vld [tilespmem:s28+$0xFFFFFFD0];
	[tilespmem:s0+$0x40] =	vst v4;
	v2 =	vmul.f32 v2, v7  }
0x420: {  	v4 =	vld [tilespmem:s28+$0x50];
	[tilespmem:s0+$0xC0] =	vst v1  }
0x421: {  	v1 =	vmul.f32 v12, v8;
	v7 =	vld [tilespmem:s28+$0xD0];
	[tilespmem:s0+$0x140] =	vst v2  }
0x422: {  	v2 =	vld [tilespmem:s28+$0x150]  }
0x423: {  	[tilespmem:s0+$0xFFFFFE50] =	vst v1;
	v1 =	vld [tilespmem:s0+$0xFFFFFED0]  }
0x424: {  	v8 =	vld [tilespmem:s0+$0xFFFFFF50]  }
0x425: {  	v9 =	vld [tilespmem:s0+$0xFFFFFFD0]  }
0x426: {  	v10 =	vld [tilespmem:s0+$0x50]  }
0x427: {  	v11 =	vld [tilespmem:s0+$0xD0]  }
0x428: {  	v1 =	vmul.f32 v6, v1;
	v6 =	vld [tilespmem:s0+$0x150]  }
0x429: {  	v12 =	vld [tilespmem:s28+$0xFFFFFE60];
	v5 =	vmul.f32 v5, v8  }
0x42a: {  	v8 =	vld [tilespmem:s0+$0xFFFFFE60];
	[tilespmem:s0+$0xFFFFFED0] =	vst v1;
	v1 =	vmul.f32 v3, v9  }
0x42b: {  	v3 =	vld [tilespmem:s28+$0xFFFFFEE0];
	[tilespmem:s0+$0xFFFFFF50] =	vst v5;
	v4 =	vmul.f32 v4, v10  }
0x42c: {  	v5 =	vld [tilespmem:s28+$0xFFFFFF60];
	[tilespmem:s0+$0xFFFFFFD0] =	vst v1;
	v1 =	vmul.f32 v7, v11  }
0x42d: {  	v7 =	vld [tilespmem:s28+$0xFFFFFFE0];
	[tilespmem:s0+$0x50] =	vst v4;
	v2 =	vmul.f32 v2, v6  }
0x42e: {  	v4 =	vld [tilespmem:s28+$0x60];
	[tilespmem:s0+$0xD0] =	vst v1  }
0x42f: {  	v1 =	vmul.f32 v12, v8;
	v6 =	vld [tilespmem:s28+$0xE0];
	[tilespmem:s0+$0x150] =	vst v2  }
0x430: {  	v2 =	vld [tilespmem:s28+$0x160]  }
0x431: {  	[tilespmem:s0+$0xFFFFFE60] =	vst v1;
	v1 =	vld [tilespmem:s0+$0xFFFFFEE0]  }
0x432: {  	v8 =	vld [tilespmem:s0+$0xFFFFFF60]  }
0x433: {  	v9 =	vld [tilespmem:s0+$0xFFFFFFE0]  }
0x434: {  	v10 =	vld [tilespmem:s0+$0x60]  }
0x435: {  	v11 =	vld [tilespmem:s0+$0xE0]  }
0x436: {  	v1 =	vmul.f32 v3, v1;
	v3 =	vld [tilespmem:s0+$0x160]  }
0x437: {  	v12 =	vld [tilespmem:s28+$0xFFFFFE70];
	v5 =	vmul.f32 v5, v8  }
0x438: {  	v8 =	vld [tilespmem:s0+$0xFFFFFE70];
	[tilespmem:s0+$0xFFFFFEE0] =	vst v1;
	v1 =	vmul.f32 v7, v9  }
0x439: {  	v13 =	vld [tilespmem:s28+$0xFFFFFEF0];
	[tilespmem:s0+$0xFFFFFF60] =	vst v5;
	v5 =	vmul.f32 v4, v10  }
0x43a: {  	v7 =	vld [tilespmem:s28+$0xFFFFFF70];
	[tilespmem:s0+$0xFFFFFFE0] =	vst v1;
	v1 =	vmul.f32 v6, v11  }
0x43b: {  	v4 =	vld [tilespmem:s28+$0xFFFFFFF0];
	[tilespmem:s0+$0x60] =	vst v5;
	v2 =	vmul.f32 v2, v3  }
0x43c: {  	v5 =	vld [tilespmem:s28+$0x70];
	[tilespmem:s0+$0xE0] =	vst v1  }
0x43d: {  	v1 =	vmul.f32 v12, v8;
	v6 =	vld [tilespmem:s28+$0xF0];
	[tilespmem:s0+$0x160] =	vst v2  }
0x43e: {  	v3 =	vld [tilespmem:s28+$0x170]  }
0x43f: {  	[tilespmem:s0+$0xFFFFFE70] =	vst v1;
	v2 =	vld [tilespmem:s0+$0xFFFFFEF0]  }
.Ltmp4:
0x440: {  	v10 =	vld [tilespmem:s0+$0xFFFFFF70];
	(pc) =	sbr.rel @p1 .LBB2_10-.Ltmp4, $4  }
0x441: {  	v9 =	vld [tilespmem:s0+$0xFFFFFFF0]  }
0x442: {  	v8 =	vld [tilespmem:s0+$0x70]  }
0x443: {  	v1 =	vld [tilespmem:s0+$0xF0]  }
0x444: {  	s0 =	sadd.s32 $0x400, s0;
	v11 =	vmul.f32 v13, v2;
	v2 =	vld [tilespmem:s26+$0x170]  }
0x445: {  	v7 =	vmul.f32 v7, v10  }
0x446: {  	[tilespmem:s26+$0xFFFFFEF0] =	vst v11;
	v4 =	vmul.f32 v4, v9  }
0x447: {  	[tilespmem:s26+$0xFFFFFF70] =	vst v7;
	v5 =	vmul.f32 v5, v8  }
0x448: {  	[tilespmem:s26+$0xFFFFFFF0] =	vst v4;
	v1 =	vmul.f32 v6, v1  }
0x449: {  	[tilespmem:s26+$0x70] =	vst v5;
	v2 =	vmul.f32 v3, v2  }
0x44a: {  	[tilespmem:s26+$0xF0] =	vst v1  }
0x44b: {  	[tilespmem:s26+$0x170] =	vst v2  }
0x44c: {  	[spmem:s3] =	stream.indirect.scatter.add.f32 [tilespmem:s15], [sflag:$0x5], $0x80, s11, s14, $0xb8;
	[tilespmem:$0x1DA80] =	vst v63  }
0x44d: {  	_ =	swait.ge [sflag:s23], $0x2800  }
0x44e: {  	[sflag:s23] =	ssyncset.done $0x0  }
0x44f: {  	[sflag:s23] =	ssyncadd.s32 $0xFFFFD800  }
0x450: {  	[bflag:$0x0] =	sbarrier.arrive $0xFFFF  }
0x451: {  	s0 =	sshrl.u32 @p0 s16, $0x3;
	s26 =	simm.s32 @p0 $0x1FC7;
	s28 =	rddreg [dreg:$0x11]  }
0x452: {  	[hbm:s28], [sflag:s26] =	dma.local @p0 [spmem:s0], $0x2080  }
0x453: {  	s0 =	simm.s32 @p0 $0x7  }
0x454: {  	s26 =	stileid.u32;
	_ =	swait.ge @p0 [sflag:s0], $0x2080  }
0x455: {  	s26 =	sshll.u32 @!p0 s26, $0x6;
	[sflag:s0] =	ssyncset.done @p0 $0x0;
	s28 =	rddreg [dreg:$0xe]  }
0x456: {  	[sflag:s0] =	ssyncadd.s32 @p0 $0xFFFFDF80;
	s0 =	sor.u32 @!p0 $0x1C07, s26;
	s26 =	sshrl.u32 @!p0 s8, $0x3  }
0x457: {  	[hbm:s28], [sflag:s0] =	dma.local @!p0 [spmem:s26], $0x2780  }
0x458: {  	s0 =	simm.s32 @!p0 $0x7  }
0x459: {  	_ =	swait.ge @!p0 [sflag:s0], $0x2780  }
0x45a: {  	s25 =	sadd.s32 $0x1, s25;
	s31 =	rddreg [dreg:$0x16]  }
0x45b: {  	p1 =	sne.s32 s25, s31  }
.Ltmp5:
0x45c: {  	_ = 	snop;
	(pc) =	sbr.rel @p1 .LBB2_1-.Ltmp5, $3  }
0x45d: {  	_ =	sdelay $0x1  }
0x45e: {  	[sflag:s0] =	ssyncset.done @!p0 $0x0  }
0x45f: {  	[sflag:s0] =	ssyncadd.s32 @!p0 $0xFFFFD880  }
0x460: {  	_ =	sfence.sel $0x180000  }
0x461: {  	[bflag:$0x0] =	sbarrier.arrive $0xFFFF  }
0x462: {  	_ =	strace $0x90000047  }
0x463: {  	s0 =	stileid.u32;
	[bflag:$0x2] =	sbarrier.arrive $0xFFFF  }
0x464: {  	p0 =	sne.s32 s0, $0x0;
	s0 =	rddreg [dreg:$0x4]  }
0x465: {  	s0 =	sadd.s32 @!p0 $0x100000, s0  }
0x466: {  	[sflag:s0] =	ssyncadd.tile.s32 @!p0 $0x1;
	_ =	shalt  }
.Lfunc_end2:
_tile_overlayer_lowered:
.L_overlay_start_2:
0x467: {  	(tag) =	ssettag $0x2  }
0x468: {  	s0 =	rddreg [dreg:$0x0];
	s2 =	stileid.u32  }
0x469: {  	s1 =	rddreg [dreg:$0x1];
	p0 =	sne.s32 s2, $0x0  }
0x46a: {  	s3 =	rddreg [dreg:$0x2];
	[bflag:$0x3] =	sbarrier.arrive $0xFFFF;
	s2 =	simm.s32 @!p0 $0x1C07  }
0x46b: {  	[timem:s3], [sflag:s2] =	dma.local @!p0 [hbm:s0], s1  }
0x46c: {  	s0 =	simm.s32 @!p0 $0x7  }
0x46d: {  	_ =	swait.ge @!p0 [sflag:s0], s1  }
0x46e: {  	s1 =	ssub.s32 @!p0 $0x0, s1;
	[sflag:s0] =	ssyncset.done @!p0 $0x0  }
0x46f: {  	[sflag:s0] =	ssyncadd.s32 @!p0 s1  }
0x470: {  	[bflag:$0x3] =	sbarrier.arrive $0xFFFF  }
0x471: {  	_ =	shalt  }

</sc_bundles>
